<compile_context>
chip_gen: v7x
topology: tpu7x:2x2x1
jax: 0.10.2.dev20260603
libtpu: 0.0.44.dev20260713+nightly
codegen_flags: <defaults>
</compile_context>

<pallas_src>
import functools

import jax
import jax.numpy as jnp
from jax import lax
from jax.experimental import pallas as pl
from jax.experimental.pallas import tpu as pltpu
from jax.experimental.pallas import tpu_sc as plsc

D = 1024
KGRP = 4
N_TOKENS = 8192
NW = 32
CHUNK = 16
NBUF = 4
SLICES = (2048, 2048, 2048, 2048)


def _sc_gather(table, idx, n_rows):
    rows_per_w = n_rows // NW
    nchunk = rows_per_w // CHUNK
    nquad = nchunk // NBUF
    mesh = plsc.VectorSubcoreMesh(core_axis_name="c", subcore_axis_name="s")

    @functools.partial(
        pl.kernel,
        mesh=mesh,
        out_type=jax.ShapeDtypeStruct((n_rows, D), jnp.float32),
        scratch_types=[
            pltpu.VMEM((rows_per_w,), jnp.int32),
        ] + [pltpu.VMEM((CHUNK, D), jnp.float32)] * NBUF
          + [pltpu.SemaphoreType.DMA] * (2 * NBUF),
    )
    def gather_kernel(table_hbm, idx_hbm, out_hbm, idx_v, *scratch):
        bufs = scratch[:NBUF]
        gss = scratch[NBUF:2 * NBUF]
        oss = scratch[2 * NBUF:]
        wid = lax.axis_index("s") * 2 + lax.axis_index("c")
        base = wid * rows_per_w
        pltpu.sync_copy(idx_hbm.at[pl.ds(base, rows_per_w)], idx_v)

        def g_args(c, b):
            return (table_hbm.at[idx_v.at[pl.ds(c * CHUNK, CHUNK)]],
                    bufs[b], gss[b])

        def w_args(c, b):
            return (bufs[b], out_hbm.at[pl.ds(base + c * CHUNK, CHUNK)],
                    oss[b])

        for b in range(NBUF):
            pltpu.async_copy(*g_args(b, b))

        def body(q, carry):
            c0 = q * NBUF
            for b in range(NBUF):
                pltpu.make_async_copy(*g_args(c0 + b, b)).wait()
                pltpu.async_copy(*w_args(c0 + b, b))
            for b in range(NBUF):
                pltpu.make_async_copy(*w_args(c0 + b, b)).wait()
                pltpu.async_copy(*g_args(c0 + NBUF + b, b))
            return carry

        lax.fori_loop(0, nquad - 1, body, 0)

        c0 = (nquad - 1) * NBUF
        for b in range(NBUF):
            pltpu.make_async_copy(*g_args(c0 + b, b)).wait()
            pltpu.async_copy(*w_args(c0 + b, b))
        for b in range(NBUF):
            pltpu.make_async_copy(*w_args(c0 + b, b)).wait()

    return gather_kernel(table, idx)


_TM = 512


def _tc_matmul(planes, w, b2d, n_tok, tok_off, buf):
    tile_off = tok_off // _TM

    def body(*refs):
        a_ref, w_ref, b_ref = refs[0], refs[1], refs[2]
        o_ref = refs[-1]
        acc = jnp.broadcast_to(b_ref[...].astype(jnp.float32), (_TM, D))
        for k in range(KGRP):
            a = a_ref[k].astype(jnp.bfloat16)
            wk = w_ref[:, k * D:(k + 1) * D]
            acc = acc + lax.dot_general(
                a, wk, (((1,), (1,)), ((), ())),
                preferred_element_type=jnp.float32,
            )
        o_ref[...] = acc

    in_specs = [
        pl.BlockSpec((KGRP, _TM, D), lambda i: (0, i, 0)),
        pl.BlockSpec((D, KGRP * D), lambda i: (0, 0)),
        pl.BlockSpec((1, D), lambda i: (0, 0)),
    ]
    args = [planes, w, b2d]
    kwargs = {}
    if buf is not None:
        in_specs.append(pl.BlockSpec(memory_space=pl.ANY))
        args.append(buf)
        kwargs["input_output_aliases"] = {3: 0}

    return pl.pallas_call(
        body,
        grid=(n_tok // _TM,),
        in_specs=in_specs,
        out_specs=pl.BlockSpec((_TM, D), lambda i: (tile_off + i, 0)),
        out_shape=jax.ShapeDtypeStruct((N_TOKENS, D), jnp.float32),
        **kwargs,
    )(*args)


def kernel(x, emb_table, proj_w, proj_b):
    B, L, K = x.shape
    w_bf = proj_w.astype(jnp.bfloat16)
    b2d = proj_b.reshape(1, D)
    x_flat = x.reshape(N_TOKENS, K).astype(jnp.int32)
    buf = None
    tok_off = 0
    for n_tok in SLICES:
        sl = lax.slice_in_dim(x_flat, tok_off, tok_off + n_tok)
        idx = sl.T.reshape(-1)
        flat = _sc_gather(emb_table, idx, n_tok * KGRP)
        planes = flat.reshape(KGRP, n_tok, D)
        buf = _tc_matmul(planes, w_bf, b2d, n_tok, tok_off, buf)
        tok_off += n_tok
    return buf.reshape(B, L, D)

# --- scband reference (transcript-rebuilt; emitter-appended) ---
"""Pipeline reference for scband-embedding-module-45140106280970 (READ-ONLY COPY).

The authoritative reference and input builder live on the scoring server;
editing this copy changes nothing except your own understanding.
"""

import jax, jax.numpy as jnp
import numpy as np

VOCAB = 100000
D_MODEL = 1024
K = 4
B = 4
L = 2048

def setup_inputs(seed: int = 0) -> dict:
    key = jax.random.key(seed)
    k1, k2, k3 = jax.random.split(key, 3)
    x = jax.random.randint(k1, (B, L, K), 0, VOCAB)
    emb_table = jax.random.normal(k2, (VOCAB, D_MODEL), dtype=jnp.float32) * 0.02
    proj_w = jax.random.normal(k3, (D_MODEL, D_MODEL * K), dtype=jnp.float32) * 0.02
    proj_b = jnp.zeros((D_MODEL,), dtype=jnp.float32)
    return {"x": x, "emb_table": emb_table, "proj_w": proj_w, "proj_b": proj_b}

def reference(x, emb_table, proj_w, proj_b):
    # nn.Embedding: gather rows of the table
    e = jnp.take(emb_table, x, axis=0)  # [B, L, K, d_model]
    # x.view(B, L, -1): flatten the k grouped embeddings
    flat = e.reshape(e.shape[0], e.shape[1], -1)  # [B, L, K*d_model]
    # nn.Linear(d_model*k, d_model): flat @ W.T + b
    out = flat @ proj_w.T + proj_b  # [B, L, d_model]
    # pos_enc disabled, conv_dec disabled, dropout p=0.0 (identity in eval)
    return out

if __name__ == "__main__":
    import jax
    _d = setup_inputs()
    print(jax.jit(kernel)(*tuple(_d.values())))

</pallas_src>

<mosaic_0001>
#map = affine_map<(d0, d1) -> (0, 0)>
#map1 = affine_map<(d0, d1) -> (0)>
module attributes {stable_mosaic.version = 14 : i64} {
  func.func @gather_kernel(%arg0: i32, %arg1: i32, %arg2: memref<100000x1024xf32, #tpu.memory_space<hbm>>, %arg3: memref<8192xi32, #tpu.memory_space<hbm>>, %arg4: memref<8192x1024xf32, #tpu.memory_space<hbm>>, %arg5: memref<256xi32, #tpu.memory_space<vmem>>, %arg6: memref<16x1024xf32, #tpu.memory_space<vmem>>, %arg7: memref<16x1024xf32, #tpu.memory_space<vmem>>, %arg8: memref<16x1024xf32, #tpu.memory_space<vmem>>, %arg9: memref<16x1024xf32, #tpu.memory_space<vmem>>, %arg10: memref<!tpu.dma_semaphore, #tpu.memory_space<semaphore_mem>>, %arg11: memref<!tpu.dma_semaphore, #tpu.memory_space<semaphore_mem>>, %arg12: memref<!tpu.dma_semaphore, #tpu.memory_space<semaphore_mem>>, %arg13: memref<!tpu.dma_semaphore, #tpu.memory_space<semaphore_mem>>, %arg14: memref<!tpu.dma_semaphore, #tpu.memory_space<semaphore_mem>>, %arg15: memref<!tpu.dma_semaphore, #tpu.memory_space<semaphore_mem>>, %arg16: memref<!tpu.dma_semaphore, #tpu.memory_space<semaphore_mem>>, %arg17: memref<!tpu.dma_semaphore, #tpu.memory_space<semaphore_mem>>) attributes {dimension_semantics = [#tpu.dimension_semantics<core_parallel>, #tpu.dimension_semantics<subcore_parallel>], iteration_bounds = array<i64: 2, 16>, scalar_prefetch = 0 : i64, scratch_operands = 13 : i64, tpu.core_type = #tpu.core_type<sc_vector_subcore>, window_params = [{transform_indices = #map}, {transform_indices = #map1}, {transform_indices = #map}]} {
    %mul3A = arith.constant 2 : i32
    %mul3A_0 = arith.muli %arg1, %mul3A : i32
    %add3A = arith.addi %mul3A_0, %arg0 : i32
    %mul3A_1 = arith.constant 256 : i32
    %mul3A_2 = arith.muli %add3A, %mul3A_1 : i32
    "tpu.region"() ({
      %run_scoped3A = tpu.sem_alloc : memref<!tpu.dma_semaphore, #tpu.memory_space<semaphore_mem>>
      %dma_start3A_94 = tpu.memref_slice %arg3[%mul3A_2] : memref<8192xi32, #tpu.memory_space<hbm>> -> memref<256xi32, #tpu.memory_space<hbm>>
      %dma_start3A_95 = tpu.memref_slice %arg3[%mul3A_2] : memref<8192xi32, #tpu.memory_space<hbm>> -> memref<256xi32, #tpu.memory_space<hbm>>
      tpu.enqueue_dma source(%dma_start3A_95 : memref<256xi32, #tpu.memory_space<hbm>>) target(%arg5 : memref<256xi32, #tpu.memory_space<vmem>>) target_semaphore(%run_scoped3A : memref<!tpu.dma_semaphore, #tpu.memory_space<semaphore_mem>>)
      %dma_wait3A_96 = tpu.memref_slice %arg3[%mul3A_2] : memref<8192xi32, #tpu.memory_space<hbm>> -> memref<256xi32, #tpu.memory_space<hbm>>
      %dma_wait3A_97 = tpu.memref_slice %arg3[%mul3A_2] : memref<8192xi32, #tpu.memory_space<hbm>> -> memref<256xi32, #tpu.memory_space<hbm>>
      tpu.wait_dma2 semaphore(%run_scoped3A : memref<!tpu.dma_semaphore, #tpu.memory_space<semaphore_mem>>) src(%dma_wait3A_97 : memref<256xi32, #tpu.memory_space<hbm>>) dst(%arg5 : memref<256xi32, #tpu.memory_space<vmem>>)
      tpu.yield
    }) : () -> ()
    %dma_start3A = arith.constant 0 : i32
    %dma_start3A_3 = tpu.memref_slice %arg5[%dma_start3A] : memref<256xi32, #tpu.memory_space<vmem>> -> memref<16xi32, #tpu.memory_space<vmem>>
    %dma_start3A_4 = arith.constant 0 : i32
    %dma_start3A_5 = arith.constant 0 : i32
    %dma_start3A_6 = tpu.memref_slice %arg2[%dma_start3A_4, %dma_start3A_5] : memref<100000x1024xf32, #tpu.memory_space<hbm>> -> memref<100000x1024xf32, #tpu.memory_space<hbm>>
    tpu.enqueue_indirect_dma source(%dma_start3A_6 : memref<100000x1024xf32, #tpu.memory_space<hbm>>) target(%arg6 : memref<16x1024xf32, #tpu.memory_space<vmem>>) offsets(%dma_start3A_3 : memref<16xi32, #tpu.memory_space<vmem>>) semaphore(%arg10 : memref<!tpu.dma_semaphore, #tpu.memory_space<semaphore_mem>>)
    %dma_start3A_7 = arith.constant 16 : i32
    %dma_start3A_8 = tpu.memref_slice %arg5[%dma_start3A_7] : memref<256xi32, #tpu.memory_space<vmem>> -> memref<16xi32, #tpu.memory_space<vmem>>
    %dma_start3A_9 = arith.constant 0 : i32
    %dma_start3A_10 = arith.constant 0 : i32
    %dma_start3A_11 = tpu.memref_slice %arg2[%dma_start3A_9, %dma_start3A_10] : memref<100000x1024xf32, #tpu.memory_space<hbm>> -> memref<100000x1024xf32, #tpu.memory_space<hbm>>
    tpu.enqueue_indirect_dma source(%dma_start3A_11 : memref<100000x1024xf32, #tpu.memory_space<hbm>>) target(%arg7 : memref<16x1024xf32, #tpu.memory_space<vmem>>) offsets(%dma_start3A_8 : memref<16xi32, #tpu.memory_space<vmem>>) semaphore(%arg11 : memref<!tpu.dma_semaphore, #tpu.memory_space<semaphore_mem>>)
    %dma_start3A_12 = arith.constant 32 : i32
    %dma_start3A_13 = tpu.memref_slice %arg5[%dma_start3A_12] : memref<256xi32, #tpu.memory_space<vmem>> -> memref<16xi32, #tpu.memory_space<vmem>>
    %dma_start3A_14 = arith.constant 0 : i32
    %dma_start3A_15 = arith.constant 0 : i32
    %dma_start3A_16 = tpu.memref_slice %arg2[%dma_start3A_14, %dma_start3A_15] : memref<100000x1024xf32, #tpu.memory_space<hbm>> -> memref<100000x1024xf32, #tpu.memory_space<hbm>>
    tpu.enqueue_indirect_dma source(%dma_start3A_16 : memref<100000x1024xf32, #tpu.memory_space<hbm>>) target(%arg8 : memref<16x1024xf32, #tpu.memory_space<vmem>>) offsets(%dma_start3A_13 : memref<16xi32, #tpu.memory_space<vmem>>) semaphore(%arg12 : memref<!tpu.dma_semaphore, #tpu.memory_space<semaphore_mem>>)
    %dma_start3A_17 = arith.constant 48 : i32
    %dma_start3A_18 = tpu.memref_slice %arg5[%dma_start3A_17] : memref<256xi32, #tpu.memory_space<vmem>> -> memref<16xi32, #tpu.memory_space<vmem>>
    %dma_start3A_19 = arith.constant 0 : i32
    %dma_start3A_20 = arith.constant 0 : i32
    %dma_start3A_21 = tpu.memref_slice %arg2[%dma_start3A_19, %dma_start3A_20] : memref<100000x1024xf32, #tpu.memory_space<hbm>> -> memref<100000x1024xf32, #tpu.memory_space<hbm>>
    tpu.enqueue_indirect_dma source(%dma_start3A_21 : memref<100000x1024xf32, #tpu.memory_space<hbm>>) target(%arg9 : memref<16x1024xf32, #tpu.memory_space<vmem>>) offsets(%dma_start3A_18 : memref<16xi32, #tpu.memory_space<vmem>>) semaphore(%arg13 : memref<!tpu.dma_semaphore, #tpu.memory_space<semaphore_mem>>)
    %scan3A = arith.constant 0 : i32
    %scan3A_22 = arith.constant 0 : i32
    %scan3A_23 = arith.constant 3 : i32
    %scan3A_24 = arith.addi %scan3A_22, %scan3A_23 : i32
    %scan3A_25 = arith.constant 1 : i32
    scf.for %scan3A_94 = %scan3A_22 to %scan3A_24 step %scan3A_25  : i32 {
      %mul3A_95 = arith.constant 4 : i32
      %mul3A_96 = arith.muli %scan3A_94, %mul3A_95 : i32
      %add3A_97 = arith.constant 0 : i32
      %add3A_98 = arith.addi %mul3A_96, %add3A_97 : i32
      %mul3A_99 = arith.constant 16 : i32
      %mul3A_100 = arith.muli %add3A_98, %mul3A_99 : i32
      %dma_wait3A_101 = tpu.memref_slice %arg5[%mul3A_100] : memref<256xi32, #tpu.memory_space<vmem>> -> memref<16xi32, #tpu.memory_space<vmem>>
      %dma_wait3A_102 = arith.constant 0 : i32
      %dma_wait3A_103 = arith.constant 0 : i32
      %dma_wait3A_104 = tpu.memref_slice %arg2[%dma_wait3A_102, %dma_wait3A_103] : memref<100000x1024xf32, #tpu.memory_space<hbm>> -> memref<100000x1024xf32, #tpu.memory_space<hbm>>
      tpu.wait_indirect_dma semaphore(%arg10 : memref<!tpu.dma_semaphore, #tpu.memory_space<semaphore_mem>>) src(%dma_wait3A_104 : memref<100000x1024xf32, #tpu.memory_space<hbm>>) dst(%arg6 : memref<16x1024xf32, #tpu.memory_space<vmem>>)
      %add3A_105 = arith.constant 0 : i32
      %add3A_106 = arith.addi %mul3A_96, %add3A_105 : i32
      %mul3A_107 = arith.constant 16 : i32
      %mul3A_108 = arith.muli %add3A_106, %mul3A_107 : i32
      %add3A_109 = arith.addi %mul3A_2, %mul3A_108 : i32
      %dma_start3A_110 = arith.constant 0 : i32
      %dma_start3A_111 = tpu.memref_slice %arg4[%add3A_109, %dma_start3A_110] : memref<8192x1024xf32, #tpu.memory_space<hbm>> -> memref<16x1024xf32, #tpu.memory_space<hbm>>
      %dma_start3A_112 = arith.constant 0 : i32
      %dma_start3A_113 = tpu.memref_slice %arg4[%add3A_109, %dma_start3A_112] : memref<8192x1024xf32, #tpu.memory_space<hbm>> -> memref<16x1024xf32, #tpu.memory_space<hbm>>
      tpu.enqueue_dma source(%arg6 : memref<16x1024xf32, #tpu.memory_space<vmem>>) target(%dma_start3A_113 : memref<16x1024xf32, #tpu.memory_space<hbm>>) target_semaphore(%arg14 : memref<!tpu.dma_semaphore, #tpu.memory_space<semaphore_mem>>)
      %add3A_114 = arith.constant 1 : i32
      %add3A_115 = arith.addi %mul3A_96, %add3A_114 : i32
      %mul3A_116 = arith.constant 16 : i32
      %mul3A_117 = arith.muli %add3A_115, %mul3A_116 : i32
      %dma_wait3A_118 = tpu.memref_slice %arg5[%mul3A_117] : memref<256xi32, #tpu.memory_space<vmem>> -> memref<16xi32, #tpu.memory_space<vmem>>
      %dma_wait3A_119 = arith.constant 0 : i32
      %dma_wait3A_120 = arith.constant 0 : i32
      %dma_wait3A_121 = tpu.memref_slice %arg2[%dma_wait3A_119, %dma_wait3A_120] : memref<100000x1024xf32, #tpu.memory_space<hbm>> -> memref<100000x1024xf32, #tpu.memory_space<hbm>>
      tpu.wait_indirect_dma semaphore(%arg11 : memref<!tpu.dma_semaphore, #tpu.memory_space<semaphore_mem>>) src(%dma_wait3A_121 : memref<100000x1024xf32, #tpu.memory_space<hbm>>) dst(%arg7 : memref<16x1024xf32, #tpu.memory_space<vmem>>)
      %add3A_122 = arith.constant 1 : i32
      %add3A_123 = arith.addi %mul3A_96, %add3A_122 : i32
      %mul3A_124 = arith.constant 16 : i32
      %mul3A_125 = arith.muli %add3A_123, %mul3A_124 : i32
      %add3A_126 = arith.addi %mul3A_2, %mul3A_125 : i32
      %dma_start3A_127 = arith.constant 0 : i32
      %dma_start3A_128 = tpu.memref_slice %arg4[%add3A_126, %dma_start3A_127] : memref<8192x1024xf32, #tpu.memory_space<hbm>> -> memref<16x1024xf32, #tpu.memory_space<hbm>>
      %dma_start3A_129 = arith.constant 0 : i32
      %dma_start3A_130 = tpu.memref_slice %arg4[%add3A_126, %dma_start3A_129] : memref<8192x1024xf32, #tpu.memory_space<hbm>> -> memref<16x1024xf32, #tpu.memory_space<hbm>>
      tpu.enqueue_dma source(%arg7 : memref<16x1024xf32, #tpu.memory_space<vmem>>) target(%dma_start3A_130 : memref<16x1024xf32, #tpu.memory_space<hbm>>) target_semaphore(%arg15 : memref<!tpu.dma_semaphore, #tpu.memory_space<semaphore_mem>>)
      %add3A_131 = arith.constant 2 : i32
      %add3A_132 = arith.addi %mul3A_96, %add3A_131 : i32
      %mul3A_133 = arith.constant 16 : i32
      %mul3A_134 = arith.muli %add3A_132, %mul3A_133 : i32
      %dma_wait3A_135 = tpu.memref_slice %arg5[%mul3A_134] : memref<256xi32, #tpu.memory_space<vmem>> -> memref<16xi32, #tpu.memory_space<vmem>>
      %dma_wait3A_136 = arith.constant 0 : i32
      %dma_wait3A_137 = arith.constant 0 : i32
      %dma_wait3A_138 = tpu.memref_slice %arg2[%dma_wait3A_136, %dma_wait3A_137] : memref<100000x1024xf32, #tpu.memory_space<hbm>> -> memref<100000x1024xf32, #tpu.memory_space<hbm>>
      tpu.wait_indirect_dma semaphore(%arg12 : memref<!tpu.dma_semaphore, #tpu.memory_space<semaphore_mem>>) src(%dma_wait3A_138 : memref<100000x1024xf32, #tpu.memory_space<hbm>>) dst(%arg8 : memref<16x1024xf32, #tpu.memory_space<vmem>>)
      %add3A_139 = arith.constant 2 : i32
      %add3A_140 = arith.addi %mul3A_96, %add3A_139 : i32
      %mul3A_141 = arith.constant 16 : i32
      %mul3A_142 = arith.muli %add3A_140, %mul3A_141 : i32
      %add3A_143 = arith.addi %mul3A_2, %mul3A_142 : i32
      %dma_start3A_144 = arith.constant 0 : i32
      %dma_start3A_145 = tpu.memref_slice %arg4[%add3A_143, %dma_start3A_144] : memref<8192x1024xf32, #tpu.memory_space<hbm>> -> memref<16x1024xf32, #tpu.memory_space<hbm>>
      %dma_start3A_146 = arith.constant 0 : i32
      %dma_start3A_147 = tpu.memref_slice %arg4[%add3A_143, %dma_start3A_146] : memref<8192x1024xf32, #tpu.memory_space<hbm>> -> memref<16x1024xf32, #tpu.memory_space<hbm>>
      tpu.enqueue_dma source(%arg8 : memref<16x1024xf32, #tpu.memory_space<vmem>>) target(%dma_start3A_147 : memref<16x1024xf32, #tpu.memory_space<hbm>>) target_semaphore(%arg16 : memref<!tpu.dma_semaphore, #tpu.memory_space<semaphore_mem>>)
      %add3A_148 = arith.constant 3 : i32
      %add3A_149 = arith.addi %mul3A_96, %add3A_148 : i32
      %mul3A_150 = arith.constant 16 : i32
      %mul3A_151 = arith.muli %add3A_149, %mul3A_150 : i32
      %dma_wait3A_152 = tpu.memref_slice %arg5[%mul3A_151] : memref<256xi32, #tpu.memory_space<vmem>> -> memref<16xi32, #tpu.memory_space<vmem>>
      %dma_wait3A_153 = arith.constant 0 : i32
      %dma_wait3A_154 = arith.constant 0 : i32
      %dma_wait3A_155 = tpu.memref_slice %arg2[%dma_wait3A_153, %dma_wait3A_154] : memref<100000x1024xf32, #tpu.memory_space<hbm>> -> memref<100000x1024xf32, #tpu.memory_space<hbm>>
      tpu.wait_indirect_dma semaphore(%arg13 : memref<!tpu.dma_semaphore, #tpu.memory_space<semaphore_mem>>) src(%dma_wait3A_155 : memref<100000x1024xf32, #tpu.memory_space<hbm>>) dst(%arg9 : memref<16x1024xf32, #tpu.memory_space<vmem>>)
      %add3A_156 = arith.constant 3 : i32
      %add3A_157 = arith.addi %mul3A_96, %add3A_156 : i32
      %mul3A_158 = arith.constant 16 : i32
      %mul3A_159 = arith.muli %add3A_157, %mul3A_158 : i32
      %add3A_160 = arith.addi %mul3A_2, %mul3A_159 : i32
      %dma_start3A_161 = arith.constant 0 : i32
      %dma_start3A_162 = tpu.memref_slice %arg4[%add3A_160, %dma_start3A_161] : memref<8192x1024xf32, #tpu.memory_space<hbm>> -> memref<16x1024xf32, #tpu.memory_space<hbm>>
      %dma_start3A_163 = arith.constant 0 : i32
      %dma_start3A_164 = tpu.memref_slice %arg4[%add3A_160, %dma_start3A_163] : memref<8192x1024xf32, #tpu.memory_space<hbm>> -> memref<16x1024xf32, #tpu.memory_space<hbm>>
      tpu.enqueue_dma source(%arg9 : memref<16x1024xf32, #tpu.memory_space<vmem>>) target(%dma_start3A_164 : memref<16x1024xf32, #tpu.memory_space<hbm>>) target_semaphore(%arg17 : memref<!tpu.dma_semaphore, #tpu.memory_space<semaphore_mem>>)
      %add3A_165 = arith.constant 0 : i32
      %add3A_166 = arith.addi %mul3A_96, %add3A_165 : i32
      %mul3A_167 = arith.constant 16 : i32
      %mul3A_168 = arith.muli %add3A_166, %mul3A_167 : i32
      %add3A_169 = arith.addi %mul3A_2, %mul3A_168 : i32
      %dma_wait3A_170 = arith.constant 0 : i32
      %dma_wait3A_171 = tpu.memref_slice %arg4[%add3A_169, %dma_wait3A_170] : memref<8192x1024xf32, #tpu.memory_space<hbm>> -> memref<16x1024xf32, #tpu.memory_space<hbm>>
      %dma_wait3A_172 = arith.constant 0 : i32
      %dma_wait3A_173 = tpu.memref_slice %arg4[%add3A_169, %dma_wait3A_172] : memref<8192x1024xf32, #tpu.memory_space<hbm>> -> memref<16x1024xf32, #tpu.memory_space<hbm>>
      tpu.wait_dma2 semaphore(%arg14 : memref<!tpu.dma_semaphore, #tpu.memory_space<semaphore_mem>>) src(%arg6 : memref<16x1024xf32, #tpu.memory_space<vmem>>) dst(%dma_wait3A_173 : memref<16x1024xf32, #tpu.memory_space<hbm>>)
      %add3A_174 = arith.constant 4 : i32
      %add3A_175 = arith.addi %mul3A_96, %add3A_174 : i32
      %add3A_176 = arith.constant 0 : i32
      %add3A_177 = arith.addi %add3A_175, %add3A_176 : i32
      %mul3A_178 = arith.constant 16 : i32
      %mul3A_179 = arith.muli %add3A_177, %mul3A_178 : i32
      %dma_start3A_180 = tpu.memref_slice %arg5[%mul3A_179] : memref<256xi32, #tpu.memory_space<vmem>> -> memref<16xi32, #tpu.memory_space<vmem>>
      %dma_start3A_181 = arith.constant 0 : i32
      %dma_start3A_182 = arith.constant 0 : i32
      %dma_start3A_183 = tpu.memref_slice %arg2[%dma_start3A_181, %dma_start3A_182] : memref<100000x1024xf32, #tpu.memory_space<hbm>> -> memref<100000x1024xf32, #tpu.memory_space<hbm>>
      tpu.enqueue_indirect_dma source(%dma_start3A_183 : memref<100000x1024xf32, #tpu.memory_space<hbm>>) target(%arg6 : memref<16x1024xf32, #tpu.memory_space<vmem>>) offsets(%dma_start3A_180 : memref<16xi32, #tpu.memory_space<vmem>>) semaphore(%arg10 : memref<!tpu.dma_semaphore, #tpu.memory_space<semaphore_mem>>)
      %add3A_184 = arith.constant 1 : i32
      %add3A_185 = arith.addi %mul3A_96, %add3A_184 : i32
      %mul3A_186 = arith.constant 16 : i32
      %mul3A_187 = arith.muli %add3A_185, %mul3A_186 : i32
      %add3A_188 = arith.addi %mul3A_2, %mul3A_187 : i32
      %dma_wait3A_189 = arith.constant 0 : i32
      %dma_wait3A_190 = tpu.memref_slice %arg4[%add3A_188, %dma_wait3A_189] : memref<8192x1024xf32, #tpu.memory_space<hbm>> -> memref<16x1024xf32, #tpu.memory_space<hbm>>
      %dma_wait3A_191 = arith.constant 0 : i32
      %dma_wait3A_192 = tpu.memref_slice %arg4[%add3A_188, %dma_wait3A_191] : memref<8192x1024xf32, #tpu.memory_space<hbm>> -> memref<16x1024xf32, #tpu.memory_space<hbm>>
      tpu.wait_dma2 semaphore(%arg15 : memref<!tpu.dma_semaphore, #tpu.memory_space<semaphore_mem>>) src(%arg7 : memref<16x1024xf32, #tpu.memory_space<vmem>>) dst(%dma_wait3A_192 : memref<16x1024xf32, #tpu.memory_space<hbm>>)
      %add3A_193 = arith.constant 4 : i32
      %add3A_194 = arith.addi %mul3A_96, %add3A_193 : i32
      %add3A_195 = arith.constant 1 : i32
      %add3A_196 = arith.addi %add3A_194, %add3A_195 : i32
      %mul3A_197 = arith.constant 16 : i32
      %mul3A_198 = arith.muli %add3A_196, %mul3A_197 : i32
      %dma_start3A_199 = tpu.memref_slice %arg5[%mul3A_198] : memref<256xi32, #tpu.memory_space<vmem>> -> memref<16xi32, #tpu.memory_space<vmem>>
      %dma_start3A_200 = arith.constant 0 : i32
      %dma_start3A_201 = arith.constant 0 : i32
      %dma_start3A_202 = tpu.memref_slice %arg2[%dma_start3A_200, %dma_start3A_201] : memref<100000x1024xf32, #tpu.memory_space<hbm>> -> memref<100000x1024xf32, #tpu.memory_space<hbm>>
      tpu.enqueue_indirect_dma source(%dma_start3A_202 : memref<100000x1024xf32, #tpu.memory_space<hbm>>) target(%arg7 : memref<16x1024xf32, #tpu.memory_space<vmem>>) offsets(%dma_start3A_199 : memref<16xi32, #tpu.memory_space<vmem>>) semaphore(%arg11 : memref<!tpu.dma_semaphore, #tpu.memory_space<semaphore_mem>>)
      %add3A_203 = arith.constant 2 : i32
      %add3A_204 = arith.addi %mul3A_96, %add3A_203 : i32
      %mul3A_205 = arith.constant 16 : i32
      %mul3A_206 = arith.muli %add3A_204, %mul3A_205 : i32
      %add3A_207 = arith.addi %mul3A_2, %mul3A_206 : i32
      %dma_wait3A_208 = arith.constant 0 : i32
      %dma_wait3A_209 = tpu.memref_slice %arg4[%add3A_207, %dma_wait3A_208] : memref<8192x1024xf32, #tpu.memory_space<hbm>> -> memref<16x1024xf32, #tpu.memory_space<hbm>>
      %dma_wait3A_210 = arith.constant 0 : i32
      %dma_wait3A_211 = tpu.memref_slice %arg4[%add3A_207, %dma_wait3A_210] : memref<8192x1024xf32, #tpu.memory_space<hbm>> -> memref<16x1024xf32, #tpu.memory_space<hbm>>
      tpu.wait_dma2 semaphore(%arg16 : memref<!tpu.dma_semaphore, #tpu.memory_space<semaphore_mem>>) src(%arg8 : memref<16x1024xf32, #tpu.memory_space<vmem>>) dst(%dma_wait3A_211 : memref<16x1024xf32, #tpu.memory_space<hbm>>)
      %add3A_212 = arith.constant 4 : i32
      %add3A_213 = arith.addi %mul3A_96, %add3A_212 : i32
      %add3A_214 = arith.constant 2 : i32
      %add3A_215 = arith.addi %add3A_213, %add3A_214 : i32
      %mul3A_216 = arith.constant 16 : i32
      %mul3A_217 = arith.muli %add3A_215, %mul3A_216 : i32
      %dma_start3A_218 = tpu.memref_slice %arg5[%mul3A_217] : memref<256xi32, #tpu.memory_space<vmem>> -> memref<16xi32, #tpu.memory_space<vmem>>
      %dma_start3A_219 = arith.constant 0 : i32
      %dma_start3A_220 = arith.constant 0 : i32
      %dma_start3A_221 = tpu.memref_slice %arg2[%dma_start3A_219, %dma_start3A_220] : memref<100000x1024xf32, #tpu.memory_space<hbm>> -> memref<100000x1024xf32, #tpu.memory_space<hbm>>
      tpu.enqueue_indirect_dma source(%dma_start3A_221 : memref<100000x1024xf32, #tpu.memory_space<hbm>>) target(%arg8 : memref<16x1024xf32, #tpu.memory_space<vmem>>) offsets(%dma_start3A_218 : memref<16xi32, #tpu.memory_space<vmem>>) semaphore(%arg12 : memref<!tpu.dma_semaphore, #tpu.memory_space<semaphore_mem>>)
      %add3A_222 = arith.constant 3 : i32
      %add3A_223 = arith.addi %mul3A_96, %add3A_222 : i32
      %mul3A_224 = arith.constant 16 : i32
      %mul3A_225 = arith.muli %add3A_223, %mul3A_224 : i32
      %add3A_226 = arith.addi %mul3A_2, %mul3A_225 : i32
      %dma_wait3A_227 = arith.constant 0 : i32
      %dma_wait3A_228 = tpu.memref_slice %arg4[%add3A_226, %dma_wait3A_227] : memref<8192x1024xf32, #tpu.memory_space<hbm>> -> memref<16x1024xf32, #tpu.memory_space<hbm>>
      %dma_wait3A_229 = arith.constant 0 : i32
      %dma_wait3A_230 = tpu.memref_slice %arg4[%add3A_226, %dma_wait3A_229] : memref<8192x1024xf32, #tpu.memory_space<hbm>> -> memref<16x1024xf32, #tpu.memory_space<hbm>>
      tpu.wait_dma2 semaphore(%arg17 : memref<!tpu.dma_semaphore, #tpu.memory_space<semaphore_mem>>) src(%arg9 : memref<16x1024xf32, #tpu.memory_space<vmem>>) dst(%dma_wait3A_230 : memref<16x1024xf32, #tpu.memory_space<hbm>>)
      %add3A_231 = arith.constant 4 : i32
      %add3A_232 = arith.addi %mul3A_96, %add3A_231 : i32
      %add3A_233 = arith.constant 3 : i32
      %add3A_234 = arith.addi %add3A_232, %add3A_233 : i32
      %mul3A_235 = arith.constant 16 : i32
      %mul3A_236 = arith.muli %add3A_234, %mul3A_235 : i32
      %dma_start3A_237 = tpu.memref_slice %arg5[%mul3A_236] : memref<256xi32, #tpu.memory_space<vmem>> -> memref<16xi32, #tpu.memory_space<vmem>>
      %dma_start3A_238 = arith.constant 0 : i32
      %dma_start3A_239 = arith.constant 0 : i32
      %dma_start3A_240 = tpu.memref_slice %arg2[%dma_start3A_238, %dma_start3A_239] : memref<100000x1024xf32, #tpu.memory_space<hbm>> -> memref<100000x1024xf32, #tpu.memory_space<hbm>>
      tpu.enqueue_indirect_dma source(%dma_start3A_240 : memref<100000x1024xf32, #tpu.memory_space<hbm>>) target(%arg9 : memref<16x1024xf32, #tpu.memory_space<vmem>>) offsets(%dma_start3A_237 : memref<16xi32, #tpu.memory_space<vmem>>) semaphore(%arg13 : memref<!tpu.dma_semaphore, #tpu.memory_space<semaphore_mem>>)
    }
    %scan3A_26 = arith.constant 3 : i32
    %dma_wait3A = arith.constant 192 : i32
    %dma_wait3A_27 = tpu.memref_slice %arg5[%dma_wait3A] : memref<256xi32, #tpu.memory_space<vmem>> -> memref<16xi32, #tpu.memory_space<vmem>>
    %dma_wait3A_28 = arith.constant 0 : i32
    %dma_wait3A_29 = arith.constant 0 : i32
    %dma_wait3A_30 = tpu.memref_slice %arg2[%dma_wait3A_28, %dma_wait3A_29] : memref<100000x1024xf32, #tpu.memory_space<hbm>> -> memref<100000x1024xf32, #tpu.memory_space<hbm>>
    tpu.wait_indirect_dma semaphore(%arg10 : memref<!tpu.dma_semaphore, #tpu.memory_space<semaphore_mem>>) src(%dma_wait3A_30 : memref<100000x1024xf32, #tpu.memory_space<hbm>>) dst(%arg6 : memref<16x1024xf32, #tpu.memory_space<vmem>>)
    %add3A_31 = arith.constant 192 : i32
    %add3A_32 = arith.addi %mul3A_2, %add3A_31 : i32
    %dma_start3A_33 = arith.constant 0 : i32
    %dma_start3A_34 = tpu.memref_slice %arg4[%add3A_32, %dma_start3A_33] : memref<8192x1024xf32, #tpu.memory_space<hbm>> -> memref<16x1024xf32, #tpu.memory_space<hbm>>
    %dma_start3A_35 = arith.constant 0 : i32
    %dma_start3A_36 = tpu.memref_slice %arg4[%add3A_32, %dma_start3A_35] : memref<8192x1024xf32, #tpu.memory_space<hbm>> -> memref<16x1024xf32, #tpu.memory_space<hbm>>
    tpu.enqueue_dma source(%arg6 : memref<16x1024xf32, #tpu.memory_space<vmem>>) target(%dma_start3A_36 : memref<16x1024xf32, #tpu.memory_space<hbm>>) target_semaphore(%arg14 : memref<!tpu.dma_semaphore, #tpu.memory_space<semaphore_mem>>)
    %dma_wait3A_37 = arith.constant 208 : i32
    %dma_wait3A_38 = tpu.memref_slice %arg5[%dma_wait3A_37] : memref<256xi32, #tpu.memory_space<vmem>> -> memref<16xi32, #tpu.memory_space<vmem>>
    %dma_wait3A_39 = arith.constant 0 : i32
    %dma_wait3A_40 = arith.constant 0 : i32
    %dma_wait3A_41 = tpu.memref_slice %arg2[%dma_wait3A_39, %dma_wait3A_40] : memref<100000x1024xf32, #tpu.memory_space<hbm>> -> memref<100000x1024xf32, #tpu.memory_space<hbm>>
    tpu.wait_indirect_dma semaphore(%arg11 : memref<!tpu.dma_semaphore, #tpu.memory_space<semaphore_mem>>) src(%dma_wait3A_41 : memref<100000x1024xf32, #tpu.memory_space<hbm>>) dst(%arg7 : memref<16x1024xf32, #tpu.memory_space<vmem>>)
    %add3A_42 = arith.constant 208 : i32
    %add3A_43 = arith.addi %mul3A_2, %add3A_42 : i32
    %dma_start3A_44 = arith.constant 0 : i32
    %dma_start3A_45 = tpu.memref_slice %arg4[%add3A_43, %dma_start3A_44] : memref<8192x1024xf32, #tpu.memory_space<hbm>> -> memref<16x1024xf32, #tpu.memory_space<hbm>>
    %dma_start3A_46 = arith.constant 0 : i32
    %dma_start3A_47 = tpu.memref_slice %arg4[%add3A_43, %dma_start3A_46] : memref<8192x1024xf32, #tpu.memory_space<hbm>> -> memref<16x1024xf32, #tpu.memory_space<hbm>>
    tpu.enqueue_dma source(%arg7 : memref<16x1024xf32, #tpu.memory_space<vmem>>) target(%dma_start3A_47 : memref<16x1024xf32, #tpu.memory_space<hbm>>) target_semaphore(%arg15 : memref<!tpu.dma_semaphore, #tpu.memory_space<semaphore_mem>>)
    %dma_wait3A_48 = arith.constant 224 : i32
    %dma_wait3A_49 = tpu.memref_slice %arg5[%dma_wait3A_48] : memref<256xi32, #tpu.memory_space<vmem>> -> memref<16xi32, #tpu.memory_space<vmem>>
    %dma_wait3A_50 = arith.constant 0 : i32
    %dma_wait3A_51 = arith.constant 0 : i32
    %dma_wait3A_52 = tpu.memref_slice %arg2[%dma_wait3A_50, %dma_wait3A_51] : memref<100000x1024xf32, #tpu.memory_space<hbm>> -> memref<100000x1024xf32, #tpu.memory_space<hbm>>
    tpu.wait_indirect_dma semaphore(%arg12 : memref<!tpu.dma_semaphore, #tpu.memory_space<semaphore_mem>>) src(%dma_wait3A_52 : memref<100000x1024xf32, #tpu.memory_space<hbm>>) dst(%arg8 : memref<16x1024xf32, #tpu.memory_space<vmem>>)
    %add3A_53 = arith.constant 224 : i32
    %add3A_54 = arith.addi %mul3A_2, %add3A_53 : i32
    %dma_start3A_55 = arith.constant 0 : i32
    %dma_start3A_56 = tpu.memref_slice %arg4[%add3A_54, %dma_start3A_55] : memref<8192x1024xf32, #tpu.memory_space<hbm>> -> memref<16x1024xf32, #tpu.memory_space<hbm>>
    %dma_start3A_57 = arith.constant 0 : i32
    %dma_start3A_58 = tpu.memref_slice %arg4[%add3A_54, %dma_start3A_57] : memref<8192x1024xf32, #tpu.memory_space<hbm>> -> memref<16x1024xf32, #tpu.memory_space<hbm>>
    tpu.enqueue_dma source(%arg8 : memref<16x1024xf32, #tpu.memory_space<vmem>>) target(%dma_start3A_58 : memref<16x1024xf32, #tpu.memory_space<hbm>>) target_semaphore(%arg16 : memref<!tpu.dma_semaphore, #tpu.memory_space<semaphore_mem>>)
    %dma_wait3A_59 = arith.constant 240 : i32
    %dma_wait3A_60 = tpu.memref_slice %arg5[%dma_wait3A_59] : memref<256xi32, #tpu.memory_space<vmem>> -> memref<16xi32, #tpu.memory_space<vmem>>
    %dma_wait3A_61 = arith.constant 0 : i32
    %dma_wait3A_62 = arith.constant 0 : i32
    %dma_wait3A_63 = tpu.memref_slice %arg2[%dma_wait3A_61, %dma_wait3A_62] : memref<100000x1024xf32, #tpu.memory_space<hbm>> -> memref<100000x1024xf32, #tpu.memory_space<hbm>>
    tpu.wait_indirect_dma semaphore(%arg13 : memref<!tpu.dma_semaphore, #tpu.memory_space<semaphore_mem>>) src(%dma_wait3A_63 : memref<100000x1024xf32, #tpu.memory_space<hbm>>) dst(%arg9 : memref<16x1024xf32, #tpu.memory_space<vmem>>)
    %add3A_64 = arith.constant 240 : i32
    %add3A_65 = arith.addi %mul3A_2, %add3A_64 : i32
    %dma_start3A_66 = arith.constant 0 : i32
    %dma_start3A_67 = tpu.memref_slice %arg4[%add3A_65, %dma_start3A_66] : memref<8192x1024xf32, #tpu.memory_space<hbm>> -> memref<16x1024xf32, #tpu.memory_space<hbm>>
    %dma_start3A_68 = arith.constant 0 : i32
    %dma_start3A_69 = tpu.memref_slice %arg4[%add3A_65, %dma_start3A_68] : memref<8192x1024xf32, #tpu.memory_space<hbm>> -> memref<16x1024xf32, #tpu.memory_space<hbm>>
    tpu.enqueue_dma source(%arg9 : memref<16x1024xf32, #tpu.memory_space<vmem>>) target(%dma_start3A_69 : memref<16x1024xf32, #tpu.memory_space<hbm>>) target_semaphore(%arg17 : memref<!tpu.dma_semaphore, #tpu.memory_space<semaphore_mem>>)
    %add3A_70 = arith.constant 192 : i32
    %add3A_71 = arith.addi %mul3A_2, %add3A_70 : i32
    %dma_wait3A_72 = arith.constant 0 : i32
    %dma_wait3A_73 = tpu.memref_slice %arg4[%add3A_71, %dma_wait3A_72] : memref<8192x1024xf32, #tpu.memory_space<hbm>> -> memref<16x1024xf32, #tpu.memory_space<hbm>>
    %dma_wait3A_74 = arith.constant 0 : i32
    %dma_wait3A_75 = tpu.memref_slice %arg4[%add3A_71, %dma_wait3A_74] : memref<8192x1024xf32, #tpu.memory_space<hbm>> -> memref<16x1024xf32, #tpu.memory_space<hbm>>
    tpu.wait_dma2 semaphore(%arg14 : memref<!tpu.dma_semaphore, #tpu.memory_space<semaphore_mem>>) src(%arg6 : memref<16x1024xf32, #tpu.memory_space<vmem>>) dst(%dma_wait3A_75 : memref<16x1024xf32, #tpu.memory_space<hbm>>)
    %add3A_76 = arith.constant 208 : i32
    %add3A_77 = arith.addi %mul3A_2, %add3A_76 : i32
    %dma_wait3A_78 = arith.constant 0 : i32
    %dma_wait3A_79 = tpu.memref_slice %arg4[%add3A_77, %dma_wait3A_78] : memref<8192x1024xf32, #tpu.memory_space<hbm>> -> memref<16x1024xf32, #tpu.memory_space<hbm>>
    %dma_wait3A_80 = arith.constant 0 : i32
    %dma_wait3A_81 = tpu.memref_slice %arg4[%add3A_77, %dma_wait3A_80] : memref<8192x1024xf32, #tpu.memory_space<hbm>> -> memref<16x1024xf32, #tpu.memory_space<hbm>>
    tpu.wait_dma2 semaphore(%arg15 : memref<!tpu.dma_semaphore, #tpu.memory_space<semaphore_mem>>) src(%arg7 : memref<16x1024xf32, #tpu.memory_space<vmem>>) dst(%dma_wait3A_81 : memref<16x1024xf32, #tpu.memory_space<hbm>>)
    %add3A_82 = arith.constant 224 : i32
    %add3A_83 = arith.addi %mul3A_2, %add3A_82 : i32
    %dma_wait3A_84 = arith.constant 0 : i32
    %dma_wait3A_85 = tpu.memref_slice %arg4[%add3A_83, %dma_wait3A_84] : memref<8192x1024xf32, #tpu.memory_space<hbm>> -> memref<16x1024xf32, #tpu.memory_space<hbm>>
    %dma_wait3A_86 = arith.constant 0 : i32
    %dma_wait3A_87 = tpu.memref_slice %arg4[%add3A_83, %dma_wait3A_86] : memref<8192x1024xf32, #tpu.memory_space<hbm>> -> memref<16x1024xf32, #tpu.memory_space<hbm>>
    tpu.wait_dma2 semaphore(%arg16 : memref<!tpu.dma_semaphore, #tpu.memory_space<semaphore_mem>>) src(%arg8 : memref<16x1024xf32, #tpu.memory_space<vmem>>) dst(%dma_wait3A_87 : memref<16x1024xf32, #tpu.memory_space<hbm>>)
    %add3A_88 = arith.constant 240 : i32
    %add3A_89 = arith.addi %mul3A_2, %add3A_88 : i32
    %dma_wait3A_90 = arith.constant 0 : i32
    %dma_wait3A_91 = tpu.memref_slice %arg4[%add3A_89, %dma_wait3A_90] : memref<8192x1024xf32, #tpu.memory_space<hbm>> -> memref<16x1024xf32, #tpu.memory_space<hbm>>
    %dma_wait3A_92 = arith.constant 0 : i32
    %dma_wait3A_93 = tpu.memref_slice %arg4[%add3A_89, %dma_wait3A_92] : memref<8192x1024xf32, #tpu.memory_space<hbm>> -> memref<16x1024xf32, #tpu.memory_space<hbm>>
    tpu.wait_dma2 semaphore(%arg17 : memref<!tpu.dma_semaphore, #tpu.memory_space<semaphore_mem>>) src(%arg9 : memref<16x1024xf32, #tpu.memory_space<vmem>>) dst(%dma_wait3A_93 : memref<16x1024xf32, #tpu.memory_space<hbm>>)
    return
  }
}

#map = affine_map<(d0, d1) -> (0, 0)>
#map1 = affine_map<(d0, d1) -> (0)>
module attributes {stable_mosaic.version = 14 : i64} {
  func.func @gather_kernel(%arg0: i32, %arg1: i32, %arg2: memref<100000x1024xf32, #tpu.memory_space<hbm>>, %arg3: memref<8192xi32, #tpu.memory_space<hbm>>, %arg4: memref<8192x1024xf32, #tpu.memory_space<hbm>>, %arg5: memref<256xi32, #tpu.memory_space<vmem>>, %arg6: memref<16x1024xf32, #tpu.memory_space<vmem>>, %arg7: memref<16x1024xf32, #tpu.memory_space<vmem>>, %arg8: memref<16x1024xf32, #tpu.memory_space<vmem>>, %arg9: memref<16x1024xf32, #tpu.memory_space<vmem>>, %arg10: memref<!tpu.dma_semaphore, #tpu.memory_space<semaphore_mem>>, %arg11: memref<!tpu.dma_semaphore, #tpu.memory_space<semaphore_mem>>, %arg12: memref<!tpu.dma_semaphore, #tpu.memory_space<semaphore_mem>>, %arg13: memref<!tpu.dma_semaphore, #tpu.memory_space<semaphore_mem>>, %arg14: memref<!tpu.dma_semaphore, #tpu.memory_space<semaphore_mem>>, %arg15: memref<!tpu.dma_semaphore, #tpu.memory_space<semaphore_mem>>, %arg16: memref<!tpu.dma_semaphore, #tpu.memory_space<semaphore_mem>>, %arg17: memref<!tpu.dma_semaphore, #tpu.memory_space<semaphore_mem>>) attributes {dimension_semantics = [#tpu.dimension_semantics<core_parallel>, #tpu.dimension_semantics<subcore_parallel>], iteration_bounds = array<i64: 2, 16>, scalar_prefetch = 0 : i64, scratch_operands = 13 : i64, tpu.core_type = #tpu.core_type<sc_vector_subcore>, window_params = [{transform_indices = #map}, {transform_indices = #map1}, {transform_indices = #map}]} {
    %mul3A = arith.constant 2 : i32
    %mul3A_0 = arith.muli %arg1, %mul3A : i32
    %add3A = arith.addi %mul3A_0, %arg0 : i32
    %mul3A_1 = arith.constant 256 : i32
    %mul3A_2 = arith.muli %add3A, %mul3A_1 : i32
    "tpu.region"() ({
      %run_scoped3A = tpu.sem_alloc : memref<!tpu.dma_semaphore, #tpu.memory_space<semaphore_mem>>
      %dma_start3A_94 = tpu.memref_slice %arg3[%mul3A_2] : memref<8192xi32, #tpu.memory_space<hbm>> -> memref<256xi32, #tpu.memory_space<hbm>>
      %dma_start3A_95 = tpu.memref_slice %arg3[%mul3A_2] : memref<8192xi32, #tpu.memory_space<hbm>> -> memref<256xi32, #tpu.memory_space<hbm>>
      tpu.enqueue_dma source(%dma_start3A_95 : memref<256xi32, #tpu.memory_space<hbm>>) target(%arg5 : memref<256xi32, #tpu.memory_space<vmem>>) target_semaphore(%run_scoped3A : memref<!tpu.dma_semaphore, #tpu.memory_space<semaphore_mem>>)
      %dma_wait3A_96 = tpu.memref_slice %arg3[%mul3A_2] : memref<8192xi32, #tpu.memory_space<hbm>> -> memref<256xi32, #tpu.memory_space<hbm>>
      %dma_wait3A_97 = tpu.memref_slice %arg3[%mul3A_2] : memref<8192xi32, #tpu.memory_space<hbm>> -> memref<256xi32, #tpu.memory_space<hbm>>
      tpu.wait_dma2 semaphore(%run_scoped3A : memref<!tpu.dma_semaphore, #tpu.memory_space<semaphore_mem>>) src(%dma_wait3A_97 : memref<256xi32, #tpu.memory_space<hbm>>) dst(%arg5 : memref<256xi32, #tpu.memory_space<vmem>>)
      tpu.yield
    }) : () -> ()
    %dma_start3A = arith.constant 0 : i32
    %dma_start3A_3 = tpu.memref_slice %arg5[%dma_start3A] : memref<256xi32, #tpu.memory_space<vmem>> -> memref<16xi32, #tpu.memory_space<vmem>>
    %dma_start3A_4 = arith.constant 0 : i32
    %dma_start3A_5 = arith.constant 0 : i32
    %dma_start3A_6 = tpu.memref_slice %arg2[%dma_start3A_4, %dma_start3A_5] : memref<100000x1024xf32, #tpu.memory_space<hbm>> -> memref<100000x1024xf32, #tpu.memory_space<hbm>>
    tpu.enqueue_indirect_dma source(%dma_start3A_6 : memref<100000x1024xf32, #tpu.memory_space<hbm>>) target(%arg6 : memref<16x1024xf32, #tpu.memory_space<vmem>>) offsets(%dma_start3A_3 : memref<16xi32, #tpu.memory_space<vmem>>) semaphore(%arg10 : memref<!tpu.dma_semaphore, #tpu.memory_space<semaphore_mem>>)
    %dma_start3A_7 = arith.constant 16 : i32
    %dma_start3A_8 = tpu.memref_slice %arg5[%dma_start3A_7] : memref<256xi32, #tpu.memory_space<vmem>> -> memref<16xi32, #tpu.memory_space<vmem>>
    %dma_start3A_9 = arith.constant 0 : i32
    %dma_start3A_10 = arith.constant 0 : i32
    %dma_start3A_11 = tpu.memref_slice %arg2[%dma_start3A_9, %dma_start3A_10] : memref<100000x1024xf32, #tpu.memory_space<hbm>> -> memref<100000x1024xf32, #tpu.memory_space<hbm>>
    tpu.enqueue_indirect_dma source(%dma_start3A_11 : memref<100000x1024xf32, #tpu.memory_space<hbm>>) target(%arg7 : memref<16x1024xf32, #tpu.memory_space<vmem>>) offsets(%dma_start3A_8 : memref<16xi32, #tpu.memory_space<vmem>>) semaphore(%arg11 : memref<!tpu.dma_semaphore, #tpu.memory_space<semaphore_mem>>)
    %dma_start3A_12 = arith.constant 32 : i32
    %dma_start3A_13 = tpu.memref_slice %arg5[%dma_start3A_12] : memref<256xi32, #tpu.memory_space<vmem>> -> memref<16xi32, #tpu.memory_space<vmem>>
    %dma_start3A_14 = arith.constant 0 : i32
    %dma_start3A_15 = arith.constant 0 : i32
    %dma_start3A_16 = tpu.memref_slice %arg2[%dma_start3A_14, %dma_start3A_15] : memref<100000x1024xf32, #tpu.memory_space<hbm>> -> memref<100000x1024xf32, #tpu.memory_space<hbm>>
    tpu.enqueue_indirect_dma source(%dma_start3A_16 : memref<100000x1024xf32, #tpu.memory_space<hbm>>) target(%arg8 : memref<16x1024xf32, #tpu.memory_space<vmem>>) offsets(%dma_start3A_13 : memref<16xi32, #tpu.memory_space<vmem>>) semaphore(%arg12 : memref<!tpu.dma_semaphore, #tpu.memory_space<semaphore_mem>>)
    %dma_start3A_17 = arith.constant 48 : i32
    %dma_start3A_18 = tpu.memref_slice %arg5[%dma_start3A_17] : memref<256xi32, #tpu.memory_space<vmem>> -> memref<16xi32, #tpu.memory_space<vmem>>
    %dma_start3A_19 = arith.constant 0 : i32
    %dma_start3A_20 = arith.constant 0 : i32
    %dma_start3A_21 = tpu.memref_slice %arg2[%dma_start3A_19, %dma_start3A_20] : memref<100000x1024xf32, #tpu.memory_space<hbm>> -> memref<100000x1024xf32, #tpu.memory_space<hbm>>
    tpu.enqueue_indirect_dma source(%dma_start3A_21 : memref<100000x1024xf32, #tpu.memory_space<hbm>>) target(%arg9 : memref<16x1024xf32, #tpu.memory_space<vmem>>) offsets(%dma_start3A_18 : memref<16xi32, #tpu.memory_space<vmem>>) semaphore(%arg13 : memref<!tpu.dma_semaphore, #tpu.memory_space<semaphore_mem>>)
    %scan3A = arith.constant 0 : i32
    %scan3A_22 = arith.constant 0 : i32
    %scan3A_23 = arith.constant 3 : i32
    %scan3A_24 = arith.addi %scan3A_22, %scan3A_23 : i32
    %scan3A_25 = arith.constant 1 : i32
    scf.for %scan3A_94 = %scan3A_22 to %scan3A_24 step %scan3A_25  : i32 {
      %mul3A_95 = arith.constant 4 : i32
      %mul3A_96 = arith.muli %scan3A_94, %mul3A_95 : i32
      %add3A_97 = arith.constant 0 : i32
      %add3A_98 = arith.addi %mul3A_96, %add3A_97 : i32
      %mul3A_99 = arith.constant 16 : i32
      %mul3A_100 = arith.muli %add3A_98, %mul3A_99 : i32
      %dma_wait3A_101 = tpu.memref_slice %arg5[%mul3A_100] : memref<256xi32, #tpu.memory_space<vmem>> -> memref<16xi32, #tpu.memory_space<vmem>>
      %dma_wait3A_102 = arith.constant 0 : i32
      %dma_wait3A_103 = arith.constant 0 : i32
      %dma_wait3A_104 = tpu.memref_slice %arg2[%dma_wait3A_102, %dma_wait3A_103] : memref<100000x1024xf32, #tpu.memory_space<hbm>> -> memref<100000x1024xf32, #tpu.memory_space<hbm>>
      tpu.wait_indirect_dma semaphore(%arg10 : memref<!tpu.dma_semaphore, #tpu.memory_space<semaphore_mem>>) src(%dma_wait3A_104 : memref<100000x1024xf32, #tpu.memory_space<hbm>>) dst(%arg6 : memref<16x1024xf32, #tpu.memory_space<vmem>>)
      %add3A_105 = arith.constant 0 : i32
      %add3A_106 = arith.addi %mul3A_96, %add3A_105 : i32
      %mul3A_107 = arith.constant 16 : i32
      %mul3A_108 = arith.muli %add3A_106, %mul3A_107 : i32
      %add3A_109 = arith.addi %mul3A_2, %mul3A_108 : i32
      %dma_start3A_110 = arith.constant 0 : i32
      %dma_start3A_111 = tpu.memref_slice %arg4[%add3A_109, %dma_start3A_110] : memref<8192x1024xf32, #tpu.memory_space<hbm>> -> memref<16x1024xf32, #tpu.memory_space<hbm>>
      %dma_start3A_112 = arith.constant 0 : i32
      %dma_start3A_113 = tpu.memref_slice %arg4[%add3A_109, %dma_start3A_112] : memref<8192x1024xf32, #tpu.memory_space<hbm>> -> memref<16x1024xf32, #tpu.memory_space<hbm>>
      tpu.enqueue_dma source(%arg6 : memref<16x1024xf32, #tpu.memory_space<vmem>>) target(%dma_start3A_113 : memref<16x1024xf32, #tpu.memory_space<hbm>>) target_semaphore(%arg14 : memref<!tpu.dma_semaphore, #tpu.memory_space<semaphore_mem>>)
      %add3A_114 = arith.constant 1 : i32
      %add3A_115 = arith.addi %mul3A_96, %add3A_114 : i32
      %mul3A_116 = arith.constant 16 : i32
      %mul3A_117 = arith.muli %add3A_115, %mul3A_116 : i32
      %dma_wait3A_118 = tpu.memref_slice %arg5[%mul3A_117] : memref<256xi32, #tpu.memory_space<vmem>> -> memref<16xi32, #tpu.memory_space<vmem>>
      %dma_wait3A_119 = arith.constant 0 : i32
      %dma_wait3A_120 = arith.constant 0 : i32
      %dma_wait3A_121 = tpu.memref_slice %arg2[%dma_wait3A_119, %dma_wait3A_120] : memref<100000x1024xf32, #tpu.memory_space<hbm>> -> memref<100000x1024xf32, #tpu.memory_space<hbm>>
      tpu.wait_indirect_dma semaphore(%arg11 : memref<!tpu.dma_semaphore, #tpu.memory_space<semaphore_mem>>) src(%dma_wait3A_121 : memref<100000x1024xf32, #tpu.memory_space<hbm>>) dst(%arg7 : memref<16x1024xf32, #tpu.memory_space<vmem>>)
      %add3A_122 = arith.constant 1 : i32
      %add3A_123 = arith.addi %mul3A_96, %add3A_122 : i32
      %mul3A_124 = arith.constant 16 : i32
      %mul3A_125 = arith.muli %add3A_123, %mul3A_124 : i32
      %add3A_126 = arith.addi %mul3A_2, %mul3A_125 : i32
      %dma_start3A_127 = arith.constant 0 : i32
      %dma_start3A_128 = tpu.memref_slice %arg4[%add3A_126, %dma_start3A_127] : memref<8192x1024xf32, #tpu.memory_space<hbm>> -> memref<16x1024xf32, #tpu.memory_space<hbm>>
      %dma_start3A_129 = arith.constant 0 : i32
      %dma_start3A_130 = tpu.memref_slice %arg4[%add3A_126, %dma_start3A_129] : memref<8192x1024xf32, #tpu.memory_space<hbm>> -> memref<16x1024xf32, #tpu.memory_space<hbm>>
      tpu.enqueue_dma source(%arg7 : memref<16x1024xf32, #tpu.memory_space<vmem>>) target(%dma_start3A_130 : memref<16x1024xf32, #tpu.memory_space<hbm>>) target_semaphore(%arg15 : memref<!tpu.dma_semaphore, #tpu.memory_space<semaphore_mem>>)
      %add3A_131 = arith.constant 2 : i32
      %add3A_132 = arith.addi %mul3A_96, %add3A_131 : i32
      %mul3A_133 = arith.constant 16 : i32
      %mul3A_134 = arith.muli %add3A_132, %mul3A_133 : i32
      %dma_wait3A_135 = tpu.memref_slice %arg5[%mul3A_134] : memref<256xi32, #tpu.memory_space<vmem>> -> memref<16xi32, #tpu.memory_space<vmem>>
      %dma_wait3A_136 = arith.constant 0 : i32
      %dma_wait3A_137 = arith.constant 0 : i32
      %dma_wait3A_138 = tpu.memref_slice %arg2[%dma_wait3A_136, %dma_wait3A_137] : memref<100000x1024xf32, #tpu.memory_space<hbm>> -> memref<100000x1024xf32, #tpu.memory_space<hbm>>
      tpu.wait_indirect_dma semaphore(%arg12 : memref<!tpu.dma_semaphore, #tpu.memory_space<semaphore_mem>>) src(%dma_wait3A_138 : memref<100000x1024xf32, #tpu.memory_space<hbm>>) dst(%arg8 : memref<16x1024xf32, #tpu.memory_space<vmem>>)
      %add3A_139 = arith.constant 2 : i32
      %add3A_140 = arith.addi %mul3A_96, %add3A_139 : i32
      %mul3A_141 = arith.constant 16 : i32
      %mul3A_142 = arith.muli %add3A_140, %mul3A_141 : i32
      %add3A_143 = arith.addi %mul3A_2, %mul3A_142 : i32
      %dma_start3A_144 = arith.constant 0 : i32
      %dma_start3A_145 = tpu.memref_slice %arg4[%add3A_143, %dma_start3A_144] : memref<8192x1024xf32, #tpu.memory_space<hbm>> -> memref<16x1024xf32, #tpu.memory_space<hbm>>
      %dma_start3A_146 = arith.constant 0 : i32
      %dma_start3A_147 = tpu.memref_slice %arg4[%add3A_143, %dma_start3A_146] : memref<8192x1024xf32, #tpu.memory_space<hbm>> -> memref<16x1024xf32, #tpu.memory_space<hbm>>
      tpu.enqueue_dma source(%arg8 : memref<16x1024xf32, #tpu.memory_space<vmem>>) target(%dma_start3A_147 : memref<16x1024xf32, #tpu.memory_space<hbm>>) target_semaphore(%arg16 : memref<!tpu.dma_semaphore, #tpu.memory_space<semaphore_mem>>)
      %add3A_148 = arith.constant 3 : i32
      %add3A_149 = arith.addi %mul3A_96, %add3A_148 : i32
      %mul3A_150 = arith.constant 16 : i32
      %mul3A_151 = arith.muli %add3A_149, %mul3A_150 : i32
      %dma_wait3A_152 = tpu.memref_slice %arg5[%mul3A_151] : memref<256xi32, #tpu.memory_space<vmem>> -> memref<16xi32, #tpu.memory_space<vmem>>
      %dma_wait3A_153 = arith.constant 0 : i32
      %dma_wait3A_154 = arith.constant 0 : i32
      %dma_wait3A_155 = tpu.memref_slice %arg2[%dma_wait3A_153, %dma_wait3A_154] : memref<100000x1024xf32, #tpu.memory_space<hbm>> -> memref<100000x1024xf32, #tpu.memory_space<hbm>>
      tpu.wait_indirect_dma semaphore(%arg13 : memref<!tpu.dma_semaphore, #tpu.memory_space<semaphore_mem>>) src(%dma_wait3A_155 : memref<100000x1024xf32, #tpu.memory_space<hbm>>) dst(%arg9 : memref<16x1024xf32, #tpu.memory_space<vmem>>)
      %add3A_156 = arith.constant 3 : i32
      %add3A_157 = arith.addi %mul3A_96, %add3A_156 : i32
      %mul3A_158 = arith.constant 16 : i32
      %mul3A_159 = arith.muli %add3A_157, %mul3A_158 : i32
      %add3A_160 = arith.addi %mul3A_2, %mul3A_159 : i32
      %dma_start3A_161 = arith.constant 0 : i32
      %dma_start3A_162 = tpu.memref_slice %arg4[%add3A_160, %dma_start3A_161] : memref<8192x1024xf32, #tpu.memory_space<hbm>> -> memref<16x1024xf32, #tpu.memory_space<hbm>>
      %dma_start3A_163 = arith.constant 0 : i32
      %dma_start3A_164 = tpu.memref_slice %arg4[%add3A_160, %dma_start3A_163] : memref<8192x1024xf32, #tpu.memory_space<hbm>> -> memref<16x1024xf32, #tpu.memory_space<hbm>>
      tpu.enqueue_dma source(%arg9 : memref<16x1024xf32, #tpu.memory_space<vmem>>) target(%dma_start3A_164 : memref<16x1024xf32, #tpu.memory_space<hbm>>) target_semaphore(%arg17 : memref<!tpu.dma_semaphore, #tpu.memory_space<semaphore_mem>>)
      %add3A_165 = arith.constant 0 : i32
      %add3A_166 = arith.addi %mul3A_96, %add3A_165 : i32
      %mul3A_167 = arith.constant 16 : i32
      %mul3A_168 = arith.muli %add3A_166, %mul3A_167 : i32
      %add3A_169 = arith.addi %mul3A_2, %mul3A_168 : i32
      %dma_wait3A_170 = arith.constant 0 : i32
      %dma_wait3A_171 = tpu.memref_slice %arg4[%add3A_169, %dma_wait3A_170] : memref<8192x1024xf32, #tpu.memory_space<hbm>> -> memref<16x1024xf32, #tpu.memory_space<hbm>>
      %dma_wait3A_172 = arith.constant 0 : i32
      %dma_wait3A_173 = tpu.memref_slice %arg4[%add3A_169, %dma_wait3A_172] : memref<8192x1024xf32, #tpu.memory_space<hbm>> -> memref<16x1024xf32, #tpu.memory_space<hbm>>
      tpu.wait_dma2 semaphore(%arg14 : memref<!tpu.dma_semaphore, #tpu.memory_space<semaphore_mem>>) src(%arg6 : memref<16x1024xf32, #tpu.memory_space<vmem>>) dst(%dma_wait3A_173 : memref<16x1024xf32, #tpu.memory_space<hbm>>)
      %add3A_174 = arith.constant 4 : i32
      %add3A_175 = arith.addi %mul3A_96, %add3A_174 : i32
      %add3A_176 = arith.constant 0 : i32
      %add3A_177 = arith.addi %add3A_175, %add3A_176 : i32
      %mul3A_178 = arith.constant 16 : i32
      %mul3A_179 = arith.muli %add3A_177, %mul3A_178 : i32
      %dma_start3A_180 = tpu.memref_slice %arg5[%mul3A_179] : memref<256xi32, #tpu.memory_space<vmem>> -> memref<16xi32, #tpu.memory_space<vmem>>
      %dma_start3A_181 = arith.constant 0 : i32
      %dma_start3A_182 = arith.constant 0 : i32
      %dma_start3A_183 = tpu.memref_slice %arg2[%dma_start3A_181, %dma_start3A_182] : memref<100000x1024xf32, #tpu.memory_space<hbm>> -> memref<100000x1024xf32, #tpu.memory_space<hbm>>
      tpu.enqueue_indirect_dma source(%dma_start3A_183 : memref<100000x1024xf32, #tpu.memory_space<hbm>>) target(%arg6 : memref<16x1024xf32, #tpu.memory_space<vmem>>) offsets(%dma_start3A_180 : memref<16xi32, #tpu.memory_space<vmem>>) semaphore(%arg10 : memref<!tpu.dma_semaphore, #tpu.memory_space<semaphore_mem>>)
      %add3A_184 = arith.constant 1 : i32
      %add3A_185 = arith.addi %mul3A_96, %add3A_184 : i32
      %mul3A_186 = arith.constant 16 : i32
      %mul3A_187 = arith.muli %add3A_185, %mul3A_186 : i32
      %add3A_188 = arith.addi %mul3A_2, %mul3A_187 : i32
      %dma_wait3A_189 = arith.constant 0 : i32
      %dma_wait3A_190 = tpu.memref_slice %arg4[%add3A_188, %dma_wait3A_189] : memref<8192x1024xf32, #tpu.memory_space<hbm>> -> memref<16x1024xf32, #tpu.memory_space<hbm>>
      %dma_wait3A_191 = arith.constant 0 : i32
      %dma_wait3A_192 = tpu.memref_slice %arg4[%add3A_188, %dma_wait3A_191] : memref<8192x1024xf32, #tpu.memory_space<hbm>> -> memref<16x1024xf32, #tpu.memory_space<hbm>>
      tpu.wait_dma2 semaphore(%arg15 : memref<!tpu.dma_semaphore, #tpu.memory_space<semaphore_mem>>) src(%arg7 : memref<16x1024xf32, #tpu.memory_space<vmem>>) dst(%dma_wait3A_192 : memref<16x1024xf32, #tpu.memory_space<hbm>>)
      %add3A_193 = arith.constant 4 : i32
      %add3A_194 = arith.addi %mul3A_96, %add3A_193 : i32
      %add3A_195 = arith.constant 1 : i32
      %add3A_196 = arith.addi %add3A_194, %add3A_195 : i32
      %mul3A_197 = arith.constant 16 : i32
      %mul3A_198 = arith.muli %add3A_196, %mul3A_197 : i32
      %dma_start3A_199 = tpu.memref_slice %arg5[%mul3A_198] : memref<256xi32, #tpu.memory_space<vmem>> -> memref<16xi32, #tpu.memory_space<vmem>>
      %dma_start3A_200 = arith.constant 0 : i32
      %dma_start3A_201 = arith.constant 0 : i32
      %dma_start3A_202 = tpu.memref_slice %arg2[%dma_start3A_200, %dma_start3A_201] : memref<100000x1024xf32, #tpu.memory_space<hbm>> -> memref<100000x1024xf32, #tpu.memory_space<hbm>>
      tpu.enqueue_indirect_dma source(%dma_start3A_202 : memref<100000x1024xf32, #tpu.memory_space<hbm>>) target(%arg7 : memref<16x1024xf32, #tpu.memory_space<vmem>>) offsets(%dma_start3A_199 : memref<16xi32, #tpu.memory_space<vmem>>) semaphore(%arg11 : memref<!tpu.dma_semaphore, #tpu.memory_space<semaphore_mem>>)
      %add3A_203 = arith.constant 2 : i32
      %add3A_204 = arith.addi %mul3A_96, %add3A_203 : i32
      %mul3A_205 = arith.constant 16 : i32
      %mul3A_206 = arith.muli %add3A_204, %mul3A_205 : i32
      %add3A_207 = arith.addi %mul3A_2, %mul3A_206 : i32
      %dma_wait3A_208 = arith.constant 0 : i32
      %dma_wait3A_209 = tpu.memref_slice %arg4[%add3A_207, %dma_wait3A_208] : memref<8192x1024xf32, #tpu.memory_space<hbm>> -> memref<16x1024xf32, #tpu.memory_space<hbm>>
      %dma_wait3A_210 = arith.constant 0 : i32
      %dma_wait3A_211 = tpu.memref_slice %arg4[%add3A_207, %dma_wait3A_210] : memref<8192x1024xf32, #tpu.memory_space<hbm>> -> memref<16x1024xf32, #tpu.memory_space<hbm>>
      tpu.wait_dma2 semaphore(%arg16 : memref<!tpu.dma_semaphore, #tpu.memory_space<semaphore_mem>>) src(%arg8 : memref<16x1024xf32, #tpu.memory_space<vmem>>) dst(%dma_wait3A_211 : memref<16x1024xf32, #tpu.memory_space<hbm>>)
      %add3A_212 = arith.constant 4 : i32
      %add3A_213 = arith.addi %mul3A_96, %add3A_212 : i32
      %add3A_214 = arith.constant 2 : i32
      %add3A_215 = arith.addi %add3A_213, %add3A_214 : i32
      %mul3A_216 = arith.constant 16 : i32
      %mul3A_217 = arith.muli %add3A_215, %mul3A_216 : i32
      %dma_start3A_218 = tpu.memref_slice %arg5[%mul3A_217] : memref<256xi32, #tpu.memory_space<vmem>> -> memref<16xi32, #tpu.memory_space<vmem>>
      %dma_start3A_219 = arith.constant 0 : i32
      %dma_start3A_220 = arith.constant 0 : i32
      %dma_start3A_221 = tpu.memref_slice %arg2[%dma_start3A_219, %dma_start3A_220] : memref<100000x1024xf32, #tpu.memory_space<hbm>> -> memref<100000x1024xf32, #tpu.memory_space<hbm>>
      tpu.enqueue_indirect_dma source(%dma_start3A_221 : memref<100000x1024xf32, #tpu.memory_space<hbm>>) target(%arg8 : memref<16x1024xf32, #tpu.memory_space<vmem>>) offsets(%dma_start3A_218 : memref<16xi32, #tpu.memory_space<vmem>>) semaphore(%arg12 : memref<!tpu.dma_semaphore, #tpu.memory_space<semaphore_mem>>)
      %add3A_222 = arith.constant 3 : i32
      %add3A_223 = arith.addi %mul3A_96, %add3A_222 : i32
      %mul3A_224 = arith.constant 16 : i32
      %mul3A_225 = arith.muli %add3A_223, %mul3A_224 : i32
      %add3A_226 = arith.addi %mul3A_2, %mul3A_225 : i32
      %dma_wait3A_227 = arith.constant 0 : i32
      %dma_wait3A_228 = tpu.memref_slice %arg4[%add3A_226, %dma_wait3A_227] : memref<8192x1024xf32, #tpu.memory_space<hbm>> -> memref<16x1024xf32, #tpu.memory_space<hbm>>
      %dma_wait3A_229 = arith.constant 0 : i32
      %dma_wait3A_230 = tpu.memref_slice %arg4[%add3A_226, %dma_wait3A_229] : memref<8192x1024xf32, #tpu.memory_space<hbm>> -> memref<16x1024xf32, #tpu.memory_space<hbm>>
      tpu.wait_dma2 semaphore(%arg17 : memref<!tpu.dma_semaphore, #tpu.memory_space<semaphore_mem>>) src(%arg9 : memref<16x1024xf32, #tpu.memory_space<vmem>>) dst(%dma_wait3A_230 : memref<16x1024xf32, #tpu.memory_space<hbm>>)
      %add3A_231 = arith.constant 4 : i32
      %add3A_232 = arith.addi %mul3A_96, %add3A_231 : i32
      %add3A_233 = arith.constant 3 : i32
      %add3A_234 = arith.addi %add3A_232, %add3A_233 : i32
      %mul3A_235 = arith.constant 16 : i32
      %mul3A_236 = arith.muli %add3A_234, %mul3A_235 : i32
      %dma_start3A_237 = tpu.memref_slice %arg5[%mul3A_236] : memref<256xi32, #tpu.memory_space<vmem>> -> memref<16xi32, #tpu.memory_space<vmem>>
      %dma_start3A_238 = arith.constant 0 : i32
      %dma_start3A_239 = arith.constant 0 : i32
      %dma_start3A_240 = tpu.memref_slice %arg2[%dma_start3A_238, %dma_start3A_239] : memref<100000x1024xf32, #tpu.memory_space<hbm>> -> memref<100000x1024xf32, #tpu.memory_space<hbm>>
      tpu.enqueue_indirect_dma source(%dma_start3A_240 : memref<100000x1024xf32, #tpu.memory_space<hbm>>) target(%arg9 : memref<16x1024xf32, #tpu.memory_space<vmem>>) offsets(%dma_start3A_237 : memref<16xi32, #tpu.memory_space<vmem>>) semaphore(%arg13 : memref<!tpu.dma_semaphore, #tpu.memory_space<semaphore_mem>>)
    }
    %scan3A_26 = arith.constant 3 : i32
    %dma_wait3A = arith.constant 192 : i32
    %dma_wait3A_27 = tpu.memref_slice %arg5[%dma_wait3A] : memref<256xi32, #tpu.memory_space<vmem>> -> memref<16xi32, #tpu.memory_space<vmem>>
    %dma_wait3A_28 = arith.constant 0 : i32
    %dma_wait3A_29 = arith.constant 0 : i32
    %dma_wait3A_30 = tpu.memref_slice %arg2[%dma_wait3A_28, %dma_wait3A_29] : memref<100000x1024xf32, #tpu.memory_space<hbm>> -> memref<100000x1024xf32, #tpu.memory_space<hbm>>
    tpu.wait_indirect_dma semaphore(%arg10 : memref<!tpu.dma_semaphore, #tpu.memory_space<semaphore_mem>>) src(%dma_wait3A_30 : memref<100000x1024xf32, #tpu.memory_space<hbm>>) dst(%arg6 : memref<16x1024xf32, #tpu.memory_space<vmem>>)
    %add3A_31 = arith.constant 192 : i32
    %add3A_32 = arith.addi %mul3A_2, %add3A_31 : i32
    %dma_start3A_33 = arith.constant 0 : i32
    %dma_start3A_34 = tpu.memref_slice %arg4[%add3A_32, %dma_start3A_33] : memref<8192x1024xf32, #tpu.memory_space<hbm>> -> memref<16x1024xf32, #tpu.memory_space<hbm>>
    %dma_start3A_35 = arith.constant 0 : i32
    %dma_start3A_36 = tpu.memref_slice %arg4[%add3A_32, %dma_start3A_35] : memref<8192x1024xf32, #tpu.memory_space<hbm>> -> memref<16x1024xf32, #tpu.memory_space<hbm>>
    tpu.enqueue_dma source(%arg6 : memref<16x1024xf32, #tpu.memory_space<vmem>>) target(%dma_start3A_36 : memref<16x1024xf32, #tpu.memory_space<hbm>>) target_semaphore(%arg14 : memref<!tpu.dma_semaphore, #tpu.memory_space<semaphore_mem>>)
    %dma_wait3A_37 = arith.constant 208 : i32
    %dma_wait3A_38 = tpu.memref_slice %arg5[%dma_wait3A_37] : memref<256xi32, #tpu.memory_space<vmem>> -> memref<16xi32, #tpu.memory_space<vmem>>
    %dma_wait3A_39 = arith.constant 0 : i32
    %dma_wait3A_40 = arith.constant 0 : i32
    %dma_wait3A_41 = tpu.memref_slice %arg2[%dma_wait3A_39, %dma_wait3A_40] : memref<100000x1024xf32, #tpu.memory_space<hbm>> -> memref<100000x1024xf32, #tpu.memory_space<hbm>>
    tpu.wait_indirect_dma semaphore(%arg11 : memref<!tpu.dma_semaphore, #tpu.memory_space<semaphore_mem>>) src(%dma_wait3A_41 : memref<100000x1024xf32, #tpu.memory_space<hbm>>) dst(%arg7 : memref<16x1024xf32, #tpu.memory_space<vmem>>)
    %add3A_42 = arith.constant 208 : i32
    %add3A_43 = arith.addi %mul3A_2, %add3A_42 : i32
    %dma_start3A_44 = arith.constant 0 : i32
    %dma_start3A_45 = tpu.memref_slice %arg4[%add3A_43, %dma_start3A_44] : memref<8192x1024xf32, #tpu.memory_space<hbm>> -> memref<16x1024xf32, #tpu.memory_space<hbm>>
    %dma_start3A_46 = arith.constant 0 : i32
    %dma_start3A_47 = tpu.memref_slice %arg4[%add3A_43, %dma_start3A_46] : memref<8192x1024xf32, #tpu.memory_space<hbm>> -> memref<16x1024xf32, #tpu.memory_space<hbm>>
    tpu.enqueue_dma source(%arg7 : memref<16x1024xf32, #tpu.memory_space<vmem>>) target(%dma_start3A_47 : memref<16x1024xf32, #tpu.memory_space<hbm>>) target_semaphore(%arg15 : memref<!tpu.dma_semaphore, #tpu.memory_space<semaphore_mem>>)
    %dma_wait3A_48 = arith.constant 224 : i32
    %dma_wait3A_49 = tpu.memref_slice %arg5[%dma_wait3A_48] : memref<256xi32, #tpu.memory_space<vmem>> -> memref<16xi32, #tpu.memory_space<vmem>>
    %dma_wait3A_50 = arith.constant 0 : i32
    %dma_wait3A_51 = arith.constant 0 : i32
    %dma_wait3A_52 = tpu.memref_slice %arg2[%dma_wait3A_50, %dma_wait3A_51] : memref<100000x1024xf32, #tpu.memory_space<hbm>> -> memref<100000x1024xf32, #tpu.memory_space<hbm>>
    tpu.wait_indirect_dma semaphore(%arg12 : memref<!tpu.dma_semaphore, #tpu.memory_space<semaphore_mem>>) src(%dma_wait3A_52 : memref<100000x1024xf32, #tpu.memory_space<hbm>>) dst(%arg8 : memref<16x1024xf32, #tpu.memory_space<vmem>>)
    %add3A_53 = arith.constant 224 : i32
    %add3A_54 = arith.addi %mul3A_2, %add3A_53 : i32
    %dma_start3A_55 = arith.constant 0 : i32
    %dma_start3A_56 = tpu.memref_slice %arg4[%add3A_54, %dma_start3A_55] : memref<8192x1024xf32, #tpu.memory_space<hbm>> -> memref<16x1024xf32, #tpu.memory_space<hbm>>
    %dma_start3A_57 = arith.constant 0 : i32
    %dma_start3A_58 = tpu.memref_slice %arg4[%add3A_54, %dma_start3A_57] : memref<8192x1024xf32, #tpu.memory_space<hbm>> -> memref<16x1024xf32, #tpu.memory_space<hbm>>
    tpu.enqueue_dma source(%arg8 : memref<16x1024xf32, #tpu.memory_space<vmem>>) target(%dma_start3A_58 : memref<16x1024xf32, #tpu.memory_space<hbm>>) target_semaphore(%arg16 : memref<!tpu.dma_semaphore, #tpu.memory_space<semaphore_mem>>)
    %dma_wait3A_59 = arith.constant 240 : i32
    %dma_wait3A_60 = tpu.memref_slice %arg5[%dma_wait3A_59] : memref<256xi32, #tpu.memory_space<vmem>> -> memref<16xi32, #tpu.memory_space<vmem>>
    %dma_wait3A_61 = arith.constant 0 : i32
    %dma_wait3A_62 = arith.constant 0 : i32
    %dma_wait3A_63 = tpu.memref_slice %arg2[%dma_wait3A_61, %dma_wait3A_62] : memref<100000x1024xf32, #tpu.memory_space<hbm>> -> memref<100000x1024xf32, #tpu.memory_space<hbm>>
    tpu.wait_indirect_dma semaphore(%arg13 : memref<!tpu.dma_semaphore, #tpu.memory_space<semaphore_mem>>) src(%dma_wait3A_63 : memref<100000x1024xf32, #tpu.memory_space<hbm>>) dst(%arg9 : memref<16x1024xf32, #tpu.memory_space<vmem>>)
    %add3A_64 = arith.constant 240 : i32
    %add3A_65 = arith.addi %mul3A_2, %add3A_64 : i32
    %dma_start3A_66 = arith.constant 0 : i32
    %dma_start3A_67 = tpu.memref_slice %arg4[%add3A_65, %dma_start3A_66] : memref<8192x1024xf32, #tpu.memory_space<hbm>> -> memref<16x1024xf32, #tpu.memory_space<hbm>>
    %dma_start3A_68 = arith.constant 0 : i32
    %dma_start3A_69 = tpu.memref_slice %arg4[%add3A_65, %dma_start3A_68] : memref<8192x1024xf32, #tpu.memory_space<hbm>> -> memref<16x1024xf32, #tpu.memory_space<hbm>>
    tpu.enqueue_dma source(%arg9 : memref<16x1024xf32, #tpu.memory_space<vmem>>) target(%dma_start3A_69 : memref<16x1024xf32, #tpu.memory_space<hbm>>) target_semaphore(%arg17 : memref<!tpu.dma_semaphore, #tpu.memory_space<semaphore_mem>>)
    %add3A_70 = arith.constant 192 : i32
    %add3A_71 = arith.addi %mul3A_2, %add3A_70 : i32
    %dma_wait3A_72 = arith.constant 0 : i32
    %dma_wait3A_73 = tpu.memref_slice %arg4[%add3A_71, %dma_wait3A_72] : memref<8192x1024xf32, #tpu.memory_space<hbm>> -> memref<16x1024xf32, #tpu.memory_space<hbm>>
    %dma_wait3A_74 = arith.constant 0 : i32
    %dma_wait3A_75 = tpu.memref_slice %arg4[%add3A_71, %dma_wait3A_74] : memref<8192x1024xf32, #tpu.memory_space<hbm>> -> memref<16x1024xf32, #tpu.memory_space<hbm>>
    tpu.wait_dma2 semaphore(%arg14 : memref<!tpu.dma_semaphore, #tpu.memory_space<semaphore_mem>>) src(%arg6 : memref<16x1024xf32, #tpu.memory_space<vmem>>) dst(%dma_wait3A_75 : memref<16x1024xf32, #tpu.memory_space<hbm>>)
    %add3A_76 = arith.constant 208 : i32
    %add3A_77 = arith.addi %mul3A_2, %add3A_76 : i32
    %dma_wait3A_78 = arith.constant 0 : i32
    %dma_wait3A_79 = tpu.memref_slice %arg4[%add3A_77, %dma_wait3A_78] : memref<8192x1024xf32, #tpu.memory_space<hbm>> -> memref<16x1024xf32, #tpu.memory_space<hbm>>
    %dma_wait3A_80 = arith.constant 0 : i32
    %dma_wait3A_81 = tpu.memref_slice %arg4[%add3A_77, %dma_wait3A_80] : memref<8192x1024xf32, #tpu.memory_space<hbm>> -> memref<16x1024xf32, #tpu.memory_space<hbm>>
    tpu.wait_dma2 semaphore(%arg15 : memref<!tpu.dma_semaphore, #tpu.memory_space<semaphore_mem>>) src(%arg7 : memref<16x1024xf32, #tpu.memory_space<vmem>>) dst(%dma_wait3A_81 : memref<16x1024xf32, #tpu.memory_space<hbm>>)
    %add3A_82 = arith.constant 224 : i32
    %add3A_83 = arith.addi %mul3A_2, %add3A_82 : i32
    %dma_wait3A_84 = arith.constant 0 : i32
    %dma_wait3A_85 = tpu.memref_slice %arg4[%add3A_83, %dma_wait3A_84] : memref<8192x1024xf32, #tpu.memory_space<hbm>> -> memref<16x1024xf32, #tpu.memory_space<hbm>>
    %dma_wait3A_86 = arith.constant 0 : i32
    %dma_wait3A_87 = tpu.memref_slice %arg4[%add3A_83, %dma_wait3A_86] : memref<8192x1024xf32, #tpu.memory_space<hbm>> -> memref<16x1024xf32, #tpu.memory_space<hbm>>
    tpu.wait_dma2 semaphore(%arg16 : memref<!tpu.dma_semaphore, #tpu.memory_space<semaphore_mem>>) src(%arg8 : memref<16x1024xf32, #tpu.memory_space<vmem>>) dst(%dma_wait3A_87 : memref<16x1024xf32, #tpu.memory_space<hbm>>)
    %add3A_88 = arith.constant 240 : i32
    %add3A_89 = arith.addi %mul3A_2, %add3A_88 : i32
    %dma_wait3A_90 = arith.constant 0 : i32
    %dma_wait3A_91 = tpu.memref_slice %arg4[%add3A_89, %dma_wait3A_90] : memref<8192x1024xf32, #tpu.memory_space<hbm>> -> memref<16x1024xf32, #tpu.memory_space<hbm>>
    %dma_wait3A_92 = arith.constant 0 : i32
    %dma_wait3A_93 = tpu.memref_slice %arg4[%add3A_89, %dma_wait3A_92] : memref<8192x1024xf32, #tpu.memory_space<hbm>> -> memref<16x1024xf32, #tpu.memory_space<hbm>>
    tpu.wait_dma2 semaphore(%arg17 : memref<!tpu.dma_semaphore, #tpu.memory_space<semaphore_mem>>) src(%arg9 : memref<16x1024xf32, #tpu.memory_space<vmem>>) dst(%dma_wait3A_93 : memref<16x1024xf32, #tpu.memory_space<hbm>>)
    return
  }
}

#map = affine_map<(d0, d1) -> (0, 0)>
#map1 = affine_map<(d0, d1) -> (0)>
module attributes {stable_mosaic.version = 14 : i64} {
  func.func @gather_kernel(%arg0: i32, %arg1: i32, %arg2: memref<100000x1024xf32, #tpu.memory_space<hbm>>, %arg3: memref<8192xi32, #tpu.memory_space<hbm>>, %arg4: memref<8192x1024xf32, #tpu.memory_space<hbm>>, %arg5: memref<256xi32, #tpu.memory_space<vmem>>, %arg6: memref<16x1024xf32, #tpu.memory_space<vmem>>, %arg7: memref<16x1024xf32, #tpu.memory_space<vmem>>, %arg8: memref<16x1024xf32, #tpu.memory_space<vmem>>, %arg9: memref<16x1024xf32, #tpu.memory_space<vmem>>, %arg10: memref<!tpu.dma_semaphore, #tpu.memory_space<semaphore_mem>>, %arg11: memref<!tpu.dma_semaphore, #tpu.memory_space<semaphore_mem>>, %arg12: memref<!tpu.dma_semaphore, #tpu.memory_space<semaphore_mem>>, %arg13: memref<!tpu.dma_semaphore, #tpu.memory_space<semaphore_mem>>, %arg14: memref<!tpu.dma_semaphore, #tpu.memory_space<semaphore_mem>>, %arg15: memref<!tpu.dma_semaphore, #tpu.memory_space<semaphore_mem>>, %arg16: memref<!tpu.dma_semaphore, #tpu.memory_space<semaphore_mem>>, %arg17: memref<!tpu.dma_semaphore, #tpu.memory_space<semaphore_mem>>) attributes {dimension_semantics = [#tpu.dimension_semantics<core_parallel>, #tpu.dimension_semantics<subcore_parallel>], iteration_bounds = array<i64: 2, 16>, scalar_prefetch = 0 : i64, scratch_operands = 13 : i64, tpu.core_type = #tpu.core_type<sc_vector_subcore>, window_params = [{transform_indices = #map}, {transform_indices = #map1}, {transform_indices = #map}]} {
    %mul3A = arith.constant 2 : i32
    %mul3A_0 = arith.muli %arg1, %mul3A : i32
    %add3A = arith.addi %mul3A_0, %arg0 : i32
    %mul3A_1 = arith.constant 256 : i32
    %mul3A_2 = arith.muli %add3A, %mul3A_1 : i32
    "tpu.region"() ({
      %run_scoped3A = tpu.sem_alloc : memref<!tpu.dma_semaphore, #tpu.memory_space<semaphore_mem>>
      %dma_start3A_94 = tpu.memref_slice %arg3[%mul3A_2] : memref<8192xi32, #tpu.memory_space<hbm>> -> memref<256xi32, #tpu.memory_space<hbm>>
      %dma_start3A_95 = tpu.memref_slice %arg3[%mul3A_2] : memref<8192xi32, #tpu.memory_space<hbm>> -> memref<256xi32, #tpu.memory_space<hbm>>
      tpu.enqueue_dma source(%dma_start3A_95 : memref<256xi32, #tpu.memory_space<hbm>>) target(%arg5 : memref<256xi32, #tpu.memory_space<vmem>>) target_semaphore(%run_scoped3A : memref<!tpu.dma_semaphore, #tpu.memory_space<semaphore_mem>>)
      %dma_wait3A_96 = tpu.memref_slice %arg3[%mul3A_2] : memref<8192xi32, #tpu.memory_space<hbm>> -> memref<256xi32, #tpu.memory_space<hbm>>
      %dma_wait3A_97 = tpu.memref_slice %arg3[%mul3A_2] : memref<8192xi32, #tpu.memory_space<hbm>> -> memref<256xi32, #tpu.memory_space<hbm>>
      tpu.wait_dma2 semaphore(%run_scoped3A : memref<!tpu.dma_semaphore, #tpu.memory_space<semaphore_mem>>) src(%dma_wait3A_97 : memref<256xi32, #tpu.memory_space<hbm>>) dst(%arg5 : memref<256xi32, #tpu.memory_space<vmem>>)
      tpu.yield
    }) : () -> ()
    %dma_start3A = arith.constant 0 : i32
    %dma_start3A_3 = tpu.memref_slice %arg5[%dma_start3A] : memref<256xi32, #tpu.memory_space<vmem>> -> memref<16xi32, #tpu.memory_space<vmem>>
    %dma_start3A_4 = arith.constant 0 : i32
    %dma_start3A_5 = arith.constant 0 : i32
    %dma_start3A_6 = tpu.memref_slice %arg2[%dma_start3A_4, %dma_start3A_5] : memref<100000x1024xf32, #tpu.memory_space<hbm>> -> memref<100000x1024xf32, #tpu.memory_space<hbm>>
    tpu.enqueue_indirect_dma source(%dma_start3A_6 : memref<100000x1024xf32, #tpu.memory_space<hbm>>) target(%arg6 : memref<16x1024xf32, #tpu.memory_space<vmem>>) offsets(%dma_start3A_3 : memref<16xi32, #tpu.memory_space<vmem>>) semaphore(%arg10 : memref<!tpu.dma_semaphore, #tpu.memory_space<semaphore_mem>>)
    %dma_start3A_7 = arith.constant 16 : i32
    %dma_start3A_8 = tpu.memref_slice %arg5[%dma_start3A_7] : memref<256xi32, #tpu.memory_space<vmem>> -> memref<16xi32, #tpu.memory_space<vmem>>
    %dma_start3A_9 = arith.constant 0 : i32
    %dma_start3A_10 = arith.constant 0 : i32
    %dma_start3A_11 = tpu.memref_slice %arg2[%dma_start3A_9, %dma_start3A_10] : memref<100000x1024xf32, #tpu.memory_space<hbm>> -> memref<100000x1024xf32, #tpu.memory_space<hbm>>
    tpu.enqueue_indirect_dma source(%dma_start3A_11 : memref<100000x1024xf32, #tpu.memory_space<hbm>>) target(%arg7 : memref<16x1024xf32, #tpu.memory_space<vmem>>) offsets(%dma_start3A_8 : memref<16xi32, #tpu.memory_space<vmem>>) semaphore(%arg11 : memref<!tpu.dma_semaphore, #tpu.memory_space<semaphore_mem>>)
    %dma_start3A_12 = arith.constant 32 : i32
    %dma_start3A_13 = tpu.memref_slice %arg5[%dma_start3A_12] : memref<256xi32, #tpu.memory_space<vmem>> -> memref<16xi32, #tpu.memory_space<vmem>>
    %dma_start3A_14 = arith.constant 0 : i32
    %dma_start3A_15 = arith.constant 0 : i32
    %dma_start3A_16 = tpu.memref_slice %arg2[%dma_start3A_14, %dma_start3A_15] : memref<100000x1024xf32, #tpu.memory_space<hbm>> -> memref<100000x1024xf32, #tpu.memory_space<hbm>>
    tpu.enqueue_indirect_dma source(%dma_start3A_16 : memref<100000x1024xf32, #tpu.memory_space<hbm>>) target(%arg8 : memref<16x1024xf32, #tpu.memory_space<vmem>>) offsets(%dma_start3A_13 : memref<16xi32, #tpu.memory_space<vmem>>) semaphore(%arg12 : memref<!tpu.dma_semaphore, #tpu.memory_space<semaphore_mem>>)
    %dma_start3A_17 = arith.constant 48 : i32
    %dma_start3A_18 = tpu.memref_slice %arg5[%dma_start3A_17] : memref<256xi32, #tpu.memory_space<vmem>> -> memref<16xi32, #tpu.memory_space<vmem>>
    %dma_start3A_19 = arith.constant 0 : i32
    %dma_start3A_20 = arith.constant 0 : i32
    %dma_start3A_21 = tpu.memref_slice %arg2[%dma_start3A_19, %dma_start3A_20] : memref<100000x1024xf32, #tpu.memory_space<hbm>> -> memref<100000x1024xf32, #tpu.memory_space<hbm>>
    tpu.enqueue_indirect_dma source(%dma_start3A_21 : memref<100000x1024xf32, #tpu.memory_space<hbm>>) target(%arg9 : memref<16x1024xf32, #tpu.memory_space<vmem>>) offsets(%dma_start3A_18 : memref<16xi32, #tpu.memory_space<vmem>>) semaphore(%arg13 : memref<!tpu.dma_semaphore, #tpu.memory_space<semaphore_mem>>)
    %scan3A = arith.constant 0 : i32
    %scan3A_22 = arith.constant 0 : i32
    %scan3A_23 = arith.constant 3 : i32
    %scan3A_24 = arith.addi %scan3A_22, %scan3A_23 : i32
    %scan3A_25 = arith.constant 1 : i32
    scf.for %scan3A_94 = %scan3A_22 to %scan3A_24 step %scan3A_25  : i32 {
      %mul3A_95 = arith.constant 4 : i32
      %mul3A_96 = arith.muli %scan3A_94, %mul3A_95 : i32
      %add3A_97 = arith.constant 0 : i32
      %add3A_98 = arith.addi %mul3A_96, %add3A_97 : i32
      %mul3A_99 = arith.constant 16 : i32
      %mul3A_100 = arith.muli %add3A_98, %mul3A_99 : i32
      %dma_wait3A_101 = tpu.memref_slice %arg5[%mul3A_100] : memref<256xi32, #tpu.memory_space<vmem>> -> memref<16xi32, #tpu.memory_space<vmem>>
      %dma_wait3A_102 = arith.constant 0 : i32
      %dma_wait3A_103 = arith.constant 0 : i32
      %dma_wait3A_104 = tpu.memref_slice %arg2[%dma_wait3A_102, %dma_wait3A_103] : memref<100000x1024xf32, #tpu.memory_space<hbm>> -> memref<100000x1024xf32, #tpu.memory_space<hbm>>
      tpu.wait_indirect_dma semaphore(%arg10 : memref<!tpu.dma_semaphore, #tpu.memory_space<semaphore_mem>>) src(%dma_wait3A_104 : memref<100000x1024xf32, #tpu.memory_space<hbm>>) dst(%arg6 : memref<16x1024xf32, #tpu.memory_space<vmem>>)
      %add3A_105 = arith.constant 0 : i32
      %add3A_106 = arith.addi %mul3A_96, %add3A_105 : i32
      %mul3A_107 = arith.constant 16 : i32
      %mul3A_108 = arith.muli %add3A_106, %mul3A_107 : i32
      %add3A_109 = arith.addi %mul3A_2, %mul3A_108 : i32
      %dma_start3A_110 = arith.constant 0 : i32
      %dma_start3A_111 = tpu.memref_slice %arg4[%add3A_109, %dma_start3A_110] : memref<8192x1024xf32, #tpu.memory_space<hbm>> -> memref<16x1024xf32, #tpu.memory_space<hbm>>
      %dma_start3A_112 = arith.constant 0 : i32
      %dma_start3A_113 = tpu.memref_slice %arg4[%add3A_109, %dma_start3A_112] : memref<8192x1024xf32, #tpu.memory_space<hbm>> -> memref<16x1024xf32, #tpu.memory_space<hbm>>
      tpu.enqueue_dma source(%arg6 : memref<16x1024xf32, #tpu.memory_space<vmem>>) target(%dma_start3A_113 : memref<16x1024xf32, #tpu.memory_space<hbm>>) target_semaphore(%arg14 : memref<!tpu.dma_semaphore, #tpu.memory_space<semaphore_mem>>)
      %add3A_114 = arith.constant 1 : i32
      %add3A_115 = arith.addi %mul3A_96, %add3A_114 : i32
      %mul3A_116 = arith.constant 16 : i32
      %mul3A_117 = arith.muli %add3A_115, %mul3A_116 : i32
      %dma_wait3A_118 = tpu.memref_slice %arg5[%mul3A_117] : memref<256xi32, #tpu.memory_space<vmem>> -> memref<16xi32, #tpu.memory_space<vmem>>
      %dma_wait3A_119 = arith.constant 0 : i32
      %dma_wait3A_120 = arith.constant 0 : i32
      %dma_wait3A_121 = tpu.memref_slice %arg2[%dma_wait3A_119, %dma_wait3A_120] : memref<100000x1024xf32, #tpu.memory_space<hbm>> -> memref<100000x1024xf32, #tpu.memory_space<hbm>>
      tpu.wait_indirect_dma semaphore(%arg11 : memref<!tpu.dma_semaphore, #tpu.memory_space<semaphore_mem>>) src(%dma_wait3A_121 : memref<100000x1024xf32, #tpu.memory_space<hbm>>) dst(%arg7 : memref<16x1024xf32, #tpu.memory_space<vmem>>)
      %add3A_122 = arith.constant 1 : i32
      %add3A_123 = arith.addi %mul3A_96, %add3A_122 : i32
      %mul3A_124 = arith.constant 16 : i32
      %mul3A_125 = arith.muli %add3A_123, %mul3A_124 : i32
      %add3A_126 = arith.addi %mul3A_2, %mul3A_125 : i32
      %dma_start3A_127 = arith.constant 0 : i32
      %dma_start3A_128 = tpu.memref_slice %arg4[%add3A_126, %dma_start3A_127] : memref<8192x1024xf32, #tpu.memory_space<hbm>> -> memref<16x1024xf32, #tpu.memory_space<hbm>>
      %dma_start3A_129 = arith.constant 0 : i32
      %dma_start3A_130 = tpu.memref_slice %arg4[%add3A_126, %dma_start3A_129] : memref<8192x1024xf32, #tpu.memory_space<hbm>> -> memref<16x1024xf32, #tpu.memory_space<hbm>>
      tpu.enqueue_dma source(%arg7 : memref<16x1024xf32, #tpu.memory_space<vmem>>) target(%dma_start3A_130 : memref<16x1024xf32, #tpu.memory_space<hbm>>) target_semaphore(%arg15 : memref<!tpu.dma_semaphore, #tpu.memory_space<semaphore_mem>>)
      %add3A_131 = arith.constant 2 : i32
      %add3A_132 = arith.addi %mul3A_96, %add3A_131 : i32
      %mul3A_133 = arith.constant 16 : i32
      %mul3A_134 = arith.muli %add3A_132, %mul3A_133 : i32
      %dma_wait3A_135 = tpu.memref_slice %arg5[%mul3A_134] : memref<256xi32, #tpu.memory_space<vmem>> -> memref<16xi32, #tpu.memory_space<vmem>>
      %dma_wait3A_136 = arith.constant 0 : i32
      %dma_wait3A_137 = arith.constant 0 : i32
      %dma_wait3A_138 = tpu.memref_slice %arg2[%dma_wait3A_136, %dma_wait3A_137] : memref<100000x1024xf32, #tpu.memory_space<hbm>> -> memref<100000x1024xf32, #tpu.memory_space<hbm>>
      tpu.wait_indirect_dma semaphore(%arg12 : memref<!tpu.dma_semaphore, #tpu.memory_space<semaphore_mem>>) src(%dma_wait3A_138 : memref<100000x1024xf32, #tpu.memory_space<hbm>>) dst(%arg8 : memref<16x1024xf32, #tpu.memory_space<vmem>>)
      %add3A_139 = arith.constant 2 : i32
      %add3A_140 = arith.addi %mul3A_96, %add3A_139 : i32
      %mul3A_141 = arith.constant 16 : i32
      %mul3A_142 = arith.muli %add3A_140, %mul3A_141 : i32
      %add3A_143 = arith.addi %mul3A_2, %mul3A_142 : i32
      %dma_start3A_144 = arith.constant 0 : i32
      %dma_start3A_145 = tpu.memref_slice %arg4[%add3A_143, %dma_start3A_144] : memref<8192x1024xf32, #tpu.memory_space<hbm>> -> memref<16x1024xf32, #tpu.memory_space<hbm>>
      %dma_start3A_146 = arith.constant 0 : i32
      %dma_start3A_147 = tpu.memref_slice %arg4[%add3A_143, %dma_start3A_146] : memref<8192x1024xf32, #tpu.memory_space<hbm>> -> memref<16x1024xf32, #tpu.memory_space<hbm>>
      tpu.enqueue_dma source(%arg8 : memref<16x1024xf32, #tpu.memory_space<vmem>>) target(%dma_start3A_147 : memref<16x1024xf32, #tpu.memory_space<hbm>>) target_semaphore(%arg16 : memref<!tpu.dma_semaphore, #tpu.memory_space<semaphore_mem>>)
      %add3A_148 = arith.constant 3 : i32
      %add3A_149 = arith.addi %mul3A_96, %add3A_148 : i32
      %mul3A_150 = arith.constant 16 : i32
      %mul3A_151 = arith.muli %add3A_149, %mul3A_150 : i32
      %dma_wait3A_152 = tpu.memref_slice %arg5[%mul3A_151] : memref<256xi32, #tpu.memory_space<vmem>> -> memref<16xi32, #tpu.memory_space<vmem>>
      %dma_wait3A_153 = arith.constant 0 : i32
      %dma_wait3A_154 = arith.constant 0 : i32
      %dma_wait3A_155 = tpu.memref_slice %arg2[%dma_wait3A_153, %dma_wait3A_154] : memref<100000x1024xf32, #tpu.memory_space<hbm>> -> memref<100000x1024xf32, #tpu.memory_space<hbm>>
      tpu.wait_indirect_dma semaphore(%arg13 : memref<!tpu.dma_semaphore, #tpu.memory_space<semaphore_mem>>) src(%dma_wait3A_155 : memref<100000x1024xf32, #tpu.memory_space<hbm>>) dst(%arg9 : memref<16x1024xf32, #tpu.memory_space<vmem>>)
      %add3A_156 = arith.constant 3 : i32
      %add3A_157 = arith.addi %mul3A_96, %add3A_156 : i32
      %mul3A_158 = arith.constant 16 : i32
      %mul3A_159 = arith.muli %add3A_157, %mul3A_158 : i32
      %add3A_160 = arith.addi %mul3A_2, %mul3A_159 : i32
      %dma_start3A_161 = arith.constant 0 : i32
      %dma_start3A_162 = tpu.memref_slice %arg4[%add3A_160, %dma_start3A_161] : memref<8192x1024xf32, #tpu.memory_space<hbm>> -> memref<16x1024xf32, #tpu.memory_space<hbm>>
      %dma_start3A_163 = arith.constant 0 : i32
      %dma_start3A_164 = tpu.memref_slice %arg4[%add3A_160, %dma_start3A_163] : memref<8192x1024xf32, #tpu.memory_space<hbm>> -> memref<16x1024xf32, #tpu.memory_space<hbm>>
      tpu.enqueue_dma source(%arg9 : memref<16x1024xf32, #tpu.memory_space<vmem>>) target(%dma_start3A_164 : memref<16x1024xf32, #tpu.memory_space<hbm>>) target_semaphore(%arg17 : memref<!tpu.dma_semaphore, #tpu.memory_space<semaphore_mem>>)
      %add3A_165 = arith.constant 0 : i32
      %add3A_166 = arith.addi %mul3A_96, %add3A_165 : i32
      %mul3A_167 = arith.constant 16 : i32
      %mul3A_168 = arith.muli %add3A_166, %mul3A_167 : i32
      %add3A_169 = arith.addi %mul3A_2, %mul3A_168 : i32
      %dma_wait3A_170 = arith.constant 0 : i32
      %dma_wait3A_171 = tpu.memref_slice %arg4[%add3A_169, %dma_wait3A_170] : memref<8192x1024xf32, #tpu.memory_space<hbm>> -> memref<16x1024xf32, #tpu.memory_space<hbm>>
      %dma_wait3A_172 = arith.constant 0 : i32
      %dma_wait3A_173 = tpu.memref_slice %arg4[%add3A_169, %dma_wait3A_172] : memref<8192x1024xf32, #tpu.memory_space<hbm>> -> memref<16x1024xf32, #tpu.memory_space<hbm>>
      tpu.wait_dma2 semaphore(%arg14 : memref<!tpu.dma_semaphore, #tpu.memory_space<semaphore_mem>>) src(%arg6 : memref<16x1024xf32, #tpu.memory_space<vmem>>) dst(%dma_wait3A_173 : memref<16x1024xf32, #tpu.memory_space<hbm>>)
      %add3A_174 = arith.constant 4 : i32
      %add3A_175 = arith.addi %mul3A_96, %add3A_174 : i32
      %add3A_176 = arith.constant 0 : i32
      %add3A_177 = arith.addi %add3A_175, %add3A_176 : i32
      %mul3A_178 = arith.constant 16 : i32
      %mul3A_179 = arith.muli %add3A_177, %mul3A_178 : i32
      %dma_start3A_180 = tpu.memref_slice %arg5[%mul3A_179] : memref<256xi32, #tpu.memory_space<vmem>> -> memref<16xi32, #tpu.memory_space<vmem>>
      %dma_start3A_181 = arith.constant 0 : i32
      %dma_start3A_182 = arith.constant 0 : i32
      %dma_start3A_183 = tpu.memref_slice %arg2[%dma_start3A_181, %dma_start3A_182] : memref<100000x1024xf32, #tpu.memory_space<hbm>> -> memref<100000x1024xf32, #tpu.memory_space<hbm>>
      tpu.enqueue_indirect_dma source(%dma_start3A_183 : memref<100000x1024xf32, #tpu.memory_space<hbm>>) target(%arg6 : memref<16x1024xf32, #tpu.memory_space<vmem>>) offsets(%dma_start3A_180 : memref<16xi32, #tpu.memory_space<vmem>>) semaphore(%arg10 : memref<!tpu.dma_semaphore, #tpu.memory_space<semaphore_mem>>)
      %add3A_184 = arith.constant 1 : i32
      %add3A_185 = arith.addi %mul3A_96, %add3A_184 : i32
      %mul3A_186 = arith.constant 16 : i32
      %mul3A_187 = arith.muli %add3A_185, %mul3A_186 : i32
      %add3A_188 = arith.addi %mul3A_2, %mul3A_187 : i32
      %dma_wait3A_189 = arith.constant 0 : i32
      %dma_wait3A_190 = tpu.memref_slice %arg4[%add3A_188, %dma_wait3A_189] : memref<8192x1024xf32, #tpu.memory_space<hbm>> -> memref<16x1024xf32, #tpu.memory_space<hbm>>
      %dma_wait3A_191 = arith.constant 0 : i32
      %dma_wait3A_192 = tpu.memref_slice %arg4[%add3A_188, %dma_wait3A_191] : memref<8192x1024xf32, #tpu.memory_space<hbm>> -> memref<16x1024xf32, #tpu.memory_space<hbm>>
      tpu.wait_dma2 semaphore(%arg15 : memref<!tpu.dma_semaphore, #tpu.memory_space<semaphore_mem>>) src(%arg7 : memref<16x1024xf32, #tpu.memory_space<vmem>>) dst(%dma_wait3A_192 : memref<16x1024xf32, #tpu.memory_space<hbm>>)
      %add3A_193 = arith.constant 4 : i32
      %add3A_194 = arith.addi %mul3A_96, %add3A_193 : i32
      %add3A_195 = arith.constant 1 : i32
      %add3A_196 = arith.addi %add3A_194, %add3A_195 : i32
      %mul3A_197 = arith.constant 16 : i32
      %mul3A_198 = arith.muli %add3A_196, %mul3A_197 : i32
      %dma_start3A_199 = tpu.memref_slice %arg5[%mul3A_198] : memref<256xi32, #tpu.memory_space<vmem>> -> memref<16xi32, #tpu.memory_space<vmem>>
      %dma_start3A_200 = arith.constant 0 : i32
      %dma_start3A_201 = arith.constant 0 : i32
      %dma_start3A_202 = tpu.memref_slice %arg2[%dma_start3A_200, %dma_start3A_201] : memref<100000x1024xf32, #tpu.memory_space<hbm>> -> memref<100000x1024xf32, #tpu.memory_space<hbm>>
      tpu.enqueue_indirect_dma source(%dma_start3A_202 : memref<100000x1024xf32, #tpu.memory_space<hbm>>) target(%arg7 : memref<16x1024xf32, #tpu.memory_space<vmem>>) offsets(%dma_start3A_199 : memref<16xi32, #tpu.memory_space<vmem>>) semaphore(%arg11 : memref<!tpu.dma_semaphore, #tpu.memory_space<semaphore_mem>>)
      %add3A_203 = arith.constant 2 : i32
      %add3A_204 = arith.addi %mul3A_96, %add3A_203 : i32
      %mul3A_205 = arith.constant 16 : i32
      %mul3A_206 = arith.muli %add3A_204, %mul3A_205 : i32
      %add3A_207 = arith.addi %mul3A_2, %mul3A_206 : i32
      %dma_wait3A_208 = arith.constant 0 : i32
      %dma_wait3A_209 = tpu.memref_slice %arg4[%add3A_207, %dma_wait3A_208] : memref<8192x1024xf32, #tpu.memory_space<hbm>> -> memref<16x1024xf32, #tpu.memory_space<hbm>>
      %dma_wait3A_210 = arith.constant 0 : i32
      %dma_wait3A_211 = tpu.memref_slice %arg4[%add3A_207, %dma_wait3A_210] : memref<8192x1024xf32, #tpu.memory_space<hbm>> -> memref<16x1024xf32, #tpu.memory_space<hbm>>
      tpu.wait_dma2 semaphore(%arg16 : memref<!tpu.dma_semaphore, #tpu.memory_space<semaphore_mem>>) src(%arg8 : memref<16x1024xf32, #tpu.memory_space<vmem>>) dst(%dma_wait3A_211 : memref<16x1024xf32, #tpu.memory_space<hbm>>)
      %add3A_212 = arith.constant 4 : i32
      %add3A_213 = arith.addi %mul3A_96, %add3A_212 : i32
      %add3A_214 = arith.constant 2 : i32
      %add3A_215 = arith.addi %add3A_213, %add3A_214 : i32
      %mul3A_216 = arith.constant 16 : i32
      %mul3A_217 = arith.muli %add3A_215, %mul3A_216 : i32
      %dma_start3A_218 = tpu.memref_slice %arg5[%mul3A_217] : memref<256xi32, #tpu.memory_space<vmem>> -> memref<16xi32, #tpu.memory_space<vmem>>
      %dma_start3A_219 = arith.constant 0 : i32
      %dma_start3A_220 = arith.constant 0 : i32
      %dma_start3A_221 = tpu.memref_slice %arg2[%dma_start3A_219, %dma_start3A_220] : memref<100000x1024xf32, #tpu.memory_space<hbm>> -> memref<100000x1024xf32, #tpu.memory_space<hbm>>
      tpu.enqueue_indirect_dma source(%dma_start3A_221 : memref<100000x1024xf32, #tpu.memory_space<hbm>>) target(%arg8 : memref<16x1024xf32, #tpu.memory_space<vmem>>) offsets(%dma_start3A_218 : memref<16xi32, #tpu.memory_space<vmem>>) semaphore(%arg12 : memref<!tpu.dma_semaphore, #tpu.memory_space<semaphore_mem>>)
      %add3A_222 = arith.constant 3 : i32
      %add3A_223 = arith.addi %mul3A_96, %add3A_222 : i32
      %mul3A_224 = arith.constant 16 : i32
      %mul3A_225 = arith.muli %add3A_223, %mul3A_224 : i32
      %add3A_226 = arith.addi %mul3A_2, %mul3A_225 : i32
      %dma_wait3A_227 = arith.constant 0 : i32
      %dma_wait3A_228 = tpu.memref_slice %arg4[%add3A_226, %dma_wait3A_227] : memref<8192x1024xf32, #tpu.memory_space<hbm>> -> memref<16x1024xf32, #tpu.memory_space<hbm>>
      %dma_wait3A_229 = arith.constant 0 : i32
      %dma_wait3A_230 = tpu.memref_slice %arg4[%add3A_226, %dma_wait3A_229] : memref<8192x1024xf32, #tpu.memory_space<hbm>> -> memref<16x1024xf32, #tpu.memory_space<hbm>>
      tpu.wait_dma2 semaphore(%arg17 : memref<!tpu.dma_semaphore, #tpu.memory_space<semaphore_mem>>) src(%arg9 : memref<16x1024xf32, #tpu.memory_space<vmem>>) dst(%dma_wait3A_230 : memref<16x1024xf32, #tpu.memory_space<hbm>>)
      %add3A_231 = arith.constant 4 : i32
      %add3A_232 = arith.addi %mul3A_96, %add3A_231 : i32
      %add3A_233 = arith.constant 3 : i32
      %add3A_234 = arith.addi %add3A_232, %add3A_233 : i32
      %mul3A_235 = arith.constant 16 : i32
      %mul3A_236 = arith.muli %add3A_234, %mul3A_235 : i32
      %dma_start3A_237 = tpu.memref_slice %arg5[%mul3A_236] : memref<256xi32, #tpu.memory_space<vmem>> -> memref<16xi32, #tpu.memory_space<vmem>>
      %dma_start3A_238 = arith.constant 0 : i32
      %dma_start3A_239 = arith.constant 0 : i32
      %dma_start3A_240 = tpu.memref_slice %arg2[%dma_start3A_238, %dma_start3A_239] : memref<100000x1024xf32, #tpu.memory_space<hbm>> -> memref<100000x1024xf32, #tpu.memory_space<hbm>>
      tpu.enqueue_indirect_dma source(%dma_start3A_240 : memref<100000x1024xf32, #tpu.memory_space<hbm>>) target(%arg9 : memref<16x1024xf32, #tpu.memory_space<vmem>>) offsets(%dma_start3A_237 : memref<16xi32, #tpu.memory_space<vmem>>) semaphore(%arg13 : memref<!tpu.dma_semaphore, #tpu.memory_space<semaphore_mem>>)
    }
    %scan3A_26 = arith.constant 3 : i32
    %dma_wait3A = arith.constant 192 : i32
    %dma_wait3A_27 = tpu.memref_slice %arg5[%dma_wait3A] : memref<256xi32, #tpu.memory_space<vmem>> -> memref<16xi32, #tpu.memory_space<vmem>>
    %dma_wait3A_28 = arith.constant 0 : i32
    %dma_wait3A_29 = arith.constant 0 : i32
    %dma_wait3A_30 = tpu.memref_slice %arg2[%dma_wait3A_28, %dma_wait3A_29] : memref<100000x1024xf32, #tpu.memory_space<hbm>> -> memref<100000x1024xf32, #tpu.memory_space<hbm>>
    tpu.wait_indirect_dma semaphore(%arg10 : memref<!tpu.dma_semaphore, #tpu.memory_space<semaphore_mem>>) src(%dma_wait3A_30 : memref<100000x1024xf32, #tpu.memory_space<hbm>>) dst(%arg6 : memref<16x1024xf32, #tpu.memory_space<vmem>>)
    %add3A_31 = arith.constant 192 : i32
    %add3A_32 = arith.addi %mul3A_2, %add3A_31 : i32
    %dma_start3A_33 = arith.constant 0 : i32
    %dma_start3A_34 = tpu.memref_slice %arg4[%add3A_32, %dma_start3A_33] : memref<8192x1024xf32, #tpu.memory_space<hbm>> -> memref<16x1024xf32, #tpu.memory_space<hbm>>
    %dma_start3A_35 = arith.constant 0 : i32
    %dma_start3A_36 = tpu.memref_slice %arg4[%add3A_32, %dma_start3A_35] : memref<8192x1024xf32, #tpu.memory_space<hbm>> -> memref<16x1024xf32, #tpu.memory_space<hbm>>
    tpu.enqueue_dma source(%arg6 : memref<16x1024xf32, #tpu.memory_space<vmem>>) target(%dma_start3A_36 : memref<16x1024xf32, #tpu.memory_space<hbm>>) target_semaphore(%arg14 : memref<!tpu.dma_semaphore, #tpu.memory_space<semaphore_mem>>)
    %dma_wait3A_37 = arith.constant 208 : i32
    %dma_wait3A_38 = tpu.memref_slice %arg5[%dma_wait3A_37] : memref<256xi32, #tpu.memory_space<vmem>> -> memref<16xi32, #tpu.memory_space<vmem>>
    %dma_wait3A_39 = arith.constant 0 : i32
    %dma_wait3A_40 = arith.constant 0 : i32
    %dma_wait3A_41 = tpu.memref_slice %arg2[%dma_wait3A_39, %dma_wait3A_40] : memref<100000x1024xf32, #tpu.memory_space<hbm>> -> memref<100000x1024xf32, #tpu.memory_space<hbm>>
    tpu.wait_indirect_dma semaphore(%arg11 : memref<!tpu.dma_semaphore, #tpu.memory_space<semaphore_mem>>) src(%dma_wait3A_41 : memref<100000x1024xf32, #tpu.memory_space<hbm>>) dst(%arg7 : memref<16x1024xf32, #tpu.memory_space<vmem>>)
    %add3A_42 = arith.constant 208 : i32
    %add3A_43 = arith.addi %mul3A_2, %add3A_42 : i32
    %dma_start3A_44 = arith.constant 0 : i32
    %dma_start3A_45 = tpu.memref_slice %arg4[%add3A_43, %dma_start3A_44] : memref<8192x1024xf32, #tpu.memory_space<hbm>> -> memref<16x1024xf32, #tpu.memory_space<hbm>>
    %dma_start3A_46 = arith.constant 0 : i32
    %dma_start3A_47 = tpu.memref_slice %arg4[%add3A_43, %dma_start3A_46] : memref<8192x1024xf32, #tpu.memory_space<hbm>> -> memref<16x1024xf32, #tpu.memory_space<hbm>>
    tpu.enqueue_dma source(%arg7 : memref<16x1024xf32, #tpu.memory_space<vmem>>) target(%dma_start3A_47 : memref<16x1024xf32, #tpu.memory_space<hbm>>) target_semaphore(%arg15 : memref<!tpu.dma_semaphore, #tpu.memory_space<semaphore_mem>>)
    %dma_wait3A_48 = arith.constant 224 : i32
    %dma_wait3A_49 = tpu.memref_slice %arg5[%dma_wait3A_48] : memref<256xi32, #tpu.memory_space<vmem>> -> memref<16xi32, #tpu.memory_space<vmem>>
    %dma_wait3A_50 = arith.constant 0 : i32
    %dma_wait3A_51 = arith.constant 0 : i32
    %dma_wait3A_52 = tpu.memref_slice %arg2[%dma_wait3A_50, %dma_wait3A_51] : memref<100000x1024xf32, #tpu.memory_space<hbm>> -> memref<100000x1024xf32, #tpu.memory_space<hbm>>
    tpu.wait_indirect_dma semaphore(%arg12 : memref<!tpu.dma_semaphore, #tpu.memory_space<semaphore_mem>>) src(%dma_wait3A_52 : memref<100000x1024xf32, #tpu.memory_space<hbm>>) dst(%arg8 : memref<16x1024xf32, #tpu.memory_space<vmem>>)
    %add3A_53 = arith.constant 224 : i32
    %add3A_54 = arith.addi %mul3A_2, %add3A_53 : i32
    %dma_start3A_55 = arith.constant 0 : i32
    %dma_start3A_56 = tpu.memref_slice %arg4[%add3A_54, %dma_start3A_55] : memref<8192x1024xf32, #tpu.memory_space<hbm>> -> memref<16x1024xf32, #tpu.memory_space<hbm>>
    %dma_start3A_57 = arith.constant 0 : i32
    %dma_start3A_58 = tpu.memref_slice %arg4[%add3A_54, %dma_start3A_57] : memref<8192x1024xf32, #tpu.memory_space<hbm>> -> memref<16x1024xf32, #tpu.memory_space<hbm>>
    tpu.enqueue_dma source(%arg8 : memref<16x1024xf32, #tpu.memory_space<vmem>>) target(%dma_start3A_58 : memref<16x1024xf32, #tpu.memory_space<hbm>>) target_semaphore(%arg16 : memref<!tpu.dma_semaphore, #tpu.memory_space<semaphore_mem>>)
    %dma_wait3A_59 = arith.constant 240 : i32
    %dma_wait3A_60 = tpu.memref_slice %arg5[%dma_wait3A_59] : memref<256xi32, #tpu.memory_space<vmem>> -> memref<16xi32, #tpu.memory_space<vmem>>
    %dma_wait3A_61 = arith.constant 0 : i32
    %dma_wait3A_62 = arith.constant 0 : i32
    %dma_wait3A_63 = tpu.memref_slice %arg2[%dma_wait3A_61, %dma_wait3A_62] : memref<100000x1024xf32, #tpu.memory_space<hbm>> -> memref<100000x1024xf32, #tpu.memory_space<hbm>>
    tpu.wait_indirect_dma semaphore(%arg13 : memref<!tpu.dma_semaphore, #tpu.memory_space<semaphore_mem>>) src(%dma_wait3A_63 : memref<100000x1024xf32, #tpu.memory_space<hbm>>) dst(%arg9 : memref<16x1024xf32, #tpu.memory_space<vmem>>)
    %add3A_64 = arith.constant 240 : i32
    %add3A_65 = arith.addi %mul3A_2, %add3A_64 : i32
    %dma_start3A_66 = arith.constant 0 : i32
    %dma_start3A_67 = tpu.memref_slice %arg4[%add3A_65, %dma_start3A_66] : memref<8192x1024xf32, #tpu.memory_space<hbm>> -> memref<16x1024xf32, #tpu.memory_space<hbm>>
    %dma_start3A_68 = arith.constant 0 : i32
    %dma_start3A_69 = tpu.memref_slice %arg4[%add3A_65, %dma_start3A_68] : memref<8192x1024xf32, #tpu.memory_space<hbm>> -> memref<16x1024xf32, #tpu.memory_space<hbm>>
    tpu.enqueue_dma source(%arg9 : memref<16x1024xf32, #tpu.memory_space<vmem>>) target(%dma_start3A_69 : memref<16x1024xf32, #tpu.memory_space<hbm>>) target_semaphore(%arg17 : memref<!tpu.dma_semaphore, #tpu.memory_space<semaphore_mem>>)
    %add3A_70 = arith.constant 192 : i32
    %add3A_71 = arith.addi %mul3A_2, %add3A_70 : i32
    %dma_wait3A_72 = arith.constant 0 : i32
    %dma_wait3A_73 = tpu.memref_slice %arg4[%add3A_71, %dma_wait3A_72] : memref<8192x1024xf32, #tpu.memory_space<hbm>> -> memref<16x1024xf32, #tpu.memory_space<hbm>>
    %dma_wait3A_74 = arith.constant 0 : i32
    %dma_wait3A_75 = tpu.memref_slice %arg4[%add3A_71, %dma_wait3A_74] : memref<8192x1024xf32, #tpu.memory_space<hbm>> -> memref<16x1024xf32, #tpu.memory_space<hbm>>
    tpu.wait_dma2 semaphore(%arg14 : memref<!tpu.dma_semaphore, #tpu.memory_space<semaphore_mem>>) src(%arg6 : memref<16x1024xf32, #tpu.memory_space<vmem>>) dst(%dma_wait3A_75 : memref<16x1024xf32, #tpu.memory_space<hbm>>)
    %add3A_76 = arith.constant 208 : i32
    %add3A_77 = arith.addi %mul3A_2, %add3A_76 : i32
    %dma_wait3A_78 = arith.constant 0 : i32
    %dma_wait3A_79 = tpu.memref_slice %arg4[%add3A_77, %dma_wait3A_78] : memref<8192x1024xf32, #tpu.memory_space<hbm>> -> memref<16x1024xf32, #tpu.memory_space<hbm>>
    %dma_wait3A_80 = arith.constant 0 : i32
    %dma_wait3A_81 = tpu.memref_slice %arg4[%add3A_77, %dma_wait3A_80] : memref<8192x1024xf32, #tpu.memory_space<hbm>> -> memref<16x1024xf32, #tpu.memory_space<hbm>>
    tpu.wait_dma2 semaphore(%arg15 : memref<!tpu.dma_semaphore, #tpu.memory_space<semaphore_mem>>) src(%arg7 : memref<16x1024xf32, #tpu.memory_space<vmem>>) dst(%dma_wait3A_81 : memref<16x1024xf32, #tpu.memory_space<hbm>>)
    %add3A_82 = arith.constant 224 : i32
    %add3A_83 = arith.addi %mul3A_2, %add3A_82 : i32
    %dma_wait3A_84 = arith.constant 0 : i32
    %dma_wait3A_85 = tpu.memref_slice %arg4[%add3A_83, %dma_wait3A_84] : memref<8192x1024xf32, #tpu.memory_space<hbm>> -> memref<16x1024xf32, #tpu.memory_space<hbm>>
    %dma_wait3A_86 = arith.constant 0 : i32
    %dma_wait3A_87 = tpu.memref_slice %arg4[%add3A_83, %dma_wait3A_86] : memref<8192x1024xf32, #tpu.memory_space<hbm>> -> memref<16x1024xf32, #tpu.memory_space<hbm>>
    tpu.wait_dma2 semaphore(%arg16 : memref<!tpu.dma_semaphore, #tpu.memory_space<semaphore_mem>>) src(%arg8 : memref<16x1024xf32, #tpu.memory_space<vmem>>) dst(%dma_wait3A_87 : memref<16x1024xf32, #tpu.memory_space<hbm>>)
    %add3A_88 = arith.constant 240 : i32
    %add3A_89 = arith.addi %mul3A_2, %add3A_88 : i32
    %dma_wait3A_90 = arith.constant 0 : i32
    %dma_wait3A_91 = tpu.memref_slice %arg4[%add3A_89, %dma_wait3A_90] : memref<8192x1024xf32, #tpu.memory_space<hbm>> -> memref<16x1024xf32, #tpu.memory_space<hbm>>
    %dma_wait3A_92 = arith.constant 0 : i32
    %dma_wait3A_93 = tpu.memref_slice %arg4[%add3A_89, %dma_wait3A_92] : memref<8192x1024xf32, #tpu.memory_space<hbm>> -> memref<16x1024xf32, #tpu.memory_space<hbm>>
    tpu.wait_dma2 semaphore(%arg17 : memref<!tpu.dma_semaphore, #tpu.memory_space<semaphore_mem>>) src(%arg9 : memref<16x1024xf32, #tpu.memory_space<vmem>>) dst(%dma_wait3A_93 : memref<16x1024xf32, #tpu.memory_space<hbm>>)
    return
  }
}

#map = affine_map<(d0, d1) -> (0, 0)>
#map1 = affine_map<(d0, d1) -> (0)>
module attributes {stable_mosaic.version = 14 : i64} {
  func.func @gather_kernel(%arg0: i32, %arg1: i32, %arg2: memref<100000x1024xf32, #tpu.memory_space<hbm>>, %arg3: memref<8192xi32, #tpu.memory_space<hbm>>, %arg4: memref<8192x1024xf32, #tpu.memory_space<hbm>>, %arg5: memref<256xi32, #tpu.memory_space<vmem>>, %arg6: memref<16x1024xf32, #tpu.memory_space<vmem>>, %arg7: memref<16x1024xf32, #tpu.memory_space<vmem>>, %arg8: memref<16x1024xf32, #tpu.memory_space<vmem>>, %arg9: memref<16x1024xf32, #tpu.memory_space<vmem>>, %arg10: memref<!tpu.dma_semaphore, #tpu.memory_space<semaphore_mem>>, %arg11: memref<!tpu.dma_semaphore, #tpu.memory_space<semaphore_mem>>, %arg12: memref<!tpu.dma_semaphore, #tpu.memory_space<semaphore_mem>>, %arg13: memref<!tpu.dma_semaphore, #tpu.memory_space<semaphore_mem>>, %arg14: memref<!tpu.dma_semaphore, #tpu.memory_space<semaphore_mem>>, %arg15: memref<!tpu.dma_semaphore, #tpu.memory_space<semaphore_mem>>, %arg16: memref<!tpu.dma_semaphore, #tpu.memory_space<semaphore_mem>>, %arg17: memref<!tpu.dma_semaphore, #tpu.memory_space<semaphore_mem>>) attributes {dimension_semantics = [#tpu.dimension_semantics<core_parallel>, #tpu.dimension_semantics<subcore_parallel>], iteration_bounds = array<i64: 2, 16>, scalar_prefetch = 0 : i64, scratch_operands = 13 : i64, tpu.core_type = #tpu.core_type<sc_vector_subcore>, window_params = [{transform_indices = #map}, {transform_indices = #map1}, {transform_indices = #map}]} {
    %mul3A = arith.constant 2 : i32
    %mul3A_0 = arith.muli %arg1, %mul3A : i32
    %add3A = arith.addi %mul3A_0, %arg0 : i32
    %mul3A_1 = arith.constant 256 : i32
    %mul3A_2 = arith.muli %add3A, %mul3A_1 : i32
    "tpu.region"() ({
      %run_scoped3A = tpu.sem_alloc : memref<!tpu.dma_semaphore, #tpu.memory_space<semaphore_mem>>
      %dma_start3A_94 = tpu.memref_slice %arg3[%mul3A_2] : memref<8192xi32, #tpu.memory_space<hbm>> -> memref<256xi32, #tpu.memory_space<hbm>>
      %dma_start3A_95 = tpu.memref_slice %arg3[%mul3A_2] : memref<8192xi32, #tpu.memory_space<hbm>> -> memref<256xi32, #tpu.memory_space<hbm>>
      tpu.enqueue_dma source(%dma_start3A_95 : memref<256xi32, #tpu.memory_space<hbm>>) target(%arg5 : memref<256xi32, #tpu.memory_space<vmem>>) target_semaphore(%run_scoped3A : memref<!tpu.dma_semaphore, #tpu.memory_space<semaphore_mem>>)
      %dma_wait3A_96 = tpu.memref_slice %arg3[%mul3A_2] : memref<8192xi32, #tpu.memory_space<hbm>> -> memref<256xi32, #tpu.memory_space<hbm>>
      %dma_wait3A_97 = tpu.memref_slice %arg3[%mul3A_2] : memref<8192xi32, #tpu.memory_space<hbm>> -> memref<256xi32, #tpu.memory_space<hbm>>
      tpu.wait_dma2 semaphore(%run_scoped3A : memref<!tpu.dma_semaphore, #tpu.memory_space<semaphore_mem>>) src(%dma_wait3A_97 : memref<256xi32, #tpu.memory_space<hbm>>) dst(%arg5 : memref<256xi32, #tpu.memory_space<vmem>>)
      tpu.yield
    }) : () -> ()
    %dma_start3A = arith.constant 0 : i32
    %dma_start3A_3 = tpu.memref_slice %arg5[%dma_start3A] : memref<256xi32, #tpu.memory_space<vmem>> -> memref<16xi32, #tpu.memory_space<vmem>>
    %dma_start3A_4 = arith.constant 0 : i32
    %dma_start3A_5 = arith.constant 0 : i32
    %dma_start3A_6 = tpu.memref_slice %arg2[%dma_start3A_4, %dma_start3A_5] : memref<100000x1024xf32, #tpu.memory_space<hbm>> -> memref<100000x1024xf32, #tpu.memory_space<hbm>>
    tpu.enqueue_indirect_dma source(%dma_start3A_6 : memref<100000x1024xf32, #tpu.memory_space<hbm>>) target(%arg6 : memref<16x1024xf32, #tpu.memory_space<vmem>>) offsets(%dma_start3A_3 : memref<16xi32, #tpu.memory_space<vmem>>) semaphore(%arg10 : memref<!tpu.dma_semaphore, #tpu.memory_space<semaphore_mem>>)
    %dma_start3A_7 = arith.constant 16 : i32
    %dma_start3A_8 = tpu.memref_slice %arg5[%dma_start3A_7] : memref<256xi32, #tpu.memory_space<vmem>> -> memref<16xi32, #tpu.memory_space<vmem>>
    %dma_start3A_9 = arith.constant 0 : i32
    %dma_start3A_10 = arith.constant 0 : i32
    %dma_start3A_11 = tpu.memref_slice %arg2[%dma_start3A_9, %dma_start3A_10] : memref<100000x1024xf32, #tpu.memory_space<hbm>> -> memref<100000x1024xf32, #tpu.memory_space<hbm>>
    tpu.enqueue_indirect_dma source(%dma_start3A_11 : memref<100000x1024xf32, #tpu.memory_space<hbm>>) target(%arg7 : memref<16x1024xf32, #tpu.memory_space<vmem>>) offsets(%dma_start3A_8 : memref<16xi32, #tpu.memory_space<vmem>>) semaphore(%arg11 : memref<!tpu.dma_semaphore, #tpu.memory_space<semaphore_mem>>)
    %dma_start3A_12 = arith.constant 32 : i32
    %dma_start3A_13 = tpu.memref_slice %arg5[%dma_start3A_12] : memref<256xi32, #tpu.memory_space<vmem>> -> memref<16xi32, #tpu.memory_space<vmem>>
    %dma_start3A_14 = arith.constant 0 : i32
    %dma_start3A_15 = arith.constant 0 : i32
    %dma_start3A_16 = tpu.memref_slice %arg2[%dma_start3A_14, %dma_start3A_15] : memref<100000x1024xf32, #tpu.memory_space<hbm>> -> memref<100000x1024xf32, #tpu.memory_space<hbm>>
    tpu.enqueue_indirect_dma source(%dma_start3A_16 : memref<100000x1024xf32, #tpu.memory_space<hbm>>) target(%arg8 : memref<16x1024xf32, #tpu.memory_space<vmem>>) offsets(%dma_start3A_13 : memref<16xi32, #tpu.memory_space<vmem>>) semaphore(%arg12 : memref<!tpu.dma_semaphore, #tpu.memory_space<semaphore_mem>>)
    %dma_start3A_17 = arith.constant 48 : i32
    %dma_start3A_18 = tpu.memref_slice %arg5[%dma_start3A_17] : memref<256xi32, #tpu.memory_space<vmem>> -> memref<16xi32, #tpu.memory_space<vmem>>
    %dma_start3A_19 = arith.constant 0 : i32
    %dma_start3A_20 = arith.constant 0 : i32
    %dma_start3A_21 = tpu.memref_slice %arg2[%dma_start3A_19, %dma_start3A_20] : memref<100000x1024xf32, #tpu.memory_space<hbm>> -> memref<100000x1024xf32, #tpu.memory_space<hbm>>
    tpu.enqueue_indirect_dma source(%dma_start3A_21 : memref<100000x1024xf32, #tpu.memory_space<hbm>>) target(%arg9 : memref<16x1024xf32, #tpu.memory_space<vmem>>) offsets(%dma_start3A_18 : memref<16xi32, #tpu.memory_space<vmem>>) semaphore(%arg13 : memref<!tpu.dma_semaphore, #tpu.memory_space<semaphore_mem>>)
    %scan3A = arith.constant 0 : i32
    %scan3A_22 = arith.constant 0 : i32
    %scan3A_23 = arith.constant 3 : i32
    %scan3A_24 = arith.addi %scan3A_22, %scan3A_23 : i32
    %scan3A_25 = arith.constant 1 : i32
    scf.for %scan3A_94 = %scan3A_22 to %scan3A_24 step %scan3A_25  : i32 {
      %mul3A_95 = arith.constant 4 : i32
      %mul3A_96 = arith.muli %scan3A_94, %mul3A_95 : i32
      %add3A_97 = arith.constant 0 : i32
      %add3A_98 = arith.addi %mul3A_96, %add3A_97 : i32
      %mul3A_99 = arith.constant 16 : i32
      %mul3A_100 = arith.muli %add3A_98, %mul3A_99 : i32
      %dma_wait3A_101 = tpu.memref_slice %arg5[%mul3A_100] : memref<256xi32, #tpu.memory_space<vmem>> -> memref<16xi32, #tpu.memory_space<vmem>>
      %dma_wait3A_102 = arith.constant 0 : i32
      %dma_wait3A_103 = arith.constant 0 : i32
      %dma_wait3A_104 = tpu.memref_slice %arg2[%dma_wait3A_102, %dma_wait3A_103] : memref<100000x1024xf32, #tpu.memory_space<hbm>> -> memref<100000x1024xf32, #tpu.memory_space<hbm>>
      tpu.wait_indirect_dma semaphore(%arg10 : memref<!tpu.dma_semaphore, #tpu.memory_space<semaphore_mem>>) src(%dma_wait3A_104 : memref<100000x1024xf32, #tpu.memory_space<hbm>>) dst(%arg6 : memref<16x1024xf32, #tpu.memory_space<vmem>>)
      %add3A_105 = arith.constant 0 : i32
      %add3A_106 = arith.addi %mul3A_96, %add3A_105 : i32
      %mul3A_107 = arith.constant 16 : i32
      %mul3A_108 = arith.muli %add3A_106, %mul3A_107 : i32
      %add3A_109 = arith.addi %mul3A_2, %mul3A_108 : i32
      %dma_start3A_110 = arith.constant 0 : i32
      %dma_start3A_111 = tpu.memref_slice %arg4[%add3A_109, %dma_start3A_110] : memref<8192x1024xf32, #tpu.memory_space<hbm>> -> memref<16x1024xf32, #tpu.memory_space<hbm>>
      %dma_start3A_112 = arith.constant 0 : i32
      %dma_start3A_113 = tpu.memref_slice %arg4[%add3A_109, %dma_start3A_112] : memref<8192x1024xf32, #tpu.memory_space<hbm>> -> memref<16x1024xf32, #tpu.memory_space<hbm>>
      tpu.enqueue_dma source(%arg6 : memref<16x1024xf32, #tpu.memory_space<vmem>>) target(%dma_start3A_113 : memref<16x1024xf32, #tpu.memory_space<hbm>>) target_semaphore(%arg14 : memref<!tpu.dma_semaphore, #tpu.memory_space<semaphore_mem>>)
      %add3A_114 = arith.constant 1 : i32
      %add3A_115 = arith.addi %mul3A_96, %add3A_114 : i32
      %mul3A_116 = arith.constant 16 : i32
      %mul3A_117 = arith.muli %add3A_115, %mul3A_116 : i32
      %dma_wait3A_118 = tpu.memref_slice %arg5[%mul3A_117] : memref<256xi32, #tpu.memory_space<vmem>> -> memref<16xi32, #tpu.memory_space<vmem>>
      %dma_wait3A_119 = arith.constant 0 : i32
      %dma_wait3A_120 = arith.constant 0 : i32
      %dma_wait3A_121 = tpu.memref_slice %arg2[%dma_wait3A_119, %dma_wait3A_120] : memref<100000x1024xf32, #tpu.memory_space<hbm>> -> memref<100000x1024xf32, #tpu.memory_space<hbm>>
      tpu.wait_indirect_dma semaphore(%arg11 : memref<!tpu.dma_semaphore, #tpu.memory_space<semaphore_mem>>) src(%dma_wait3A_121 : memref<100000x1024xf32, #tpu.memory_space<hbm>>) dst(%arg7 : memref<16x1024xf32, #tpu.memory_space<vmem>>)
      %add3A_122 = arith.constant 1 : i32
      %add3A_123 = arith.addi %mul3A_96, %add3A_122 : i32
      %mul3A_124 = arith.constant 16 : i32
      %mul3A_125 = arith.muli %add3A_123, %mul3A_124 : i32
      %add3A_126 = arith.addi %mul3A_2, %mul3A_125 : i32
      %dma_start3A_127 = arith.constant 0 : i32
      %dma_start3A_128 = tpu.memref_slice %arg4[%add3A_126, %dma_start3A_127] : memref<8192x1024xf32, #tpu.memory_space<hbm>> -> memref<16x1024xf32, #tpu.memory_space<hbm>>
      %dma_start3A_129 = arith.constant 0 : i32
      %dma_start3A_130 = tpu.memref_slice %arg4[%add3A_126, %dma_start3A_129] : memref<8192x1024xf32, #tpu.memory_space<hbm>> -> memref<16x1024xf32, #tpu.memory_space<hbm>>
      tpu.enqueue_dma source(%arg7 : memref<16x1024xf32, #tpu.memory_space<vmem>>) target(%dma_start3A_130 : memref<16x1024xf32, #tpu.memory_space<hbm>>) target_semaphore(%arg15 : memref<!tpu.dma_semaphore, #tpu.memory_space<semaphore_mem>>)
      %add3A_131 = arith.constant 2 : i32
      %add3A_132 = arith.addi %mul3A_96, %add3A_131 : i32
      %mul3A_133 = arith.constant 16 : i32
      %mul3A_134 = arith.muli %add3A_132, %mul3A_133 : i32
      %dma_wait3A_135 = tpu.memref_slice %arg5[%mul3A_134] : memref<256xi32, #tpu.memory_space<vmem>> -> memref<16xi32, #tpu.memory_space<vmem>>
      %dma_wait3A_136 = arith.constant 0 : i32
      %dma_wait3A_137 = arith.constant 0 : i32
      %dma_wait3A_138 = tpu.memref_slice %arg2[%dma_wait3A_136, %dma_wait3A_137] : memref<100000x1024xf32, #tpu.memory_space<hbm>> -> memref<100000x1024xf32, #tpu.memory_space<hbm>>
      tpu.wait_indirect_dma semaphore(%arg12 : memref<!tpu.dma_semaphore, #tpu.memory_space<semaphore_mem>>) src(%dma_wait3A_138 : memref<100000x1024xf32, #tpu.memory_space<hbm>>) dst(%arg8 : memref<16x1024xf32, #tpu.memory_space<vmem>>)
      %add3A_139 = arith.constant 2 : i32
      %add3A_140 = arith.addi %mul3A_96, %add3A_139 : i32
      %mul3A_141 = arith.constant 16 : i32
      %mul3A_142 = arith.muli %add3A_140, %mul3A_141 : i32
      %add3A_143 = arith.addi %mul3A_2, %mul3A_142 : i32
      %dma_start3A_144 = arith.constant 0 : i32
      %dma_start3A_145 = tpu.memref_slice %arg4[%add3A_143, %dma_start3A_144] : memref<8192x1024xf32, #tpu.memory_space<hbm>> -> memref<16x1024xf32, #tpu.memory_space<hbm>>
      %dma_start3A_146 = arith.constant 0 : i32
      %dma_start3A_147 = tpu.memref_slice %arg4[%add3A_143, %dma_start3A_146] : memref<8192x1024xf32, #tpu.memory_space<hbm>> -> memref<16x1024xf32, #tpu.memory_space<hbm>>
      tpu.enqueue_dma source(%arg8 : memref<16x1024xf32, #tpu.memory_space<vmem>>) target(%dma_start3A_147 : memref<16x1024xf32, #tpu.memory_space<hbm>>) target_semaphore(%arg16 : memref<!tpu.dma_semaphore, #tpu.memory_space<semaphore_mem>>)
      %add3A_148 = arith.constant 3 : i32
      %add3A_149 = arith.addi %mul3A_96, %add3A_148 : i32
      %mul3A_150 = arith.constant 16 : i32
      %mul3A_151 = arith.muli %add3A_149, %mul3A_150 : i32
      %dma_wait3A_152 = tpu.memref_slice %arg5[%mul3A_151] : memref<256xi32, #tpu.memory_space<vmem>> -> memref<16xi32, #tpu.memory_space<vmem>>
      %dma_wait3A_153 = arith.constant 0 : i32
      %dma_wait3A_154 = arith.constant 0 : i32
      %dma_wait3A_155 = tpu.memref_slice %arg2[%dma_wait3A_153, %dma_wait3A_154] : memref<100000x1024xf32, #tpu.memory_space<hbm>> -> memref<100000x1024xf32, #tpu.memory_space<hbm>>
      tpu.wait_indirect_dma semaphore(%arg13 : memref<!tpu.dma_semaphore, #tpu.memory_space<semaphore_mem>>) src(%dma_wait3A_155 : memref<100000x1024xf32, #tpu.memory_space<hbm>>) dst(%arg9 : memref<16x1024xf32, #tpu.memory_space<vmem>>)
      %add3A_156 = arith.constant 3 : i32
      %add3A_157 = arith.addi %mul3A_96, %add3A_156 : i32
      %mul3A_158 = arith.constant 16 : i32
      %mul3A_159 = arith.muli %add3A_157, %mul3A_158 : i32
      %add3A_160 = arith.addi %mul3A_2, %mul3A_159 : i32
      %dma_start3A_161 = arith.constant 0 : i32
      %dma_start3A_162 = tpu.memref_slice %arg4[%add3A_160, %dma_start3A_161] : memref<8192x1024xf32, #tpu.memory_space<hbm>> -> memref<16x1024xf32, #tpu.memory_space<hbm>>
      %dma_start3A_163 = arith.constant 0 : i32
      %dma_start3A_164 = tpu.memref_slice %arg4[%add3A_160, %dma_start3A_163] : memref<8192x1024xf32, #tpu.memory_space<hbm>> -> memref<16x1024xf32, #tpu.memory_space<hbm>>
      tpu.enqueue_dma source(%arg9 : memref<16x1024xf32, #tpu.memory_space<vmem>>) target(%dma_start3A_164 : memref<16x1024xf32, #tpu.memory_space<hbm>>) target_semaphore(%arg17 : memref<!tpu.dma_semaphore, #tpu.memory_space<semaphore_mem>>)
      %add3A_165 = arith.constant 0 : i32
      %add3A_166 = arith.addi %mul3A_96, %add3A_165 : i32
      %mul3A_167 = arith.constant 16 : i32
      %mul3A_168 = arith.muli %add3A_166, %mul3A_167 : i32
      %add3A_169 = arith.addi %mul3A_2, %mul3A_168 : i32
      %dma_wait3A_170 = arith.constant 0 : i32
      %dma_wait3A_171 = tpu.memref_slice %arg4[%add3A_169, %dma_wait3A_170] : memref<8192x1024xf32, #tpu.memory_space<hbm>> -> memref<16x1024xf32, #tpu.memory_space<hbm>>
      %dma_wait3A_172 = arith.constant 0 : i32
      %dma_wait3A_173 = tpu.memref_slice %arg4[%add3A_169, %dma_wait3A_172] : memref<8192x1024xf32, #tpu.memory_space<hbm>> -> memref<16x1024xf32, #tpu.memory_space<hbm>>
      tpu.wait_dma2 semaphore(%arg14 : memref<!tpu.dma_semaphore, #tpu.memory_space<semaphore_mem>>) src(%arg6 : memref<16x1024xf32, #tpu.memory_space<vmem>>) dst(%dma_wait3A_173 : memref<16x1024xf32, #tpu.memory_space<hbm>>)
      %add3A_174 = arith.constant 4 : i32
      %add3A_175 = arith.addi %mul3A_96, %add3A_174 : i32
      %add3A_176 = arith.constant 0 : i32
      %add3A_177 = arith.addi %add3A_175, %add3A_176 : i32
      %mul3A_178 = arith.constant 16 : i32
      %mul3A_179 = arith.muli %add3A_177, %mul3A_178 : i32
      %dma_start3A_180 = tpu.memref_slice %arg5[%mul3A_179] : memref<256xi32, #tpu.memory_space<vmem>> -> memref<16xi32, #tpu.memory_space<vmem>>
      %dma_start3A_181 = arith.constant 0 : i32
      %dma_start3A_182 = arith.constant 0 : i32
      %dma_start3A_183 = tpu.memref_slice %arg2[%dma_start3A_181, %dma_start3A_182] : memref<100000x1024xf32, #tpu.memory_space<hbm>> -> memref<100000x1024xf32, #tpu.memory_space<hbm>>
      tpu.enqueue_indirect_dma source(%dma_start3A_183 : memref<100000x1024xf32, #tpu.memory_space<hbm>>) target(%arg6 : memref<16x1024xf32, #tpu.memory_space<vmem>>) offsets(%dma_start3A_180 : memref<16xi32, #tpu.memory_space<vmem>>) semaphore(%arg10 : memref<!tpu.dma_semaphore, #tpu.memory_space<semaphore_mem>>)
      %add3A_184 = arith.constant 1 : i32
      %add3A_185 = arith.addi %mul3A_96, %add3A_184 : i32
      %mul3A_186 = arith.constant 16 : i32
      %mul3A_187 = arith.muli %add3A_185, %mul3A_186 : i32
      %add3A_188 = arith.addi %mul3A_2, %mul3A_187 : i32
      %dma_wait3A_189 = arith.constant 0 : i32
      %dma_wait3A_190 = tpu.memref_slice %arg4[%add3A_188, %dma_wait3A_189] : memref<8192x1024xf32, #tpu.memory_space<hbm>> -> memref<16x1024xf32, #tpu.memory_space<hbm>>
      %dma_wait3A_191 = arith.constant 0 : i32
      %dma_wait3A_192 = tpu.memref_slice %arg4[%add3A_188, %dma_wait3A_191] : memref<8192x1024xf32, #tpu.memory_space<hbm>> -> memref<16x1024xf32, #tpu.memory_space<hbm>>
      tpu.wait_dma2 semaphore(%arg15 : memref<!tpu.dma_semaphore, #tpu.memory_space<semaphore_mem>>) src(%arg7 : memref<16x1024xf32, #tpu.memory_space<vmem>>) dst(%dma_wait3A_192 : memref<16x1024xf32, #tpu.memory_space<hbm>>)
      %add3A_193 = arith.constant 4 : i32
      %add3A_194 = arith.addi %mul3A_96, %add3A_193 : i32
      %add3A_195 = arith.constant 1 : i32
      %add3A_196 = arith.addi %add3A_194, %add3A_195 : i32
      %mul3A_197 = arith.constant 16 : i32
      %mul3A_198 = arith.muli %add3A_196, %mul3A_197 : i32
      %dma_start3A_199 = tpu.memref_slice %arg5[%mul3A_198] : memref<256xi32, #tpu.memory_space<vmem>> -> memref<16xi32, #tpu.memory_space<vmem>>
      %dma_start3A_200 = arith.constant 0 : i32
      %dma_start3A_201 = arith.constant 0 : i32
      %dma_start3A_202 = tpu.memref_slice %arg2[%dma_start3A_200, %dma_start3A_201] : memref<100000x1024xf32, #tpu.memory_space<hbm>> -> memref<100000x1024xf32, #tpu.memory_space<hbm>>
      tpu.enqueue_indirect_dma source(%dma_start3A_202 : memref<100000x1024xf32, #tpu.memory_space<hbm>>) target(%arg7 : memref<16x1024xf32, #tpu.memory_space<vmem>>) offsets(%dma_start3A_199 : memref<16xi32, #tpu.memory_space<vmem>>) semaphore(%arg11 : memref<!tpu.dma_semaphore, #tpu.memory_space<semaphore_mem>>)
      %add3A_203 = arith.constant 2 : i32
      %add3A_204 = arith.addi %mul3A_96, %add3A_203 : i32
      %mul3A_205 = arith.constant 16 : i32
      %mul3A_206 = arith.muli %add3A_204, %mul3A_205 : i32
      %add3A_207 = arith.addi %mul3A_2, %mul3A_206 : i32
      %dma_wait3A_208 = arith.constant 0 : i32
      %dma_wait3A_209 = tpu.memref_slice %arg4[%add3A_207, %dma_wait3A_208] : memref<8192x1024xf32, #tpu.memory_space<hbm>> -> memref<16x1024xf32, #tpu.memory_space<hbm>>
      %dma_wait3A_210 = arith.constant 0 : i32
      %dma_wait3A_211 = tpu.memref_slice %arg4[%add3A_207, %dma_wait3A_210] : memref<8192x1024xf32, #tpu.memory_space<hbm>> -> memref<16x1024xf32, #tpu.memory_space<hbm>>
      tpu.wait_dma2 semaphore(%arg16 : memref<!tpu.dma_semaphore, #tpu.memory_space<semaphore_mem>>) src(%arg8 : memref<16x1024xf32, #tpu.memory_space<vmem>>) dst(%dma_wait3A_211 : memref<16x1024xf32, #tpu.memory_space<hbm>>)
      %add3A_212 = arith.constant 4 : i32
      %add3A_213 = arith.addi %mul3A_96, %add3A_212 : i32
      %add3A_214 = arith.constant 2 : i32
      %add3A_215 = arith.addi %add3A_213, %add3A_214 : i32
      %mul3A_216 = arith.constant 16 : i32
      %mul3A_217 = arith.muli %add3A_215, %mul3A_216 : i32
      %dma_start3A_218 = tpu.memref_slice %arg5[%mul3A_217] : memref<256xi32, #tpu.memory_space<vmem>> -> memref<16xi32, #tpu.memory_space<vmem>>
      %dma_start3A_219 = arith.constant 0 : i32
      %dma_start3A_220 = arith.constant 0 : i32
      %dma_start3A_221 = tpu.memref_slice %arg2[%dma_start3A_219, %dma_start3A_220] : memref<100000x1024xf32, #tpu.memory_space<hbm>> -> memref<100000x1024xf32, #tpu.memory_space<hbm>>
      tpu.enqueue_indirect_dma source(%dma_start3A_221 : memref<100000x1024xf32, #tpu.memory_space<hbm>>) target(%arg8 : memref<16x1024xf32, #tpu.memory_space<vmem>>) offsets(%dma_start3A_218 : memref<16xi32, #tpu.memory_space<vmem>>) semaphore(%arg12 : memref<!tpu.dma_semaphore, #tpu.memory_space<semaphore_mem>>)
      %add3A_222 = arith.constant 3 : i32
      %add3A_223 = arith.addi %mul3A_96, %add3A_222 : i32
      %mul3A_224 = arith.constant 16 : i32
      %mul3A_225 = arith.muli %add3A_223, %mul3A_224 : i32
      %add3A_226 = arith.addi %mul3A_2, %mul3A_225 : i32
      %dma_wait3A_227 = arith.constant 0 : i32
      %dma_wait3A_228 = tpu.memref_slice %arg4[%add3A_226, %dma_wait3A_227] : memref<8192x1024xf32, #tpu.memory_space<hbm>> -> memref<16x1024xf32, #tpu.memory_space<hbm>>
      %dma_wait3A_229 = arith.constant 0 : i32
      %dma_wait3A_230 = tpu.memref_slice %arg4[%add3A_226, %dma_wait3A_229] : memref<8192x1024xf32, #tpu.memory_space<hbm>> -> memref<16x1024xf32, #tpu.memory_space<hbm>>
      tpu.wait_dma2 semaphore(%arg17 : memref<!tpu.dma_semaphore, #tpu.memory_space<semaphore_mem>>) src(%arg9 : memref<16x1024xf32, #tpu.memory_space<vmem>>) dst(%dma_wait3A_230 : memref<16x1024xf32, #tpu.memory_space<hbm>>)
      %add3A_231 = arith.constant 4 : i32
      %add3A_232 = arith.addi %mul3A_96, %add3A_231 : i32
      %add3A_233 = arith.constant 3 : i32
      %add3A_234 = arith.addi %add3A_232, %add3A_233 : i32
      %mul3A_235 = arith.constant 16 : i32
      %mul3A_236 = arith.muli %add3A_234, %mul3A_235 : i32
      %dma_start3A_237 = tpu.memref_slice %arg5[%mul3A_236] : memref<256xi32, #tpu.memory_space<vmem>> -> memref<16xi32, #tpu.memory_space<vmem>>
      %dma_start3A_238 = arith.constant 0 : i32
      %dma_start3A_239 = arith.constant 0 : i32
      %dma_start3A_240 = tpu.memref_slice %arg2[%dma_start3A_238, %dma_start3A_239] : memref<100000x1024xf32, #tpu.memory_space<hbm>> -> memref<100000x1024xf32, #tpu.memory_space<hbm>>
      tpu.enqueue_indirect_dma source(%dma_start3A_240 : memref<100000x1024xf32, #tpu.memory_space<hbm>>) target(%arg9 : memref<16x1024xf32, #tpu.memory_space<vmem>>) offsets(%dma_start3A_237 : memref<16xi32, #tpu.memory_space<vmem>>) semaphore(%arg13 : memref<!tpu.dma_semaphore, #tpu.memory_space<semaphore_mem>>)
    }
    %scan3A_26 = arith.constant 3 : i32
    %dma_wait3A = arith.constant 192 : i32
    %dma_wait3A_27 = tpu.memref_slice %arg5[%dma_wait3A] : memref<256xi32, #tpu.memory_space<vmem>> -> memref<16xi32, #tpu.memory_space<vmem>>
    %dma_wait3A_28 = arith.constant 0 : i32
    %dma_wait3A_29 = arith.constant 0 : i32
    %dma_wait3A_30 = tpu.memref_slice %arg2[%dma_wait3A_28, %dma_wait3A_29] : memref<100000x1024xf32, #tpu.memory_space<hbm>> -> memref<100000x1024xf32, #tpu.memory_space<hbm>>
    tpu.wait_indirect_dma semaphore(%arg10 : memref<!tpu.dma_semaphore, #tpu.memory_space<semaphore_mem>>) src(%dma_wait3A_30 : memref<100000x1024xf32, #tpu.memory_space<hbm>>) dst(%arg6 : memref<16x1024xf32, #tpu.memory_space<vmem>>)
    %add3A_31 = arith.constant 192 : i32
    %add3A_32 = arith.addi %mul3A_2, %add3A_31 : i32
    %dma_start3A_33 = arith.constant 0 : i32
    %dma_start3A_34 = tpu.memref_slice %arg4[%add3A_32, %dma_start3A_33] : memref<8192x1024xf32, #tpu.memory_space<hbm>> -> memref<16x1024xf32, #tpu.memory_space<hbm>>
    %dma_start3A_35 = arith.constant 0 : i32
    %dma_start3A_36 = tpu.memref_slice %arg4[%add3A_32, %dma_start3A_35] : memref<8192x1024xf32, #tpu.memory_space<hbm>> -> memref<16x1024xf32, #tpu.memory_space<hbm>>
    tpu.enqueue_dma source(%arg6 : memref<16x1024xf32, #tpu.memory_space<vmem>>) target(%dma_start3A_36 : memref<16x1024xf32, #tpu.memory_space<hbm>>) target_semaphore(%arg14 : memref<!tpu.dma_semaphore, #tpu.memory_space<semaphore_mem>>)
    %dma_wait3A_37 = arith.constant 208 : i32
    %dma_wait3A_38 = tpu.memref_slice %arg5[%dma_wait3A_37] : memref<256xi32, #tpu.memory_space<vmem>> -> memref<16xi32, #tpu.memory_space<vmem>>
    %dma_wait3A_39 = arith.constant 0 : i32
    %dma_wait3A_40 = arith.constant 0 : i32
    %dma_wait3A_41 = tpu.memref_slice %arg2[%dma_wait3A_39, %dma_wait3A_40] : memref<100000x1024xf32, #tpu.memory_space<hbm>> -> memref<100000x1024xf32, #tpu.memory_space<hbm>>
    tpu.wait_indirect_dma semaphore(%arg11 : memref<!tpu.dma_semaphore, #tpu.memory_space<semaphore_mem>>) src(%dma_wait3A_41 : memref<100000x1024xf32, #tpu.memory_space<hbm>>) dst(%arg7 : memref<16x1024xf32, #tpu.memory_space<vmem>>)
    %add3A_42 = arith.constant 208 : i32
    %add3A_43 = arith.addi %mul3A_2, %add3A_42 : i32
    %dma_start3A_44 = arith.constant 0 : i32
    %dma_start3A_45 = tpu.memref_slice %arg4[%add3A_43, %dma_start3A_44] : memref<8192x1024xf32, #tpu.memory_space<hbm>> -> memref<16x1024xf32, #tpu.memory_space<hbm>>
    %dma_start3A_46 = arith.constant 0 : i32
    %dma_start3A_47 = tpu.memref_slice %arg4[%add3A_43, %dma_start3A_46] : memref<8192x1024xf32, #tpu.memory_space<hbm>> -> memref<16x1024xf32, #tpu.memory_space<hbm>>
    tpu.enqueue_dma source(%arg7 : memref<16x1024xf32, #tpu.memory_space<vmem>>) target(%dma_start3A_47 : memref<16x1024xf32, #tpu.memory_space<hbm>>) target_semaphore(%arg15 : memref<!tpu.dma_semaphore, #tpu.memory_space<semaphore_mem>>)
    %dma_wait3A_48 = arith.constant 224 : i32
    %dma_wait3A_49 = tpu.memref_slice %arg5[%dma_wait3A_48] : memref<256xi32, #tpu.memory_space<vmem>> -> memref<16xi32, #tpu.memory_space<vmem>>
    %dma_wait3A_50 = arith.constant 0 : i32
    %dma_wait3A_51 = arith.constant 0 : i32
    %dma_wait3A_52 = tpu.memref_slice %arg2[%dma_wait3A_50, %dma_wait3A_51] : memref<100000x1024xf32, #tpu.memory_space<hbm>> -> memref<100000x1024xf32, #tpu.memory_space<hbm>>
    tpu.wait_indirect_dma semaphore(%arg12 : memref<!tpu.dma_semaphore, #tpu.memory_space<semaphore_mem>>) src(%dma_wait3A_52 : memref<100000x1024xf32, #tpu.memory_space<hbm>>) dst(%arg8 : memref<16x1024xf32, #tpu.memory_space<vmem>>)
    %add3A_53 = arith.constant 224 : i32
    %add3A_54 = arith.addi %mul3A_2, %add3A_53 : i32
    %dma_start3A_55 = arith.constant 0 : i32
    %dma_start3A_56 = tpu.memref_slice %arg4[%add3A_54, %dma_start3A_55] : memref<8192x1024xf32, #tpu.memory_space<hbm>> -> memref<16x1024xf32, #tpu.memory_space<hbm>>
    %dma_start3A_57 = arith.constant 0 : i32
    %dma_start3A_58 = tpu.memref_slice %arg4[%add3A_54, %dma_start3A_57] : memref<8192x1024xf32, #tpu.memory_space<hbm>> -> memref<16x1024xf32, #tpu.memory_space<hbm>>
    tpu.enqueue_dma source(%arg8 : memref<16x1024xf32, #tpu.memory_space<vmem>>) target(%dma_start3A_58 : memref<16x1024xf32, #tpu.memory_space<hbm>>) target_semaphore(%arg16 : memref<!tpu.dma_semaphore, #tpu.memory_space<semaphore_mem>>)
    %dma_wait3A_59 = arith.constant 240 : i32
    %dma_wait3A_60 = tpu.memref_slice %arg5[%dma_wait3A_59] : memref<256xi32, #tpu.memory_space<vmem>> -> memref<16xi32, #tpu.memory_space<vmem>>
    %dma_wait3A_61 = arith.constant 0 : i32
    %dma_wait3A_62 = arith.constant 0 : i32
    %dma_wait3A_63 = tpu.memref_slice %arg2[%dma_wait3A_61, %dma_wait3A_62] : memref<100000x1024xf32, #tpu.memory_space<hbm>> -> memref<100000x1024xf32, #tpu.memory_space<hbm>>
    tpu.wait_indirect_dma semaphore(%arg13 : memref<!tpu.dma_semaphore, #tpu.memory_space<semaphore_mem>>) src(%dma_wait3A_63 : memref<100000x1024xf32, #tpu.memory_space<hbm>>) dst(%arg9 : memref<16x1024xf32, #tpu.memory_space<vmem>>)
    %add3A_64 = arith.constant 240 : i32
    %add3A_65 = arith.addi %mul3A_2, %add3A_64 : i32
    %dma_start3A_66 = arith.constant 0 : i32
    %dma_start3A_67 = tpu.memref_slice %arg4[%add3A_65, %dma_start3A_66] : memref<8192x1024xf32, #tpu.memory_space<hbm>> -> memref<16x1024xf32, #tpu.memory_space<hbm>>
    %dma_start3A_68 = arith.constant 0 : i32
    %dma_start3A_69 = tpu.memref_slice %arg4[%add3A_65, %dma_start3A_68] : memref<8192x1024xf32, #tpu.memory_space<hbm>> -> memref<16x1024xf32, #tpu.memory_space<hbm>>
    tpu.enqueue_dma source(%arg9 : memref<16x1024xf32, #tpu.memory_space<vmem>>) target(%dma_start3A_69 : memref<16x1024xf32, #tpu.memory_space<hbm>>) target_semaphore(%arg17 : memref<!tpu.dma_semaphore, #tpu.memory_space<semaphore_mem>>)
    %add3A_70 = arith.constant 192 : i32
    %add3A_71 = arith.addi %mul3A_2, %add3A_70 : i32
    %dma_wait3A_72 = arith.constant 0 : i32
    %dma_wait3A_73 = tpu.memref_slice %arg4[%add3A_71, %dma_wait3A_72] : memref<8192x1024xf32, #tpu.memory_space<hbm>> -> memref<16x1024xf32, #tpu.memory_space<hbm>>
    %dma_wait3A_74 = arith.constant 0 : i32
    %dma_wait3A_75 = tpu.memref_slice %arg4[%add3A_71, %dma_wait3A_74] : memref<8192x1024xf32, #tpu.memory_space<hbm>> -> memref<16x1024xf32, #tpu.memory_space<hbm>>
    tpu.wait_dma2 semaphore(%arg14 : memref<!tpu.dma_semaphore, #tpu.memory_space<semaphore_mem>>) src(%arg6 : memref<16x1024xf32, #tpu.memory_space<vmem>>) dst(%dma_wait3A_75 : memref<16x1024xf32, #tpu.memory_space<hbm>>)
    %add3A_76 = arith.constant 208 : i32
    %add3A_77 = arith.addi %mul3A_2, %add3A_76 : i32
    %dma_wait3A_78 = arith.constant 0 : i32
    %dma_wait3A_79 = tpu.memref_slice %arg4[%add3A_77, %dma_wait3A_78] : memref<8192x1024xf32, #tpu.memory_space<hbm>> -> memref<16x1024xf32, #tpu.memory_space<hbm>>
    %dma_wait3A_80 = arith.constant 0 : i32
    %dma_wait3A_81 = tpu.memref_slice %arg4[%add3A_77, %dma_wait3A_80] : memref<8192x1024xf32, #tpu.memory_space<hbm>> -> memref<16x1024xf32, #tpu.memory_space<hbm>>
    tpu.wait_dma2 semaphore(%arg15 : memref<!tpu.dma_semaphore, #tpu.memory_space<semaphore_mem>>) src(%arg7 : memref<16x1024xf32, #tpu.memory_space<vmem>>) dst(%dma_wait3A_81 : memref<16x1024xf32, #tpu.memory_space<hbm>>)
    %add3A_82 = arith.constant 224 : i32
    %add3A_83 = arith.addi %mul3A_2, %add3A_82 : i32
    %dma_wait3A_84 = arith.constant 0 : i32
    %dma_wait3A_85 = tpu.memref_slice %arg4[%add3A_83, %dma_wait3A_84] : memref<8192x1024xf32, #tpu.memory_space<hbm>> -> memref<16x1024xf32, #tpu.memory_space<hbm>>
    %dma_wait3A_86 = arith.constant 0 : i32
    %dma_wait3A_87 = tpu.memref_slice %arg4[%add3A_83, %dma_wait3A_86] : memref<8192x1024xf32, #tpu.memory_space<hbm>> -> memref<16x1024xf32, #tpu.memory_space<hbm>>
    tpu.wait_dma2 semaphore(%arg16 : memref<!tpu.dma_semaphore, #tpu.memory_space<semaphore_mem>>) src(%arg8 : memref<16x1024xf32, #tpu.memory_space<vmem>>) dst(%dma_wait3A_87 : memref<16x1024xf32, #tpu.memory_space<hbm>>)
    %add3A_88 = arith.constant 240 : i32
    %add3A_89 = arith.addi %mul3A_2, %add3A_88 : i32
    %dma_wait3A_90 = arith.constant 0 : i32
    %dma_wait3A_91 = tpu.memref_slice %arg4[%add3A_89, %dma_wait3A_90] : memref<8192x1024xf32, #tpu.memory_space<hbm>> -> memref<16x1024xf32, #tpu.memory_space<hbm>>
    %dma_wait3A_92 = arith.constant 0 : i32
    %dma_wait3A_93 = tpu.memref_slice %arg4[%add3A_89, %dma_wait3A_92] : memref<8192x1024xf32, #tpu.memory_space<hbm>> -> memref<16x1024xf32, #tpu.memory_space<hbm>>
    tpu.wait_dma2 semaphore(%arg17 : memref<!tpu.dma_semaphore, #tpu.memory_space<semaphore_mem>>) src(%arg9 : memref<16x1024xf32, #tpu.memory_space<vmem>>) dst(%dma_wait3A_93 : memref<16x1024xf32, #tpu.memory_space<hbm>>)
    return
  }
}

module attributes {stable_mosaic.version = 14 : i64} {
  func.func @body(%arg0: i32, %arg1: memref<4x512x1024xf32, #tpu.memory_space<vmem>>, %arg2: memref<1024x4096xbf16, #tpu.memory_space<vmem>>, %arg3: memref<1x1024xf32, #tpu.memory_space<vmem>>, %arg4: memref<512x1024xf32, #tpu.memory_space<vmem>>) attributes {dimension_semantics = [#tpu.dimension_semantics<arbitrary>], iteration_bounds = array<i64: 4>, scalar_prefetch = 0 : i64, scratch_operands = 0 : i64, tpu.core_type = #tpu.core_type<tc>, window_params = [{transform_indices = @transform_0, window_bounds = array<i64: 4, 512, 1024>}, {pipeline_mode = #tpu.pipeline_mode<synchronous>, transform_indices = @transform_1, window_bounds = array<i64: 1024, 4096>}, {pipeline_mode = #tpu.pipeline_mode<synchronous>, transform_indices = @transform_2, window_bounds = array<i64: 1, 1024>}, {transform_indices = @transform_3, window_bounds = array<i64: 512, 1024>}]} {
    %get3A = arith.constant 0 : index
    %get3A_0 = arith.constant 0 : index
    %get3A_1 = vector.load %arg3[%get3A, %get3A_0] : memref<1x1024xf32, #tpu.memory_space<vmem>>, vector<1x1024xf32>
    %broadcast_in_dim3A = vector.shape_cast %get3A_1 : vector<1x1024xf32> to vector<1x1024xf32>
    %broadcast_in_dim3A_2 = vector.broadcast %broadcast_in_dim3A : vector<1x1024xf32> to vector<512x1024xf32>
    %get3A_3 = arith.constant 0 : index
    %get3A_4 = arith.constant 0 : index
    %get3A_5 = arith.constant 0 : index
    %get3A_6 = vector.load %arg1[%get3A_3, %get3A_4, %get3A_5] : memref<4x512x1024xf32, #tpu.memory_space<vmem>>, vector<1x512x1024xf32>
    %get3A_7 = vector.shape_cast %get3A_6 : vector<1x512x1024xf32> to vector<512x1024xf32>
    %convert_element_type3A = arith.truncf %get3A_7 : vector<512x1024xf32> to vector<512x1024xbf16>
    %get3A_8 = arith.constant 0 : index
    %get3A_9 = arith.constant 0 : index
    %get3A_10 = vector.load %arg2[%get3A_8, %get3A_9] : memref<1024x4096xbf16, #tpu.memory_space<vmem>>, vector<1024x1024xbf16>
    %dot_general3A = arith.constant dense<0.000000e+00> : vector<512x1024xf32>
    %dot_general3A_11 = tpu.matmul %convert_element_type3A, %get3A_10, %dot_general3A {dimension_numbers = #tpu.dot_dimension_numbers<[1], [1], [0], [0], [0, 0, 1, 0], [], []>, transpose_lhs_hint = false} : vector<512x1024xbf16>, vector<1024x1024xbf16>, vector<512x1024xf32> -> vector<512x1024xf32>
    %add3A = arith.addf %broadcast_in_dim3A_2, %dot_general3A_11 : vector<512x1024xf32>
    %get3A_12 = arith.constant 1 : index
    %get3A_13 = arith.constant 0 : index
    %get3A_14 = arith.constant 0 : index
    %get3A_15 = vector.load %arg1[%get3A_12, %get3A_13, %get3A_14] : memref<4x512x1024xf32, #tpu.memory_space<vmem>>, vector<1x512x1024xf32>
    %get3A_16 = vector.shape_cast %get3A_15 : vector<1x512x1024xf32> to vector<512x1024xf32>
    %convert_element_type3A_17 = arith.truncf %get3A_16 : vector<512x1024xf32> to vector<512x1024xbf16>
    %get3A_18 = arith.constant 0 : index
    %get3A_19 = arith.constant 1024 : index
    %get3A_20 = vector.load %arg2[%get3A_18, %get3A_19] : memref<1024x4096xbf16, #tpu.memory_space<vmem>>, vector<1024x1024xbf16>
    %dot_general3A_21 = arith.constant dense<0.000000e+00> : vector<512x1024xf32>
    %dot_general3A_22 = tpu.matmul %convert_element_type3A_17, %get3A_20, %dot_general3A_21 {dimension_numbers = #tpu.dot_dimension_numbers<[1], [1], [0], [0], [0, 0, 1, 0], [], []>, transpose_lhs_hint = false} : vector<512x1024xbf16>, vector<1024x1024xbf16>, vector<512x1024xf32> -> vector<512x1024xf32>
    %add3A_23 = arith.addf %add3A, %dot_general3A_22 : vector<512x1024xf32>
    %get3A_24 = arith.constant 2 : index
    %get3A_25 = arith.constant 0 : index
    %get3A_26 = arith.constant 0 : index
    %get3A_27 = vector.load %arg1[%get3A_24, %get3A_25, %get3A_26] : memref<4x512x1024xf32, #tpu.memory_space<vmem>>, vector<1x512x1024xf32>
    %get3A_28 = vector.shape_cast %get3A_27 : vector<1x512x1024xf32> to vector<512x1024xf32>
    %convert_element_type3A_29 = arith.truncf %get3A_28 : vector<512x1024xf32> to vector<512x1024xbf16>
    %get3A_30 = arith.constant 0 : index
    %get3A_31 = arith.constant 2048 : index
    %get3A_32 = vector.load %arg2[%get3A_30, %get3A_31] : memref<1024x4096xbf16, #tpu.memory_space<vmem>>, vector<1024x1024xbf16>
    %dot_general3A_33 = arith.constant dense<0.000000e+00> : vector<512x1024xf32>
    %dot_general3A_34 = tpu.matmul %convert_element_type3A_29, %get3A_32, %dot_general3A_33 {dimension_numbers = #tpu.dot_dimension_numbers<[1], [1], [0], [0], [0, 0, 1, 0], [], []>, transpose_lhs_hint = false} : vector<512x1024xbf16>, vector<1024x1024xbf16>, vector<512x1024xf32> -> vector<512x1024xf32>
    %add3A_35 = arith.addf %add3A_23, %dot_general3A_34 : vector<512x1024xf32>
    %get3A_36 = arith.constant 3 : index
    %get3A_37 = arith.constant 0 : index
    %get3A_38 = arith.constant 0 : index
    %get3A_39 = vector.load %arg1[%get3A_36, %get3A_37, %get3A_38] : memref<4x512x1024xf32, #tpu.memory_space<vmem>>, vector<1x512x1024xf32>
    %get3A_40 = vector.shape_cast %get3A_39 : vector<1x512x1024xf32> to vector<512x1024xf32>
    %convert_element_type3A_41 = arith.truncf %get3A_40 : vector<512x1024xf32> to vector<512x1024xbf16>
    %get3A_42 = arith.constant 0 : index
    %get3A_43 = arith.constant 3072 : index
    %get3A_44 = vector.load %arg2[%get3A_42, %get3A_43] : memref<1024x4096xbf16, #tpu.memory_space<vmem>>, vector<1024x1024xbf16>
    %dot_general3A_45 = arith.constant dense<0.000000e+00> : vector<512x1024xf32>
    %dot_general3A_46 = tpu.matmul %convert_element_type3A_41, %get3A_44, %dot_general3A_45 {dimension_numbers = #tpu.dot_dimension_numbers<[1], [1], [0], [0], [0, 0, 1, 0], [], []>, transpose_lhs_hint = false} : vector<512x1024xbf16>, vector<1024x1024xbf16>, vector<512x1024xf32> -> vector<512x1024xf32>
    %add3A_47 = arith.addf %add3A_35, %dot_general3A_46 : vector<512x1024xf32>
    %swap3A = arith.constant 0 : index
    %swap3A_48 = arith.constant 0 : index
    %swap3A_49 = vector.load %arg4[%swap3A, %swap3A_48] : memref<512x1024xf32, #tpu.memory_space<vmem>>, vector<512x1024xf32>
    tpu.vector_store %arg4[%swap3A, %swap3A_48], %add3A_47 {strides = array<i32>} : memref<512x1024xf32, #tpu.memory_space<vmem>>, vector<512x1024xf32>,
    return
  }
  func.func @transform_0(%arg0: i32) -> (i32, i32, i32) {
    %c0_i32 = arith.constant 0 : i32
    %c0_i32_0 = arith.constant 0 : i32
    %c0_i32_1 = arith.constant 0 : i32
    return %c0_i32, %arg0, %c0_i32_0 : i32, i32, i32
  }
  func.func @transform_1(%arg0: i32) -> (i32, i32) {
    %c0_i32 = arith.constant 0 : i32
    %c0_i32_0 = arith.constant 0 : i32
    %c0_i32_1 = arith.constant 0 : i32
    return %c0_i32, %c0_i32_0 : i32, i32
  }
  func.func @transform_2(%arg0: i32) -> (i32, i32) {
    %c0_i32 = arith.constant 0 : i32
    %c0_i32_0 = arith.constant 0 : i32
    %c0_i32_1 = arith.constant 0 : i32
    return %c0_i32, %c0_i32_0 : i32, i32
  }
  func.func @transform_3(%arg0: i32) -> (i32, i32) {
    %add3A = arith.constant 0 : i32
    %add3A_0 = arith.addi %add3A, %arg0 : i32
    %c0_i32 = arith.constant 0 : i32
    %c0_i32_1 = arith.constant 0 : i32
    return %add3A_0, %c0_i32 : i32, i32
  }
}

module attributes {stable_mosaic.version = 14 : i64} {
  func.func @body(%arg0: i32, %arg1: memref<4x512x1024xf32, #tpu.memory_space<vmem>>, %arg2: memref<1024x4096xbf16, #tpu.memory_space<vmem>>, %arg3: memref<1x1024xf32, #tpu.memory_space<vmem>>, %arg4: memref<8192x1024xf32, #tpu.memory_space<any>>, %arg5: memref<512x1024xf32, #tpu.memory_space<vmem>>) attributes {dimension_semantics = [#tpu.dimension_semantics<arbitrary>], iteration_bounds = array<i64: 4>, scalar_prefetch = 0 : i64, scratch_operands = 0 : i64, tpu.core_type = #tpu.core_type<tc>, window_params = [{transform_indices = @transform_0, window_bounds = array<i64: 4, 512, 1024>}, {pipeline_mode = #tpu.pipeline_mode<synchronous>, transform_indices = @transform_1, window_bounds = array<i64: 1024, 4096>}, {pipeline_mode = #tpu.pipeline_mode<synchronous>, transform_indices = @transform_2, window_bounds = array<i64: 1, 1024>}, {}, {transform_indices = @transform_4, window_bounds = array<i64: 512, 1024>}]} {
    %get3A = arith.constant 0 : index
    %get3A_0 = arith.constant 0 : index
    %get3A_1 = vector.load %arg3[%get3A, %get3A_0] : memref<1x1024xf32, #tpu.memory_space<vmem>>, vector<1x1024xf32>
    %broadcast_in_dim3A = vector.shape_cast %get3A_1 : vector<1x1024xf32> to vector<1x1024xf32>
    %broadcast_in_dim3A_2 = vector.broadcast %broadcast_in_dim3A : vector<1x1024xf32> to vector<512x1024xf32>
    %get3A_3 = arith.constant 0 : index
    %get3A_4 = arith.constant 0 : index
    %get3A_5 = arith.constant 0 : index
    %get3A_6 = vector.load %arg1[%get3A_3, %get3A_4, %get3A_5] : memref<4x512x1024xf32, #tpu.memory_space<vmem>>, vector<1x512x1024xf32>
    %get3A_7 = vector.shape_cast %get3A_6 : vector<1x512x1024xf32> to vector<512x1024xf32>
    %convert_element_type3A = arith.truncf %get3A_7 : vector<512x1024xf32> to vector<512x1024xbf16>
    %get3A_8 = arith.constant 0 : index
    %get3A_9 = arith.constant 0 : index
    %get3A_10 = vector.load %arg2[%get3A_8, %get3A_9] : memref<1024x4096xbf16, #tpu.memory_space<vmem>>, vector<1024x1024xbf16>
    %dot_general3A = arith.constant dense<0.000000e+00> : vector<512x1024xf32>
    %dot_general3A_11 = tpu.matmul %convert_element_type3A, %get3A_10, %dot_general3A {dimension_numbers = #tpu.dot_dimension_numbers<[1], [1], [0], [0], [0, 0, 1, 0], [], []>, transpose_lhs_hint = false} : vector<512x1024xbf16>, vector<1024x1024xbf16>, vector<512x1024xf32> -> vector<512x1024xf32>
    %add3A = arith.addf %broadcast_in_dim3A_2, %dot_general3A_11 : vector<512x1024xf32>
    %get3A_12 = arith.constant 1 : index
    %get3A_13 = arith.constant 0 : index
    %get3A_14 = arith.constant 0 : index
    %get3A_15 = vector.load %arg1[%get3A_12, %get3A_13, %get3A_14] : memref<4x512x1024xf32, #tpu.memory_space<vmem>>, vector<1x512x1024xf32>
    %get3A_16 = vector.shape_cast %get3A_15 : vector<1x512x1024xf32> to vector<512x1024xf32>
    %convert_element_type3A_17 = arith.truncf %get3A_16 : vector<512x1024xf32> to vector<512x1024xbf16>
    %get3A_18 = arith.constant 0 : index
    %get3A_19 = arith.constant 1024 : index
    %get3A_20 = vector.load %arg2[%get3A_18, %get3A_19] : memref<1024x4096xbf16, #tpu.memory_space<vmem>>, vector<1024x1024xbf16>
    %dot_general3A_21 = arith.constant dense<0.000000e+00> : vector<512x1024xf32>
    %dot_general3A_22 = tpu.matmul %convert_element_type3A_17, %get3A_20, %dot_general3A_21 {dimension_numbers = #tpu.dot_dimension_numbers<[1], [1], [0], [0], [0, 0, 1, 0], [], []>, transpose_lhs_hint = false} : vector<512x1024xbf16>, vector<1024x1024xbf16>, vector<512x1024xf32> -> vector<512x1024xf32>
    %add3A_23 = arith.addf %add3A, %dot_general3A_22 : vector<512x1024xf32>
    %get3A_24 = arith.constant 2 : index
    %get3A_25 = arith.constant 0 : index
    %get3A_26 = arith.constant 0 : index
    %get3A_27 = vector.load %arg1[%get3A_24, %get3A_25, %get3A_26] : memref<4x512x1024xf32, #tpu.memory_space<vmem>>, vector<1x512x1024xf32>
    %get3A_28 = vector.shape_cast %get3A_27 : vector<1x512x1024xf32> to vector<512x1024xf32>
    %convert_element_type3A_29 = arith.truncf %get3A_28 : vector<512x1024xf32> to vector<512x1024xbf16>
    %get3A_30 = arith.constant 0 : index
    %get3A_31 = arith.constant 2048 : index
    %get3A_32 = vector.load %arg2[%get3A_30, %get3A_31] : memref<1024x4096xbf16, #tpu.memory_space<vmem>>, vector<1024x1024xbf16>
    %dot_general3A_33 = arith.constant dense<0.000000e+00> : vector<512x1024xf32>
    %dot_general3A_34 = tpu.matmul %convert_element_type3A_29, %get3A_32, %dot_general3A_33 {dimension_numbers = #tpu.dot_dimension_numbers<[1], [1], [0], [0], [0, 0, 1, 0], [], []>, transpose_lhs_hint = false} : vector<512x1024xbf16>, vector<1024x1024xbf16>, vector<512x1024xf32> -> vector<512x1024xf32>
    %add3A_35 = arith.addf %add3A_23, %dot_general3A_34 : vector<512x1024xf32>
    %get3A_36 = arith.constant 3 : index
    %get3A_37 = arith.constant 0 : index
    %get3A_38 = arith.constant 0 : index
    %get3A_39 = vector.load %arg1[%get3A_36, %get3A_37, %get3A_38] : memref<4x512x1024xf32, #tpu.memory_space<vmem>>, vector<1x512x1024xf32>
    %get3A_40 = vector.shape_cast %get3A_39 : vector<1x512x1024xf32> to vector<512x1024xf32>
    %convert_element_type3A_41 = arith.truncf %get3A_40 : vector<512x1024xf32> to vector<512x1024xbf16>
    %get3A_42 = arith.constant 0 : index
    %get3A_43 = arith.constant 3072 : index
    %get3A_44 = vector.load %arg2[%get3A_42, %get3A_43] : memref<1024x4096xbf16, #tpu.memory_space<vmem>>, vector<1024x1024xbf16>
    %dot_general3A_45 = arith.constant dense<0.000000e+00> : vector<512x1024xf32>
    %dot_general3A_46 = tpu.matmul %convert_element_type3A_41, %get3A_44, %dot_general3A_45 {dimension_numbers = #tpu.dot_dimension_numbers<[1], [1], [0], [0], [0, 0, 1, 0], [], []>, transpose_lhs_hint = false} : vector<512x1024xbf16>, vector<1024x1024xbf16>, vector<512x1024xf32> -> vector<512x1024xf32>
    %add3A_47 = arith.addf %add3A_35, %dot_general3A_46 : vector<512x1024xf32>
    %swap3A = arith.constant 0 : index
    %swap3A_48 = arith.constant 0 : index
    %swap3A_49 = vector.load %arg5[%swap3A, %swap3A_48] : memref<512x1024xf32, #tpu.memory_space<vmem>>, vector<512x1024xf32>
    tpu.vector_store %arg5[%swap3A, %swap3A_48], %add3A_47 {strides = array<i32>} : memref<512x1024xf32, #tpu.memory_space<vmem>>, vector<512x1024xf32>,
    return
  }
  func.func @transform_0(%arg0: i32) -> (i32, i32, i32) {
    %c0_i32 = arith.constant 0 : i32
    %c0_i32_0 = arith.constant 0 : i32
    %c0_i32_1 = arith.constant 0 : i32
    return %c0_i32, %arg0, %c0_i32_0 : i32, i32, i32
  }
  func.func @transform_1(%arg0: i32) -> (i32, i32) {
    %c0_i32 = arith.constant 0 : i32
    %c0_i32_0 = arith.constant 0 : i32
    %c0_i32_1 = arith.constant 0 : i32
    return %c0_i32, %c0_i32_0 : i32, i32
  }
  func.func @transform_2(%arg0: i32) -> (i32, i32) {
    %c0_i32 = arith.constant 0 : i32
    %c0_i32_0 = arith.constant 0 : i32
    %c0_i32_1 = arith.constant 0 : i32
    return %c0_i32, %c0_i32_0 : i32, i32
  }
  func.func @transform_4(%arg0: i32) -> (i32, i32) {
    %add3A = arith.constant 8 : i32
    %add3A_0 = arith.addi %add3A, %arg0 : i32
    %c0_i32 = arith.constant 0 : i32
    %c0_i32_1 = arith.constant 0 : i32
    return %add3A_0, %c0_i32 : i32, i32
  }
}

module attributes {stable_mosaic.version = 14 : i64} {
  func.func @body(%arg0: i32, %arg1: memref<4x512x1024xf32, #tpu.memory_space<vmem>>, %arg2: memref<1024x4096xbf16, #tpu.memory_space<vmem>>, %arg3: memref<1x1024xf32, #tpu.memory_space<vmem>>, %arg4: memref<8192x1024xf32, #tpu.memory_space<any>>, %arg5: memref<512x1024xf32, #tpu.memory_space<vmem>>) attributes {dimension_semantics = [#tpu.dimension_semantics<arbitrary>], iteration_bounds = array<i64: 4>, scalar_prefetch = 0 : i64, scratch_operands = 0 : i64, tpu.core_type = #tpu.core_type<tc>, window_params = [{transform_indices = @transform_0, window_bounds = array<i64: 4, 512, 1024>}, {pipeline_mode = #tpu.pipeline_mode<synchronous>, transform_indices = @transform_1, window_bounds = array<i64: 1024, 4096>}, {pipeline_mode = #tpu.pipeline_mode<synchronous>, transform_indices = @transform_2, window_bounds = array<i64: 1, 1024>}, {}, {transform_indices = @transform_4, window_bounds = array<i64: 512, 1024>}]} {
    %get3A = arith.constant 0 : index
    %get3A_0 = arith.constant 0 : index
    %get3A_1 = vector.load %arg3[%get3A, %get3A_0] : memref<1x1024xf32, #tpu.memory_space<vmem>>, vector<1x1024xf32>
    %broadcast_in_dim3A = vector.shape_cast %get3A_1 : vector<1x1024xf32> to vector<1x1024xf32>
    %broadcast_in_dim3A_2 = vector.broadcast %broadcast_in_dim3A : vector<1x1024xf32> to vector<512x1024xf32>
    %get3A_3 = arith.constant 0 : index
    %get3A_4 = arith.constant 0 : index
    %get3A_5 = arith.constant 0 : index
    %get3A_6 = vector.load %arg1[%get3A_3, %get3A_4, %get3A_5] : memref<4x512x1024xf32, #tpu.memory_space<vmem>>, vector<1x512x1024xf32>
    %get3A_7 = vector.shape_cast %get3A_6 : vector<1x512x1024xf32> to vector<512x1024xf32>
    %convert_element_type3A = arith.truncf %get3A_7 : vector<512x1024xf32> to vector<512x1024xbf16>
    %get3A_8 = arith.constant 0 : index
    %get3A_9 = arith.constant 0 : index
    %get3A_10 = vector.load %arg2[%get3A_8, %get3A_9] : memref<1024x4096xbf16, #tpu.memory_space<vmem>>, vector<1024x1024xbf16>
    %dot_general3A = arith.constant dense<0.000000e+00> : vector<512x1024xf32>
    %dot_general3A_11 = tpu.matmul %convert_element_type3A, %get3A_10, %dot_general3A {dimension_numbers = #tpu.dot_dimension_numbers<[1], [1], [0], [0], [0, 0, 1, 0], [], []>, transpose_lhs_hint = false} : vector<512x1024xbf16>, vector<1024x1024xbf16>, vector<512x1024xf32> -> vector<512x1024xf32>
    %add3A = arith.addf %broadcast_in_dim3A_2, %dot_general3A_11 : vector<512x1024xf32>
    %get3A_12 = arith.constant 1 : index
    %get3A_13 = arith.constant 0 : index
    %get3A_14 = arith.constant 0 : index
    %get3A_15 = vector.load %arg1[%get3A_12, %get3A_13, %get3A_14] : memref<4x512x1024xf32, #tpu.memory_space<vmem>>, vector<1x512x1024xf32>
    %get3A_16 = vector.shape_cast %get3A_15 : vector<1x512x1024xf32> to vector<512x1024xf32>
    %convert_element_type3A_17 = arith.truncf %get3A_16 : vector<512x1024xf32> to vector<512x1024xbf16>
    %get3A_18 = arith.constant 0 : index
    %get3A_19 = arith.constant 1024 : index
    %get3A_20 = vector.load %arg2[%get3A_18, %get3A_19] : memref<1024x4096xbf16, #tpu.memory_space<vmem>>, vector<1024x1024xbf16>
    %dot_general3A_21 = arith.constant dense<0.000000e+00> : vector<512x1024xf32>
    %dot_general3A_22 = tpu.matmul %convert_element_type3A_17, %get3A_20, %dot_general3A_21 {dimension_numbers = #tpu.dot_dimension_numbers<[1], [1], [0], [0], [0, 0, 1, 0], [], []>, transpose_lhs_hint = false} : vector<512x1024xbf16>, vector<1024x1024xbf16>, vector<512x1024xf32> -> vector<512x1024xf32>
    %add3A_23 = arith.addf %add3A, %dot_general3A_22 : vector<512x1024xf32>
    %get3A_24 = arith.constant 2 : index
    %get3A_25 = arith.constant 0 : index
    %get3A_26 = arith.constant 0 : index
    %get3A_27 = vector.load %arg1[%get3A_24, %get3A_25, %get3A_26] : memref<4x512x1024xf32, #tpu.memory_space<vmem>>, vector<1x512x1024xf32>
    %get3A_28 = vector.shape_cast %get3A_27 : vector<1x512x1024xf32> to vector<512x1024xf32>
    %convert_element_type3A_29 = arith.truncf %get3A_28 : vector<512x1024xf32> to vector<512x1024xbf16>
    %get3A_30 = arith.constant 0 : index
    %get3A_31 = arith.constant 2048 : index
    %get3A_32 = vector.load %arg2[%get3A_30, %get3A_31] : memref<1024x4096xbf16, #tpu.memory_space<vmem>>, vector<1024x1024xbf16>
    %dot_general3A_33 = arith.constant dense<0.000000e+00> : vector<512x1024xf32>
    %dot_general3A_34 = tpu.matmul %convert_element_type3A_29, %get3A_32, %dot_general3A_33 {dimension_numbers = #tpu.dot_dimension_numbers<[1], [1], [0], [0], [0, 0, 1, 0], [], []>, transpose_lhs_hint = false} : vector<512x1024xbf16>, vector<1024x1024xbf16>, vector<512x1024xf32> -> vector<512x1024xf32>
    %add3A_35 = arith.addf %add3A_23, %dot_general3A_34 : vector<512x1024xf32>
    %get3A_36 = arith.constant 3 : index
    %get3A_37 = arith.constant 0 : index
    %get3A_38 = arith.constant 0 : index
    %get3A_39 = vector.load %arg1[%get3A_36, %get3A_37, %get3A_38] : memref<4x512x1024xf32, #tpu.memory_space<vmem>>, vector<1x512x1024xf32>
    %get3A_40 = vector.shape_cast %get3A_39 : vector<1x512x1024xf32> to vector<512x1024xf32>
    %convert_element_type3A_41 = arith.truncf %get3A_40 : vector<512x1024xf32> to vector<512x1024xbf16>
    %get3A_42 = arith.constant 0 : index
    %get3A_43 = arith.constant 3072 : index
    %get3A_44 = vector.load %arg2[%get3A_42, %get3A_43] : memref<1024x4096xbf16, #tpu.memory_space<vmem>>, vector<1024x1024xbf16>
    %dot_general3A_45 = arith.constant dense<0.000000e+00> : vector<512x1024xf32>
    %dot_general3A_46 = tpu.matmul %convert_element_type3A_41, %get3A_44, %dot_general3A_45 {dimension_numbers = #tpu.dot_dimension_numbers<[1], [1], [0], [0], [0, 0, 1, 0], [], []>, transpose_lhs_hint = false} : vector<512x1024xbf16>, vector<1024x1024xbf16>, vector<512x1024xf32> -> vector<512x1024xf32>
    %add3A_47 = arith.addf %add3A_35, %dot_general3A_46 : vector<512x1024xf32>
    %swap3A = arith.constant 0 : index
    %swap3A_48 = arith.constant 0 : index
    %swap3A_49 = vector.load %arg5[%swap3A, %swap3A_48] : memref<512x1024xf32, #tpu.memory_space<vmem>>, vector<512x1024xf32>
    tpu.vector_store %arg5[%swap3A, %swap3A_48], %add3A_47 {strides = array<i32>} : memref<512x1024xf32, #tpu.memory_space<vmem>>, vector<512x1024xf32>,
    return
  }
  func.func @transform_0(%arg0: i32) -> (i32, i32, i32) {
    %c0_i32 = arith.constant 0 : i32
    %c0_i32_0 = arith.constant 0 : i32
    %c0_i32_1 = arith.constant 0 : i32
    return %c0_i32, %arg0, %c0_i32_0 : i32, i32, i32
  }
  func.func @transform_1(%arg0: i32) -> (i32, i32) {
    %c0_i32 = arith.constant 0 : i32
    %c0_i32_0 = arith.constant 0 : i32
    %c0_i32_1 = arith.constant 0 : i32
    return %c0_i32, %c0_i32_0 : i32, i32
  }
  func.func @transform_2(%arg0: i32) -> (i32, i32) {
    %c0_i32 = arith.constant 0 : i32
    %c0_i32_0 = arith.constant 0 : i32
    %c0_i32_1 = arith.constant 0 : i32
    return %c0_i32, %c0_i32_0 : i32, i32
  }
  func.func @transform_4(%arg0: i32) -> (i32, i32) {
    %add3A = arith.constant 4 : i32
    %add3A_0 = arith.addi %add3A, %arg0 : i32
    %c0_i32 = arith.constant 0 : i32
    %c0_i32_1 = arith.constant 0 : i32
    return %add3A_0, %c0_i32 : i32, i32
  }
}

module attributes {stable_mosaic.version = 14 : i64} {
  func.func @body(%arg0: i32, %arg1: memref<4x512x1024xf32, #tpu.memory_space<vmem>>, %arg2: memref<1024x4096xbf16, #tpu.memory_space<vmem>>, %arg3: memref<1x1024xf32, #tpu.memory_space<vmem>>, %arg4: memref<8192x1024xf32, #tpu.memory_space<any>>, %arg5: memref<512x1024xf32, #tpu.memory_space<vmem>>) attributes {dimension_semantics = [#tpu.dimension_semantics<arbitrary>], iteration_bounds = array<i64: 4>, scalar_prefetch = 0 : i64, scratch_operands = 0 : i64, tpu.core_type = #tpu.core_type<tc>, window_params = [{transform_indices = @transform_0, window_bounds = array<i64: 4, 512, 1024>}, {pipeline_mode = #tpu.pipeline_mode<synchronous>, transform_indices = @transform_1, window_bounds = array<i64: 1024, 4096>}, {pipeline_mode = #tpu.pipeline_mode<synchronous>, transform_indices = @transform_2, window_bounds = array<i64: 1, 1024>}, {}, {transform_indices = @transform_4, window_bounds = array<i64: 512, 1024>}]} {
    %get3A = arith.constant 0 : index
    %get3A_0 = arith.constant 0 : index
    %get3A_1 = vector.load %arg3[%get3A, %get3A_0] : memref<1x1024xf32, #tpu.memory_space<vmem>>, vector<1x1024xf32>
    %broadcast_in_dim3A = vector.shape_cast %get3A_1 : vector<1x1024xf32> to vector<1x1024xf32>
    %broadcast_in_dim3A_2 = vector.broadcast %broadcast_in_dim3A : vector<1x1024xf32> to vector<512x1024xf32>
    %get3A_3 = arith.constant 0 : index
    %get3A_4 = arith.constant 0 : index
    %get3A_5 = arith.constant 0 : index
    %get3A_6 = vector.load %arg1[%get3A_3, %get3A_4, %get3A_5] : memref<4x512x1024xf32, #tpu.memory_space<vmem>>, vector<1x512x1024xf32>
    %get3A_7 = vector.shape_cast %get3A_6 : vector<1x512x1024xf32> to vector<512x1024xf32>
    %convert_element_type3A = arith.truncf %get3A_7 : vector<512x1024xf32> to vector<512x1024xbf16>
    %get3A_8 = arith.constant 0 : index
    %get3A_9 = arith.constant 0 : index
    %get3A_10 = vector.load %arg2[%get3A_8, %get3A_9] : memref<1024x4096xbf16, #tpu.memory_space<vmem>>, vector<1024x1024xbf16>
    %dot_general3A = arith.constant dense<0.000000e+00> : vector<512x1024xf32>
    %dot_general3A_11 = tpu.matmul %convert_element_type3A, %get3A_10, %dot_general3A {dimension_numbers = #tpu.dot_dimension_numbers<[1], [1], [0], [0], [0, 0, 1, 0], [], []>, transpose_lhs_hint = false} : vector<512x1024xbf16>, vector<1024x1024xbf16>, vector<512x1024xf32> -> vector<512x1024xf32>
    %add3A = arith.addf %broadcast_in_dim3A_2, %dot_general3A_11 : vector<512x1024xf32>
    %get3A_12 = arith.constant 1 : index
    %get3A_13 = arith.constant 0 : index
    %get3A_14 = arith.constant 0 : index
    %get3A_15 = vector.load %arg1[%get3A_12, %get3A_13, %get3A_14] : memref<4x512x1024xf32, #tpu.memory_space<vmem>>, vector<1x512x1024xf32>
    %get3A_16 = vector.shape_cast %get3A_15 : vector<1x512x1024xf32> to vector<512x1024xf32>
    %convert_element_type3A_17 = arith.truncf %get3A_16 : vector<512x1024xf32> to vector<512x1024xbf16>
    %get3A_18 = arith.constant 0 : index
    %get3A_19 = arith.constant 1024 : index
    %get3A_20 = vector.load %arg2[%get3A_18, %get3A_19] : memref<1024x4096xbf16, #tpu.memory_space<vmem>>, vector<1024x1024xbf16>
    %dot_general3A_21 = arith.constant dense<0.000000e+00> : vector<512x1024xf32>
    %dot_general3A_22 = tpu.matmul %convert_element_type3A_17, %get3A_20, %dot_general3A_21 {dimension_numbers = #tpu.dot_dimension_numbers<[1], [1], [0], [0], [0, 0, 1, 0], [], []>, transpose_lhs_hint = false} : vector<512x1024xbf16>, vector<1024x1024xbf16>, vector<512x1024xf32> -> vector<512x1024xf32>
    %add3A_23 = arith.addf %add3A, %dot_general3A_22 : vector<512x1024xf32>
    %get3A_24 = arith.constant 2 : index
    %get3A_25 = arith.constant 0 : index
    %get3A_26 = arith.constant 0 : index
    %get3A_27 = vector.load %arg1[%get3A_24, %get3A_25, %get3A_26] : memref<4x512x1024xf32, #tpu.memory_space<vmem>>, vector<1x512x1024xf32>
    %get3A_28 = vector.shape_cast %get3A_27 : vector<1x512x1024xf32> to vector<512x1024xf32>
    %convert_element_type3A_29 = arith.truncf %get3A_28 : vector<512x1024xf32> to vector<512x1024xbf16>
    %get3A_30 = arith.constant 0 : index
    %get3A_31 = arith.constant 2048 : index
    %get3A_32 = vector.load %arg2[%get3A_30, %get3A_31] : memref<1024x4096xbf16, #tpu.memory_space<vmem>>, vector<1024x1024xbf16>
    %dot_general3A_33 = arith.constant dense<0.000000e+00> : vector<512x1024xf32>
    %dot_general3A_34 = tpu.matmul %convert_element_type3A_29, %get3A_32, %dot_general3A_33 {dimension_numbers = #tpu.dot_dimension_numbers<[1], [1], [0], [0], [0, 0, 1, 0], [], []>, transpose_lhs_hint = false} : vector<512x1024xbf16>, vector<1024x1024xbf16>, vector<512x1024xf32> -> vector<512x1024xf32>
    %add3A_35 = arith.addf %add3A_23, %dot_general3A_34 : vector<512x1024xf32>
    %get3A_36 = arith.constant 3 : index
    %get3A_37 = arith.constant 0 : index
    %get3A_38 = arith.constant 0 : index
    %get3A_39 = vector.load %arg1[%get3A_36, %get3A_37, %get3A_38] : memref<4x512x1024xf32, #tpu.memory_space<vmem>>, vector<1x512x1024xf32>
    %get3A_40 = vector.shape_cast %get3A_39 : vector<1x512x1024xf32> to vector<512x1024xf32>
    %convert_element_type3A_41 = arith.truncf %get3A_40 : vector<512x1024xf32> to vector<512x1024xbf16>
    %get3A_42 = arith.constant 0 : index
    %get3A_43 = arith.constant 3072 : index
    %get3A_44 = vector.load %arg2[%get3A_42, %get3A_43] : memref<1024x4096xbf16, #tpu.memory_space<vmem>>, vector<1024x1024xbf16>
    %dot_general3A_45 = arith.constant dense<0.000000e+00> : vector<512x1024xf32>
    %dot_general3A_46 = tpu.matmul %convert_element_type3A_41, %get3A_44, %dot_general3A_45 {dimension_numbers = #tpu.dot_dimension_numbers<[1], [1], [0], [0], [0, 0, 1, 0], [], []>, transpose_lhs_hint = false} : vector<512x1024xbf16>, vector<1024x1024xbf16>, vector<512x1024xf32> -> vector<512x1024xf32>
    %add3A_47 = arith.addf %add3A_35, %dot_general3A_46 : vector<512x1024xf32>
    %swap3A = arith.constant 0 : index
    %swap3A_48 = arith.constant 0 : index
    %swap3A_49 = vector.load %arg5[%swap3A, %swap3A_48] : memref<512x1024xf32, #tpu.memory_space<vmem>>, vector<512x1024xf32>
    tpu.vector_store %arg5[%swap3A, %swap3A_48], %add3A_47 {strides = array<i32>} : memref<512x1024xf32, #tpu.memory_space<vmem>>, vector<512x1024xf32>,
    return
  }
  func.func @transform_0(%arg0: i32) -> (i32, i32, i32) {
    %c0_i32 = arith.constant 0 : i32
    %c0_i32_0 = arith.constant 0 : i32
    %c0_i32_1 = arith.constant 0 : i32
    return %c0_i32, %arg0, %c0_i32_0 : i32, i32, i32
  }
  func.func @transform_1(%arg0: i32) -> (i32, i32) {
    %c0_i32 = arith.constant 0 : i32
    %c0_i32_0 = arith.constant 0 : i32
    %c0_i32_1 = arith.constant 0 : i32
    return %c0_i32, %c0_i32_0 : i32, i32
  }
  func.func @transform_2(%arg0: i32) -> (i32, i32) {
    %c0_i32 = arith.constant 0 : i32
    %c0_i32_0 = arith.constant 0 : i32
    %c0_i32_1 = arith.constant 0 : i32
    return %c0_i32, %c0_i32_0 : i32, i32
  }
  func.func @transform_4(%arg0: i32) -> (i32, i32) {
    %add3A = arith.constant 12 : i32
    %add3A_0 = arith.addi %add3A, %arg0 : i32
    %c0_i32 = arith.constant 0 : i32
    %c0_i32_1 = arith.constant 0 : i32
    return %add3A_0, %c0_i32 : i32, i32
  }
}

</mosaic_0001>

<sc_bundles>
// kernel: kernel.10.cloned.1.call-start
scs
__scs_entry_jumppad:
0x0: {  	(pc) =	sbr.rel $0x88, $3  }
0x1: {  	(tag) =	ssettag $0x0;
	lr =	simm.s32 $0x1  }
0x2: {  	[smem:$0x3F9D] =	sst lr;
	_ =	strace $0xD0000000  }
0x3: {  	_ = 	snop  }
0x4: {  	_ = 	snop  }
0x5: {  	_ = 	snop  }
0x6: {  	_ = 	snop  }
0x7: {  	_ = 	snop  }
__scs_overlays_trampoline_lowered:
0x8: {  	[smem:$0x3FAC] =	sst s0  }
0x9: {  	[smem:$0x3FAD] =	sst s1  }
0xa: {  	[smem:$0x3FAE] =	sst s2  }
0xb: {  	[smem:$0x3FAF] =	sst s3  }
0xc: {  	[smem:$0x3FB0] =	sst s4  }
0xd: {  	[smem:$0x3FB1] =	sst s5  }
0xe: {  	[smem:$0x3FB2] =	sst s6  }
0xf: {  	[smem:$0x3FB3] =	sst s7  }
0x10: {  	[smem:$0x3FB4] =	sst s8  }
0x11: {  	[smem:$0x3FB5] =	sst s9;
	s0 =	simm.s32 @!p0 $0x0  }
0x12: {  	s1 =	sld [smem:$0x3F9B];
	s0 =	simm.s32 @p0 $0x1  }
0x13: {  	[smem:$0x3FB6] =	sst s0;
	s0 =	simm.s32 @!p1 $0x0  }
0x14: {  	s2 =	sld [smem:$0x3F9A];
	s0 =	simm.s32 @p1 $0x1  }
0x15: {  	[smem:$0x3FB7] =	sst s0;
	s0 =	simm.s32 @!p2 $0x0  }
0x16: {  	s3 =	sld [smem:$0x3FDB];
	s0 =	simm.s32 @p2 $0x1  }
0x17: {  	s4 =	simm.s32 $0x1BF5;
	[smem:$0x3FB9] =	sst s0  }
0x18: {  	s0 =	sld [smem:$0x3F9C];
	_ =	swait.ge [sflag:s4], $0x0  }
0x19: {  	s7 =	sld [smem:$0x3F9D]  }
0x1a: {  	s8 =	sadd.s32 $0xFFFFE003, lr  }
0x1b: {  	s9 =	sadd.s32 $0xFFFFFEF7, lr;
	s5 =	simm.s32 $0xFFFFFFFF;
	p2 =	slt.u32 s8, $0xFFFFF086  }
0x1c: {  	p1 =	slt.u32 s9, $0xF7A;
	s5 =	simm.s32 @!p2 $0x0  }
0x1d: {  	s5 =	simm.s32 @p1 $0x1;
	p0 =	seq.s32 s7, s2  }
0x1e: {  	s7 =	smul.u32 @!p0 $0xF7A, s2;
	p2 =	seq.s32 @!p0 s5, $0x0  }
0x1f: {  	s9 =	smul.u32 $0xF7A, s1;
	s8 =	simm.s32 @!p0 $0x1BF5;
	p2 =	por !p2, p0  }
0x20: {  	[sflag:s8] =	ssyncset.s32 @!p0 $0xFFFFF086;
	s6 =	sadd.s32 @!p0 s3, s7;
	s7 =	simm.s32 @!p0 $0x108  }
0x21: {  	s3 =	sadd.s32 s3, s9;
	s6 =	sadd.s32 @!p0 $0x88, s6;
	s7 =	simm.s32 @p2 $0x1082  }
0x22: {  	[simem:s7], [sflag:s8] =	dma.local @!p0 [hbm:s6], $0xF7A  }
0x23: {  	s9 =	sor.u32 $0xD0000000, s2;
	s6 =	simm.s32 $0x108;
	_ =	swait.ge @!p0 [sflag:s8], $0x0  }
0x24: {  	s3 =	sadd.s32 $0x88, s3;
	s6 =	simm.s32 @!p1 $0x1082;
	[sflag:s4] =	ssyncset.s32 $0xFFFFF086  }
0x25: {  	[simem:s6], [sflag:s4] =	dma.local [hbm:s3], $0xF7A  }
0x26: {  	[smem:$0x3F9D] =	sst s1;
	(tag) =	ssettag s2;
	_ =	strace s9  }
0x27: {  	s1 =	sld [smem:$0x3FAD]  }
0x28: {  	s2 =	sld [smem:$0x3FAE]  }
0x29: {  	s4 =	sld [smem:$0x3FB0]  }
0x2a: {  	p0 =	seq.s32 s5, $0x0;
	s5 =	sld [smem:$0x3FB1]  }
0x2b: {  	s6 =	sld [smem:$0x3FB2]  }
0x2c: {  	s7 =	sld [smem:$0x3FB3]  }
0x2d: {  	s3 =	simm.s32 $0x108;
	s8 =	sld [smem:$0x3FB4]  }
0x2e: {  	s3 =	simm.s32 @!p0 $0x1082;
	s9 =	sld [smem:$0x3FB5]  }
0x2f: {  	lr =	sadd.s32 s0, s3;
	s0 =	sld [smem:$0x3FAC]  }
0x30: {  	s3 =	sld [smem:$0x3FAF]  }
0x31: {  	[smem:$0x3FB8] =	sst s10  }
0x32: {  	s10 =	sld [smem:$0x3FB6];
	_ =	sdelay $0x3  }
0x33: {  	p0 =	seq.s32 s10, $0x1;
	s10 =	sld [smem:$0x3FB8];
	_ =	sdelay $0x3  }
0x34: {  	[smem:$0x3FB8] =	sst s10  }
0x35: {  	s10 =	sld [smem:$0x3FB7];
	_ =	sdelay $0x3  }
0x36: {  	p1 =	seq.s32 s10, $0x1;
	s10 =	sld [smem:$0x3FB8];
	_ =	sdelay $0x3  }
0x37: {  	[smem:$0x3FB8] =	sst s10  }
0x38: {  	s10 =	sld [smem:$0x3FB9]  }
0x39: {  	_ = 	snop;
	(pc) =	sbr.ind lr, $3  }
0x3a: {  	_ = 	snop  }
0x3b: {  	_ = 	snop  }
0x3c: {  	p2 =	seq.s32 s10, $0x1;
	s10 =	sld [smem:$0x3FB8]  }
0x3d: {  	_ =	shalt  }
0x3e: {  	_ =	shalt  }
0x3f: {  	_ =	shalt  }
0x40: {  	_ =	shalt  }
0x41: {  	_ =	shalt  }
0x42: {  	_ =	shalt  }
0x43: {  	_ =	shalt  }
0x44: {  	_ =	shalt  }
0x45: {  	_ =	shalt  }
0x46: {  	_ =	shalt  }
0x47: {  	_ =	shalt  }
0x48: {  	_ =	shalt  }
0x49: {  	_ =	shalt  }
0x4a: {  	_ =	shalt  }
0x4b: {  	_ =	shalt  }
0x4c: {  	_ =	shalt  }
0x4d: {  	_ =	shalt  }
0x4e: {  	_ =	shalt  }
0x4f: {  	_ =	shalt  }
0x50: {  	_ =	shalt  }
0x51: {  	_ =	shalt  }
0x52: {  	_ =	shalt  }
0x53: {  	_ =	shalt  }
0x54: {  	_ =	shalt  }
0x55: {  	_ =	shalt  }
0x56: {  	_ =	shalt  }
0x57: {  	_ =	shalt  }
0x58: {  	_ =	shalt  }
0x59: {  	_ =	shalt  }
0x5a: {  	_ =	shalt  }
0x5b: {  	_ =	shalt  }
0x5c: {  	_ =	shalt  }
0x5d: {  	_ =	shalt  }
0x5e: {  	_ =	shalt  }
0x5f: {  	_ =	shalt  }
0x60: {  	_ =	shalt  }
0x61: {  	_ =	shalt  }
0x62: {  	_ =	shalt  }
0x63: {  	_ =	shalt  }
0x64: {  	_ =	shalt  }
0x65: {  	_ =	shalt  }
0x66: {  	_ =	shalt  }
0x67: {  	_ =	shalt  }
0x68: {  	_ =	shalt  }
0x69: {  	_ =	shalt  }
0x6a: {  	_ =	shalt  }
0x6b: {  	_ =	shalt  }
0x6c: {  	_ =	shalt  }
0x6d: {  	_ =	shalt  }
0x6e: {  	_ =	shalt  }
0x6f: {  	_ =	shalt  }
0x70: {  	_ =	shalt  }
0x71: {  	_ =	shalt  }
0x72: {  	_ =	shalt  }
0x73: {  	_ =	shalt  }
0x74: {  	_ =	shalt  }
0x75: {  	_ =	shalt  }
0x76: {  	_ =	shalt  }
0x77: {  	_ =	shalt  }
0x78: {  	_ =	shalt  }
0x79: {  	_ =	shalt  }
0x7a: {  	_ =	shalt  }
0x7b: {  	_ =	shalt  }
0x7c: {  	_ =	shalt  }
0x7d: {  	_ =	shalt  }
0x7e: {  	_ =	shalt  }
0x7f: {  	_ =	shalt  }
0x80: {  	_ =	shalt  }
0x81: {  	_ =	shalt  }
0x82: {  	_ =	shalt  }
0x83: {  	_ =	shalt  }
0x84: {  	_ =	shalt  }
0x85: {  	_ =	shalt  }
0x86: {  	_ =	shalt  }
0x87: {  	_ =	shalt  }
.Lfunc_end0:
.L_simem_size_0:
called_computation_lowered:
.L_overlay_start_0:
0x88: {  	s2 =	sld [smem:$0x3FD9]  }
0x89: {  	s3 =	sld [smem:$0x3FFE];
	_ =	sdelay $0x1  }
0x8a: {  	s1 =	srdreg.scid  }
0x8b: {  	s0 =	sand.u32 $0x1, s1  }
0x8c: {  	s17 =	sshll.u32 s0, $0xA;
	s2 =	sadd.s32 s3, s2  }
0x8d: {  	s2 =	sadd.s32 s2, s17  }
0x8e: {  	[smem:$0x3FC4] =	sst s2  }
0x8f: {  	_ = 	snop  }
0x90: {  	s2 =	sld [smem:$0x3FC8];
	(tm) =	ssettm $0x1  }
0x91: {  	s18 =	sld [smem:$0x3FFB];
	_ =	sdelay $0x3  }
0x92: {  	_ =	strace s18  }
0x93: {  	s3 =	sld [smem:$0x3FFC];
	_ =	sdelay $0x3  }
0x94: {  	_ =	strace s3  }
0x95: {  	s3 =	sld [smem:$0x3FFD];
	_ =	sdelay $0x3  }
0x96: {  	_ =	strace s3  }
0x97: {  	_ =	strace $0x8FFFFFFF  }
0x98: {  	s19 =	sld [smem:$0x3FDB];
	_ =	sdelay $0x1  }
0x99: {  	s4 =	simm.s32 $_scs_section_size  }
0x9a: {  	s5 =	simm.s32 $_size__tile_overlayer_lowered;
	s6 =	simm.s32 $_tile_overlayer_lowered  }
0x9b: {  	s22 =	simm.s32 $0x1BFF;
	s21 =	sshll.u32 s6, $0x1;
	s3 =	sadd.s32 s4, s19  }
0x9c: {  	s7 =	simm.s32 $0x0;
	s20 =	sshll.u32 s5, $0x1;
	s5 =	sadd.s32 s21, s3  }
0x9d: {  	[timem:s7], [sflag:s22] =	dma.local [hbm:s5], s20  }
0x9e: {  	_ =	swait.ge [sflag:s22], s20  }
0x9f: {  	s4 =	ssub.s32 $0x0, s20;
	[sflag:s22] =	ssyncset.done $0x0  }
0xa0: {  	[sflag:s22] =	ssyncadd.s32 s4;
	_ =	sdelay $0x1  }
0xa1: {  	s23 =	simm.s32 $0x1B8B  }
0xa2: {  	_ =	swait.ge [sflag:s23], $0x1  }
0xa3: {  	[sflag:s23] =	ssyncset.done $0x0  }
0xa4: {  	s25 =	simm.s32 $0x1B8E;
	s24 =	sld [smem:$0x3FFE];
	[sflag:s23] =	ssyncadd.s32 $0xFFFFFFFF  }
0xa5: {  	s26 =	simm.s32 $execute0_lowered;
	[smem:$0x3FD2] =	sst s25  }
0xa6: {  	s5 =	sshll.u32 s26, $0x1;
	_ =	strace $0x80000046;
	[dreg:$0x1] =	wrdreg $0xFFFFFFFF  }
0xa7: {  	s28 =	simm.s32 $_size_execute0_lowered;
	s3 =	sadd.s32 s3, s5;
	[dreg:$0x0] =	wrdreg $0x0  }
0xa8: {  	s5 =	sshll.u32 s28, $0x1;
	[dreg:$0x2] =	wrdreg s3  }
0xa9: {  	[dreg:$0x3] =	wrdreg s5  }
0xaa: {  	[dreg:$0x4] =	wrdreg $0xC0  }
0xab: {  	_ =	task [dreg:s7], $0x5FFFF  }
0xac: {  	[dreg:$0x1] =	wrdreg $0xFFFFFFFF  }
0xad: {  	[dreg:$0x0] =	wrdreg $0x60  }
0xae: {  	[dreg:$0x2] =	wrdreg s2  }
0xaf: {  	[dreg:$0x3] =	wrdreg s24  }
0xb0: {  	[dreg:$0x4] =	wrdreg $0x9  }
0xb1: {  	_ =	task.clear_ibuf [dreg:s7], $0x5FFFF;
	_ =	strace $0x90000046  }
0xb2: {  	s29 =	simm.s32 $0x9;
	_ =	strace $0x80000048  }
0xb3: {  	_ =	swait.ge [sflag:s29], $0x1  }
0xb4: {  	[sflag:s29] =	ssyncadd.s32 $0xFFFFFFFF  }
0xb5: {  	_ =	strace $0x90000048  }
0xb6: {  	_ =	sfence  }
0xb7: {  	s30 =	sld [smem:$0x0];
	_ =	sdelay $0x2  }
0xb8: {  	s31 =	sshll.u32 s1, $0xD;
	s1 =	sshrl.u32 s1, $0x2  }
0xb9: {  	s3 =	sand.u32 $0x4000, s31;
	s1 =	sadd.s32 s1, s30  }
0xba: {  	s0 =	sor.u32 s3, s0;
	s1 =	sshll.u32 s1, $0x11  }
0xbb: {  	s0 =	sor.u32 s1, s0  }
0xbc: {  	s0 =	sadd.s32 $0x8F2B, s0  }
0xbd: {  	[sflag:s0] =	ssyncadd.remote.s32 $0x1  }
0xbe: {  	_ =	sfence.sel $0xFFFF  }
0xbf: {  	[dreg:$0x0] =	wrdreg $0xFFFFFFFF;
	(pc) =	sbr.abs _section_cstart, $3  }
0xc0: {  	[dreg:$0x1] =	wrdreg $0xFFFFFFFF  }
0xc1: {  	_ =	task.clear_ibuf [dreg:s7], $0x2FFFF;
	_ =	strace $0x9FFFFFFF  }
0xc2: {  	(tm) =	ssettm $0x7FFFFFFF  }
0xc3: {  	_ =	shalt  }
tec
execute0_lowered:
.L_overlay_start_1:
0x0: {  	(tag) =	ssettag $0x1  }
0x1: {  	s0 =	srdreg.scid  }
0x2: {  	s2 =	rddreg [dreg:$0x0];
	s9 =	stileid.u32  }
0x3: {  	s1 =	rddreg [dreg:$0x1];
	s3 =	simm.s32 $0x0;
	s22 =	simm.s32 $0x100  }
0x4: {  	s20 =	simm.s32 $0x2900;
	s11 =	simm.s32 $0x3100;
	s13 =	simm.s32 $0x3900  }
0x5: {  	s31 =	simm.s32 $0x4100;
	s15 =	simm.s32 $0x4900;
	s16 =	simm.s32 $0x5100  }
0x6: {  	s17 =	simm.s32 $0x5900;
	s18 =	simm.s32 $0x6100;
	s19 =	simm.s32 $0x6900  }
0x7: {  	s14 =	simm.s32 $0x7100;
	s12 =	simm.s32 $0xC100;
	s21 =	simm.s32 $0x1  }
0x8: {  	s28 =	simm.s32 $0x6;
	s29 =	simm.s32 $0x7;
	s30 =	simm.s32 $0x8  }
0x9: {  	s0 =	sand.u32 $0x1, s0;
	s4 =	sshll.u32 s9, $0x9;
	[smem:$0x7FF] =	sst s3  }
0xa: {  	s9 =	sshll.u32 s9, $0x10;
	s5 =	sshll.u32 s0, $0x8;
	s6 =	ssub.s32 $0x2, s0  }
0xb: {  	_ =	strace $0x80000047;
	s4 =	sor.u32 s5, s4;
	s7 =	sshrl.u32 s6, $0x1  }
0xc: {  	s0 =	sshll.u32 s0, $0xF;
	s5 =	sshrl.u32 s4, $0x3;
	s8 =	ssub.s32 s6, s7  }
0xd: {  	s6 =	sadd.s32 $0x200, s2;
	s4 =	sshll.u32 s4, $0x7;
	s7 =	sadd.s32 $0x300, s2  }
0xe: {  	s5 =	sadd.s32 s5, s1;
	s1 =	sadd.s32 $0x2000, s1;
	s26 =	smax.u32 s8, $0x1  }
0xf: {  	s5 =	sadd.s32 $0x1C00, s5;
	s4 =	sadd.s32 s4, s1;
	[dreg:$0x9] =	wrdreg s26  }
0x10: {  	s8 =	simm.s32 $0x1100;
	[dreg:$0x4] =	wrdreg s5;
	s10 =	sadd.s32 $0x6000, s4  }
0x11: {  	s1 =	sadd.s32 s9, s1;
	s23 =	sadd.s32 $0x6800, s4;
	[dreg:$0x5] =	wrdreg s10  }
0x12: {  	s9 =	simm.s32 $0x2100;
	s24 =	sadd.s32 $0x7000, s4;
	[dreg:$0x6] =	wrdreg s23  }
0x13: {  	s26 =	simm.s32 $0x5;
	s25 =	sadd.s32 $0x7800, s4;
	[dreg:$0x7] =	wrdreg s24  }
0x14: {  	s5 =	sadd.s32 $0x100, s2;
	s0 =	sadd.s32 s0, s1;
	[dreg:$0x8] =	wrdreg s25  }
0x15: {  	v2 =	vlaneseq.u32;
	s4 =	simm.s32 $0x900;
	s1 =	simm.s32 $0x1900;
	[dreg:$0x3] =	wrdreg s0  }
0x16: {  	vm0 =	vmmov $0xffff;
	v1 =	vshrl.u32 v2, $0x3;
	s10 =	simm.s32 $0x8100;
	s23 =	simm.s32 $0x2;
	s0 =	simm.s32 $0x0  }
0x17: {  	v0 =	vand.u32 $0x7, v2;
	v2 =	vor.u32 $0x8, v2;
	v1 =	vmul.u32 $0x8, v1;
	s24 =	simm.s32 $0x3;
	s25 =	simm.s32 $0x4;
	[dreg:$0xa] =	wrdreg s0  }
.LBB2_1:
0x18: {  	s0 =	rddreg [dreg:$0x4]  }
0x19: {  	[tilespmem:s3], [sflag:$0x9] =	stream.linear.gather [hbm4b:s0+s3], $0x100, $0x38;
	[tilespmem:$0x10100] =	vst v63  }
0x1a: {  	s0 =	simm.s32 $0x9  }
0x1b: {  	_ =	swait.ge [sflag:s0], $0x100  }
0x1c: {  	[sflag:s0] =	ssyncset.done $0x0  }
0x1d: {  	[sflag:s0] =	ssyncadd.s32 $0xFFFFFF00  }
0x1e: {  	v3 =	vld [tilespmem:$0x0];
	_ =	sdelay $0x4  }
0x1f: {  	v4 =	vshll.u32 v3, $0x3  }
0x20: {  	v3 =	vand.u32 $0x7, v3;
	v4 =	vand.u32 $0xFFFFFFC0, v4  }
0x21: {  	v3 =	vor.u32 v3, v4  }
0x22: {  	v4 =	vperm.xlane v3, v0;
	_ =	sdelay $0x1  }
0x23: {  	v4 =	vadd.s32 v1, v4;
	_ =	sdelay $0x4  }
0x24: {  	[tilespmem:s22], [sflag:$0x1] =	stream.indirect_vreg.gather [hbm4b:s2+s3], $0x80, v4, vm0, $0xb8;
	[tilespmem:$0x10100] =	vst v63  }
0x25: {  	v3 =	vperm.xlane v3, v2  }
0x26: {  	[tilespmem:s4], [sflag:$0x1] =	stream.indirect_vreg.gather [hbm4b:s5+s3], $0x80, v4, vm0, $0xb8;
	[tilespmem:$0x10100] =	vst v63  }
0x27: {  	v3 =	vadd.s32 v1, v3  }
0x28: {  	[tilespmem:s8], [sflag:$0x1] =	stream.indirect_vreg.gather [hbm4b:s6+s3], $0x80, v4, vm0, $0xb8;
	[tilespmem:$0x10100] =	vst v63  }
0x29: {  	_ = 	snop  }
0x2a: {  	[tilespmem:s1], [sflag:$0x1] =	stream.indirect_vreg.gather [hbm4b:s7+s3], $0x80, v4, vm0, $0xb8;
	[tilespmem:$0x10100] =	vst v63  }
0x2b: {  	_ = 	snop  }
0x2c: {  	[tilespmem:s9], [sflag:$0x1] =	stream.indirect_vreg.gather [hbm4b:s2+s3], $0x80, v3, vm0, $0xb8;
	[tilespmem:$0x10100] =	vst v63  }
0x2d: {  	_ = 	snop  }
0x2e: {  	[tilespmem:s20], [sflag:$0x1] =	stream.indirect_vreg.gather [hbm4b:s5+s3], $0x80, v3, vm0, $0xb8;
	[tilespmem:$0x10100] =	vst v63  }
0x2f: {  	_ = 	snop  }
0x30: {  	[tilespmem:s11], [sflag:$0x1] =	stream.indirect_vreg.gather [hbm4b:s6+s3], $0x80, v3, vm0, $0xb8;
	[tilespmem:$0x10100] =	vst v63  }
0x31: {  	_ = 	snop  }
0x32: {  	[tilespmem:s13], [sflag:$0x1] =	stream.indirect_vreg.gather [hbm4b:s7+s3], $0x80, v3, vm0, $0xb8;
	[tilespmem:$0x10100] =	vst v63  }
0x33: {  	v3 =	vld [tilespmem:$0x10];
	_ =	sdelay $0x4  }
0x34: {  	v61 =	vshll.u32 v3, $0x3  }
0x35: {  	v3 =	vand.u32 $0x7, v3;
	v4 =	vand.u32 $0xFFFFFFC0, v61  }
0x36: {  	v3 =	vor.u32 v3, v4  }
0x37: {  	v4 =	vperm.xlane v3, v0;
	_ =	sdelay $0x1  }
0x38: {  	v4 =	vadd.s32 v1, v4;
	_ =	sdelay $0x4  }
0x39: {  	[tilespmem:s31], [sflag:$0x2] =	stream.indirect_vreg.gather [hbm4b:s2+s3], $0x80, v4, vm0, $0xb8;
	[tilespmem:$0x10100] =	vst v63  }
0x3a: {  	v3 =	vperm.xlane v3, v2  }
0x3b: {  	[tilespmem:s15], [sflag:$0x2] =	stream.indirect_vreg.gather [hbm4b:s5+s3], $0x80, v4, vm0, $0xb8;
	[tilespmem:$0x10100] =	vst v63  }
0x3c: {  	v3 =	vadd.s32 v1, v3  }
0x3d: {  	[tilespmem:s16], [sflag:$0x2] =	stream.indirect_vreg.gather [hbm4b:s6+s3], $0x80, v4, vm0, $0xb8;
	[tilespmem:$0x10100] =	vst v63  }
0x3e: {  	_ = 	snop  }
0x3f: {  	[tilespmem:s17], [sflag:$0x2] =	stream.indirect_vreg.gather [hbm4b:s7+s3], $0x80, v4, vm0, $0xb8;
	[tilespmem:$0x10100] =	vst v63  }
0x40: {  	_ = 	snop  }
0x41: {  	[tilespmem:s18], [sflag:$0x2] =	stream.indirect_vreg.gather [hbm4b:s2+s3], $0x80, v3, vm0, $0xb8;
	[tilespmem:$0x10100] =	vst v63  }
0x42: {  	_ = 	snop  }
0x43: {  	[tilespmem:s19], [sflag:$0x2] =	stream.indirect_vreg.gather [hbm4b:s5+s3], $0x80, v3, vm0, $0xb8;
	[tilespmem:$0x10100] =	vst v63  }
0x44: {  	_ = 	snop  }
0x45: {  	[tilespmem:s14], [sflag:$0x2] =	stream.indirect_vreg.gather [hbm4b:s6+s3], $0x80, v3, vm0, $0xb8;
	[tilespmem:$0x10100] =	vst v63  }
0x46: {  	s11 =	simm.s32 $0x7900  }
0x47: {  	[tilespmem:s11], [sflag:$0x2] =	stream.indirect_vreg.gather [hbm4b:s7+s3], $0x80, v3, vm0, $0xb8;
	[tilespmem:$0x10100] =	vst v63  }
0x48: {  	v3 =	vld [tilespmem:$0x20];
	_ =	sdelay $0x4  }
0x49: {  	v62 =	vshll.u32 v3, $0x3  }
0x4a: {  	v3 =	vand.u32 $0x7, v3;
	v4 =	vand.u32 $0xFFFFFFC0, v62  }
0x4b: {  	v3 =	vor.u32 v3, v4  }
0x4c: {  	v4 =	vperm.xlane v3, v0;
	_ =	sdelay $0x1  }
0x4d: {  	v4 =	vadd.s32 v1, v4;
	_ =	sdelay $0x4  }
0x4e: {  	[tilespmem:s10], [sflag:$0x3] =	stream.indirect_vreg.gather [hbm4b:s2+s3], $0x80, v4, vm0, $0xb8;
	[tilespmem:$0x10100] =	vst v63  }
0x4f: {  	s13 =	simm.s32 $0x8900;
	v3 =	vperm.xlane v3, v2  }
0x50: {  	[tilespmem:s13], [sflag:$0x3] =	stream.indirect_vreg.gather [hbm4b:s5+s3], $0x80, v4, vm0, $0xb8;
	[tilespmem:$0x10100] =	vst v63  }
0x51: {  	s14 =	simm.s32 $0x9100;
	v3 =	vadd.s32 v1, v3  }
0x52: {  	[tilespmem:s14], [sflag:$0x3] =	stream.indirect_vreg.gather [hbm4b:s6+s3], $0x80, v4, vm0, $0xb8;
	[tilespmem:$0x10100] =	vst v63  }
0x53: {  	s15 =	simm.s32 $0x9900  }
0x54: {  	[tilespmem:s15], [sflag:$0x3] =	stream.indirect_vreg.gather [hbm4b:s7+s3], $0x80, v4, vm0, $0xb8;
	[tilespmem:$0x10100] =	vst v63  }
0x55: {  	s16 =	simm.s32 $0xA100  }
0x56: {  	[tilespmem:s16], [sflag:$0x3] =	stream.indirect_vreg.gather [hbm4b:s2+s3], $0x80, v3, vm0, $0xb8;
	[tilespmem:$0x10100] =	vst v63  }
0x57: {  	s17 =	simm.s32 $0xA900  }
0x58: {  	[tilespmem:s17], [sflag:$0x3] =	stream.indirect_vreg.gather [hbm4b:s5+s3], $0x80, v3, vm0, $0xb8;
	[tilespmem:$0x10100] =	vst v63  }
0x59: {  	s18 =	simm.s32 $0xB100  }
0x5a: {  	[tilespmem:s18], [sflag:$0x3] =	stream.indirect_vreg.gather [hbm4b:s6+s3], $0x80, v3, vm0, $0xb8;
	[tilespmem:$0x10100] =	vst v63  }
0x5b: {  	s19 =	simm.s32 $0xB900  }
0x5c: {  	[tilespmem:s19], [sflag:$0x3] =	stream.indirect_vreg.gather [hbm4b:s7+s3], $0x80, v3, vm0, $0xb8;
	[tilespmem:$0x10100] =	vst v63  }
0x5d: {  	v3 =	vld [tilespmem:$0x30];
	_ =	sdelay $0x4  }
0x5e: {  	v63 =	vshll.u32 v3, $0x3  }
0x5f: {  	v3 =	vand.u32 $0x7, v3;
	v4 =	vand.u32 $0xFFFFFFC0, v63  }
0x60: {  	v3 =	vor.u32 v3, v4  }
0x61: {  	v4 =	vperm.xlane v3, v0;
	_ =	sdelay $0x1  }
0x62: {  	v4 =	vadd.s32 v1, v4;
	_ =	sdelay $0x4  }
0x63: {  	[tilespmem:s12], [sflag:$0x4] =	stream.indirect_vreg.gather [hbm4b:s2+s3], $0x80, v4, vm0, $0xb8;
	[tilespmem:$0x10100] =	vst v63  }
0x64: {  	s20 =	simm.s32 $0xC900;
	v3 =	vperm.xlane v3, v2  }
0x65: {  	[tilespmem:s20], [sflag:$0x4] =	stream.indirect_vreg.gather [hbm4b:s5+s3], $0x80, v4, vm0, $0xb8;
	[tilespmem:$0x10100] =	vst v63  }
0x66: {  	s22 =	simm.s32 $0xD100;
	v3 =	vadd.s32 v1, v3  }
0x67: {  	[tilespmem:s22], [sflag:$0x4] =	stream.indirect_vreg.gather [hbm4b:s6+s3], $0x80, v4, vm0, $0xb8;
	[tilespmem:$0x10100] =	vst v63  }
0x68: {  	s31 =	simm.s32 $0xD900  }
0x69: {  	[tilespmem:s31], [sflag:$0x4] =	stream.indirect_vreg.gather [hbm4b:s7+s3], $0x80, v4, vm0, $0xb8;
	[tilespmem:$0x10100] =	vst v63  }
0x6a: {  	s0 =	simm.s32 $0x0;
	s16 =	simm.s32 $0xE100  }
0x6b: {  	[tilespmem:s16], [sflag:$0x4] =	stream.indirect_vreg.gather [hbm4b:s2+s3], $0x80, v3, vm0, $0xb8;
	[tilespmem:$0x10100] =	vst v63  }
0x6c: {  	s1 =	simm.s32 $0x70;
	s9 =	simm.s32 $0xF900;
	s18 =	simm.s32 $0xE900  }
0x6d: {  	[tilespmem:s18], [sflag:$0x4] =	stream.indirect_vreg.gather [hbm4b:s5+s3], $0x80, v3, vm0, $0xb8;
	[tilespmem:$0x10100] =	vst v63  }
0x6e: {  	s11 =	simm.s32 $0x2900;
	s14 =	simm.s32 $0x7100;
	s20 =	simm.s32 $0xF100  }
0x6f: {  	[tilespmem:s20], [sflag:$0x4] =	stream.indirect_vreg.gather [hbm4b:s6+s3], $0x80, v3, vm0, $0xb8;
	[tilespmem:$0x10100] =	vst v63  }
0x70: {  	s15 =	simm.s32 $0x3900;
	s17 =	simm.s32 $0x5100;
	s19 =	simm.s32 $0x6100  }
0x71: {  	[tilespmem:s9], [sflag:$0x4] =	stream.indirect_vreg.gather [hbm4b:s7+s3], $0x80, v3, vm0, $0xb8;
	[tilespmem:$0x10100] =	vst v63  }
.LBB2_2:
0x72: {  	_ =	swait.ge [sflag:s21], $0x4000  }
0x73: {  	s4 =	rddreg [dreg:$0x3];
	[sflag:s21] =	ssyncset.done $0x0  }
0x74: {  	s31 =	simm.s32 $0x100;
	[sflag:s21] =	ssyncadd.s32 $0xFFFFC000;
	s4 =	sadd.s32 s0, s4  }
0x75: {  	[hbm4b:s4+s3] =	stream.linear.scatter [tilespmem:s31], [sflag:$0x5], $0x4000, $0x38;
	[tilespmem:$0x10100] =	vst v63  }
0x76: {  	_ =	swait.ge [sflag:s23], $0x4000  }
0x77: {  	[sflag:s23] =	ssyncset.done $0x0  }
0x78: {  	s10 =	simm.s32 $0x4100;
	s8 =	sadd.s32 $0x800, s4;
	[sflag:s23] =	ssyncadd.s32 $0xFFFFC000  }
0x79: {  	[hbm4b:s8+s3] =	stream.linear.scatter [tilespmem:s10], [sflag:$0x6], $0x4000, $0x38;
	[tilespmem:$0x10100] =	vst v63  }
0x7a: {  	_ =	swait.ge [sflag:s24], $0x4000  }
0x7b: {  	[sflag:s24] =	ssyncset.done $0x0  }
0x7c: {  	s13 =	simm.s32 $0x8100;
	s22 =	sadd.s32 $0x1000, s4;
	[sflag:s24] =	ssyncadd.s32 $0xFFFFC000  }
0x7d: {  	[hbm4b:s22+s3] =	stream.linear.scatter [tilespmem:s13], [sflag:$0x7], $0x4000, $0x38;
	[tilespmem:$0x10100] =	vst v63  }
0x7e: {  	_ =	swait.ge [sflag:s25], $0x4000  }
0x7f: {  	[sflag:s25] =	ssyncset.done $0x0  }
0x80: {  	s4 =	sadd.s32 $0x1800, s4;
	[sflag:s25] =	ssyncadd.s32 $0xFFFFC000  }
0x81: {  	[hbm4b:s4+s3] =	stream.linear.scatter [tilespmem:s12], [sflag:$0x8], $0x4000, $0x38;
	[tilespmem:$0x10100] =	vst v63  }
0x82: {  	_ =	swait.ge [sflag:s26], $0x4000  }
0x83: {  	[sflag:s26] =	ssyncset.done $0x0  }
0x84: {  	[sflag:s26] =	ssyncadd.s32 $0xFFFFC000  }
0x85: {  	v3 =	vld [tilespmem:s1+$0xFFFFFFD0];
	_ =	sdelay $0x4  }
0x86: {  	v4 =	vshll.u32 v3, $0x3  }
0x87: {  	v3 =	vand.u32 $0x7, v3;
	v4 =	vand.u32 $0xFFFFFFC0, v4  }
0x88: {  	v3 =	vor.u32 v3, v4  }
0x89: {  	v4 =	vperm.xlane v3, v0;
	_ =	sdelay $0x1  }
0x8a: {  	v4 =	vadd.s32 v1, v4;
	_ =	sdelay $0x4  }
0x8b: {  	[tilespmem:s31], [sflag:$0x1] =	stream.indirect_vreg.gather [hbm4b:s2+s3], $0x80, v4, vm0, $0xb8;
	[tilespmem:$0x10100] =	vst v63  }
0x8c: {  	s4 =	simm.s32 $0x900;
	v3 =	vperm.xlane v3, v2  }
0x8d: {  	[tilespmem:s4], [sflag:$0x1] =	stream.indirect_vreg.gather [hbm4b:s5+s3], $0x80, v4, vm0, $0xb8;
	[tilespmem:$0x10100] =	vst v63  }
0x8e: {  	s8 =	simm.s32 $0x1100;
	v3 =	vadd.s32 v1, v3  }
0x8f: {  	[tilespmem:s8], [sflag:$0x1] =	stream.indirect_vreg.gather [hbm4b:s6+s3], $0x80, v4, vm0, $0xb8;
	[tilespmem:$0x10100] =	vst v63  }
0x90: {  	s31 =	simm.s32 $0x1900  }
0x91: {  	[tilespmem:s31], [sflag:$0x1] =	stream.indirect_vreg.gather [hbm4b:s7+s3], $0x80, v4, vm0, $0xb8;
	[tilespmem:$0x10100] =	vst v63  }
0x92: {  	s31 =	simm.s32 $0x2100  }
0x93: {  	[tilespmem:s31], [sflag:$0x1] =	stream.indirect_vreg.gather [hbm4b:s2+s3], $0x80, v3, vm0, $0xb8;
	[tilespmem:$0x10100] =	vst v63  }
0x94: {  	_ = 	snop  }
0x95: {  	[tilespmem:s11], [sflag:$0x1] =	stream.indirect_vreg.gather [hbm4b:s5+s3], $0x80, v3, vm0, $0xb8;
	[tilespmem:$0x10100] =	vst v63  }
0x96: {  	s31 =	simm.s32 $0x3100  }
0x97: {  	[tilespmem:s31], [sflag:$0x1] =	stream.indirect_vreg.gather [hbm4b:s6+s3], $0x80, v3, vm0, $0xb8;
	[tilespmem:$0x10100] =	vst v63  }
0x98: {  	_ = 	snop  }
0x99: {  	[tilespmem:s15], [sflag:$0x1] =	stream.indirect_vreg.gather [hbm4b:s7+s3], $0x80, v3, vm0, $0xb8;
	[tilespmem:$0x10100] =	vst v63  }
0x9a: {  	_ =	swait.ge [sflag:s28], $0x4000  }
0x9b: {  	[sflag:s28] =	ssyncset.done $0x0  }
0x9c: {  	[sflag:s28] =	ssyncadd.s32 $0xFFFFC000  }
0x9d: {  	v3 =	vld [tilespmem:s1+$0xFFFFFFE0];
	_ =	sdelay $0x4  }
0x9e: {  	v61 =	vshll.u32 v3, $0x3  }
0x9f: {  	v3 =	vand.u32 $0x7, v3;
	v4 =	vand.u32 $0xFFFFFFC0, v61  }
0xa0: {  	v3 =	vor.u32 v3, v4  }
0xa1: {  	v4 =	vperm.xlane v3, v0;
	_ =	sdelay $0x1  }
0xa2: {  	v4 =	vadd.s32 v1, v4;
	_ =	sdelay $0x4  }
0xa3: {  	[tilespmem:s10], [sflag:$0x2] =	stream.indirect_vreg.gather [hbm4b:s2+s3], $0x80, v4, vm0, $0xb8;
	[tilespmem:$0x10100] =	vst v63  }
0xa4: {  	v3 =	vperm.xlane v3, v2;
	s10 =	simm.s32 $0x4900  }
0xa5: {  	[tilespmem:s10], [sflag:$0x2] =	stream.indirect_vreg.gather [hbm4b:s5+s3], $0x80, v4, vm0, $0xb8;
	[tilespmem:$0x10100] =	vst v63  }
0xa6: {  	v3 =	vadd.s32 v1, v3  }
0xa7: {  	[tilespmem:s17], [sflag:$0x2] =	stream.indirect_vreg.gather [hbm4b:s6+s3], $0x80, v4, vm0, $0xb8;
	[tilespmem:$0x10100] =	vst v63  }
0xa8: {  	s10 =	simm.s32 $0x5900  }
0xa9: {  	[tilespmem:s10], [sflag:$0x2] =	stream.indirect_vreg.gather [hbm4b:s7+s3], $0x80, v4, vm0, $0xb8;
	[tilespmem:$0x10100] =	vst v63  }
0xaa: {  	_ = 	snop  }
0xab: {  	[tilespmem:s19], [sflag:$0x2] =	stream.indirect_vreg.gather [hbm4b:s2+s3], $0x80, v3, vm0, $0xb8;
	[tilespmem:$0x10100] =	vst v63  }
0xac: {  	s10 =	simm.s32 $0x6900  }
0xad: {  	[tilespmem:s10], [sflag:$0x2] =	stream.indirect_vreg.gather [hbm4b:s5+s3], $0x80, v3, vm0, $0xb8;
	[tilespmem:$0x10100] =	vst v63  }
0xae: {  	_ = 	snop  }
0xaf: {  	[tilespmem:s14], [sflag:$0x2] =	stream.indirect_vreg.gather [hbm4b:s6+s3], $0x80, v3, vm0, $0xb8;
	[tilespmem:$0x10100] =	vst v63  }
0xb0: {  	s10 =	simm.s32 $0x7900  }
0xb1: {  	[tilespmem:s10], [sflag:$0x2] =	stream.indirect_vreg.gather [hbm4b:s7+s3], $0x80, v3, vm0, $0xb8;
	[tilespmem:$0x10100] =	vst v63  }
0xb2: {  	_ =	swait.ge [sflag:s29], $0x4000  }
0xb3: {  	[sflag:s29] =	ssyncset.done $0x0  }
0xb4: {  	[sflag:s29] =	ssyncadd.s32 $0xFFFFC000  }
0xb5: {  	v3 =	vld [tilespmem:s1+$0xFFFFFFF0];
	_ =	sdelay $0x4  }
0xb6: {  	v62 =	vshll.u32 v3, $0x3  }
0xb7: {  	v3 =	vand.u32 $0x7, v3;
	v4 =	vand.u32 $0xFFFFFFC0, v62  }
0xb8: {  	v3 =	vor.u32 v3, v4  }
0xb9: {  	v4 =	vperm.xlane v3, v0;
	_ =	sdelay $0x1  }
0xba: {  	v4 =	vadd.s32 v1, v4;
	_ =	sdelay $0x4  }
0xbb: {  	[tilespmem:s13], [sflag:$0x3] =	stream.indirect_vreg.gather [hbm4b:s2+s3], $0x80, v4, vm0, $0xb8;
	[tilespmem:$0x10100] =	vst v63  }
0xbc: {  	v3 =	vperm.xlane v3, v2;
	s13 =	simm.s32 $0x8900  }
0xbd: {  	[tilespmem:s13], [sflag:$0x3] =	stream.indirect_vreg.gather [hbm4b:s5+s3], $0x80, v4, vm0, $0xb8;
	[tilespmem:$0x10100] =	vst v63  }
0xbe: {  	v3 =	vadd.s32 v1, v3;
	s13 =	simm.s32 $0x9100  }
0xbf: {  	[tilespmem:s13], [sflag:$0x3] =	stream.indirect_vreg.gather [hbm4b:s6+s3], $0x80, v4, vm0, $0xb8;
	[tilespmem:$0x10100] =	vst v63  }
0xc0: {  	s13 =	simm.s32 $0x9900  }
0xc1: {  	[tilespmem:s13], [sflag:$0x3] =	stream.indirect_vreg.gather [hbm4b:s7+s3], $0x80, v4, vm0, $0xb8;
	[tilespmem:$0x10100] =	vst v63  }
0xc2: {  	s13 =	simm.s32 $0xA100  }
0xc3: {  	[tilespmem:s13], [sflag:$0x3] =	stream.indirect_vreg.gather [hbm4b:s2+s3], $0x80, v3, vm0, $0xb8;
	[tilespmem:$0x10100] =	vst v63  }
0xc4: {  	s13 =	simm.s32 $0xA900  }
0xc5: {  	[tilespmem:s13], [sflag:$0x3] =	stream.indirect_vreg.gather [hbm4b:s5+s3], $0x80, v3, vm0, $0xb8;
	[tilespmem:$0x10100] =	vst v63  }
0xc6: {  	s13 =	simm.s32 $0xB100  }
0xc7: {  	[tilespmem:s13], [sflag:$0x3] =	stream.indirect_vreg.gather [hbm4b:s6+s3], $0x80, v3, vm0, $0xb8;
	[tilespmem:$0x10100] =	vst v63  }
0xc8: {  	s13 =	simm.s32 $0xB900  }
0xc9: {  	[tilespmem:s13], [sflag:$0x3] =	stream.indirect_vreg.gather [hbm4b:s7+s3], $0x80, v3, vm0, $0xb8;
	[tilespmem:$0x10100] =	vst v63  }
0xca: {  	_ =	swait.ge [sflag:s30], $0x4000  }
0xcb: {  	[sflag:s30] =	ssyncset.done $0x0  }
0xcc: {  	[sflag:s30] =	ssyncadd.s32 $0xFFFFC000  }
0xcd: {  	v3 =	vld [tilespmem:s1+$0x0];
	_ =	sdelay $0x4  }
0xce: {  	v63 =	vshll.u32 v3, $0x3  }
0xcf: {  	v3 =	vand.u32 $0x7, v3;
	v4 =	vand.u32 $0xFFFFFFC0, v63  }
0xd0: {  	v3 =	vor.u32 v3, v4  }
0xd1: {  	v4 =	vperm.xlane v3, v0;
	_ =	sdelay $0x1  }
0xd2: {  	v4 =	vadd.s32 v1, v4;
	_ =	sdelay $0x4  }
0xd3: {  	[tilespmem:s12], [sflag:$0x4] =	stream.indirect_vreg.gather [hbm4b:s2+s3], $0x80, v4, vm0, $0xb8;
	[tilespmem:$0x10100] =	vst v63  }
0xd4: {  	s13 =	simm.s32 $0xC900;
	v3 =	vperm.xlane v3, v2  }
0xd5: {  	[tilespmem:s13], [sflag:$0x4] =	stream.indirect_vreg.gather [hbm4b:s5+s3], $0x80, v4, vm0, $0xb8;
	[tilespmem:$0x10100] =	vst v63  }
0xd6: {  	v3 =	vadd.s32 v1, v3;
	s13 =	simm.s32 $0xD100  }
0xd7: {  	[tilespmem:s13], [sflag:$0x4] =	stream.indirect_vreg.gather [hbm4b:s6+s3], $0x80, v4, vm0, $0xb8;
	[tilespmem:$0x10100] =	vst v63  }
0xd8: {  	s13 =	simm.s32 $0xD900  }
0xd9: {  	[tilespmem:s13], [sflag:$0x4] =	stream.indirect_vreg.gather [hbm4b:s7+s3], $0x80, v4, vm0, $0xb8;
	[tilespmem:$0x10100] =	vst v63  }
0xda: {  	_ = 	snop  }
0xdb: {  	[tilespmem:s16], [sflag:$0x4] =	stream.indirect_vreg.gather [hbm4b:s2+s3], $0x80, v3, vm0, $0xb8;
	[tilespmem:$0x10100] =	vst v63  }
0xdc: {  	p0 =	sne.s32 s0, $0x4000  }
0xdd: {  	[tilespmem:s18], [sflag:$0x4] =	stream.indirect_vreg.gather [hbm4b:s5+s3], $0x80, v3, vm0, $0xb8;
	[tilespmem:$0x10100] =	vst v63  }
.Ltmp0:
0xde: {  	_ = 	snop;
	(pc) =	sbr.rel @p0 .LBB2_2-.Ltmp0, $4  }
0xdf: {  	s0 =	sadd.s32 $0x2000, s0;
	s22 =	simm.s32 $0x100  }
0xe0: {  	[tilespmem:s20], [sflag:$0x4] =	stream.indirect_vreg.gather [hbm4b:s6+s3], $0x80, v3, vm0, $0xb8;
	[tilespmem:$0x10100] =	vst v63  }
0xe1: {  	s31 =	simm.s32 $0x4100;
	s10 =	simm.s32 $0x8100;
	s1 =	sadd.s32 $0x40, s1  }
0xe2: {  	[tilespmem:s9], [sflag:$0x4] =	stream.indirect_vreg.gather [hbm4b:s7+s3], $0x80, v3, vm0, $0xb8;
	[tilespmem:$0x10100] =	vst v63  }
0xe3: {  	_ =	swait.ge [sflag:s21], $0x4000  }
0xe4: {  	[sflag:s21] =	ssyncset.done $0x0  }
0xe5: {  	s0 =	rddreg [dreg:$0x5];
	[sflag:s21] =	ssyncadd.s32 $0xFFFFC000  }
0xe6: {  	[hbm4b:s0+s3] =	stream.linear.scatter [tilespmem:s22], [sflag:$0x5], $0x4000, $0x38;
	[tilespmem:$0x10100] =	vst v63  }
0xe7: {  	_ =	swait.ge [sflag:s23], $0x4000  }
0xe8: {  	[sflag:s23] =	ssyncset.done $0x0  }
0xe9: {  	s17 =	rddreg [dreg:$0x6];
	[sflag:s23] =	ssyncadd.s32 $0xFFFFC000  }
0xea: {  	[hbm4b:s17+s3] =	stream.linear.scatter [tilespmem:s31], [sflag:$0x6], $0x4000, $0x38;
	[tilespmem:$0x10100] =	vst v63  }
0xeb: {  	_ =	swait.ge [sflag:s24], $0x4000  }
0xec: {  	[sflag:s24] =	ssyncset.done $0x0  }
0xed: {  	s18 =	rddreg [dreg:$0x7];
	[sflag:s24] =	ssyncadd.s32 $0xFFFFC000  }
0xee: {  	[hbm4b:s18+s3] =	stream.linear.scatter [tilespmem:s10], [sflag:$0x7], $0x4000, $0x38;
	[tilespmem:$0x10100] =	vst v63  }
0xef: {  	_ =	swait.ge [sflag:s25], $0x4000  }
0xf0: {  	[sflag:s25] =	ssyncset.done $0x0  }
0xf1: {  	s19 =	rddreg [dreg:$0x8];
	[sflag:s25] =	ssyncadd.s32 $0xFFFFC000  }
0xf2: {  	[hbm4b:s19+s3] =	stream.linear.scatter [tilespmem:s12], [sflag:$0x8], $0x4000, $0x38;
	[tilespmem:$0x10100] =	vst v63  }
0xf3: {  	_ =	swait.ge [sflag:s26], $0x4000  }
0xf4: {  	[sflag:s26] =	ssyncset.done $0x0  }
0xf5: {  	[sflag:s26] =	ssyncadd.s32 $0xFFFFC000  }
0xf6: {  	_ =	swait.ge [sflag:s28], $0x4000  }
0xf7: {  	[sflag:s28] =	ssyncset.done $0x0  }
0xf8: {  	[sflag:s28] =	ssyncadd.s32 $0xFFFFC000  }
0xf9: {  	_ =	swait.ge [sflag:s29], $0x4000  }
0xfa: {  	[sflag:s29] =	ssyncset.done $0x0  }
0xfb: {  	[sflag:s29] =	ssyncadd.s32 $0xFFFFC000  }
0xfc: {  	_ =	swait.ge [sflag:s30], $0x4000  }
0xfd: {  	s1 =	rddreg [dreg:$0xa]  }
0xfe: {  	s20 =	rddreg [dreg:$0x9];
	s1 =	sadd.s32 $0x1, s1  }
0xff: {  	p0 =	sne.s32 s1, s20  }
.Ltmp1:
0x100: {  	s9 =	simm.s32 $0x2100;
	s11 =	simm.s32 $0x3100;
	(pc) =	sbr.rel @p0 .LBB2_1-.Ltmp1, $4  }
0x101: {  	s13 =	simm.s32 $0x3900;
	s15 =	simm.s32 $0x4900;
	s16 =	simm.s32 $0x5100  }
0x102: {  	s14 =	simm.s32 $0x7100;
	s17 =	simm.s32 $0x5900;
	[sflag:s30] =	ssyncset.done $0x0  }
0x103: {  	s18 =	simm.s32 $0x6100;
	s19 =	simm.s32 $0x6900;
	[sflag:s30] =	ssyncadd.s32 $0xFFFFC000  }
0x104: {  	[dreg:$0xa] =	wrdreg s1;
	s1 =	simm.s32 $0x1900;
	s20 =	simm.s32 $0x2900  }
0x105: {  	_ =	sfence.sel $0x180000  }
0x106: {  	[bflag:$0x0] =	sbarrier.arrive $0xFFFF  }
0x107: {  	_ =	strace $0x90000047  }
0x108: {  	s0 =	stileid.u32;
	[bflag:$0x2] =	sbarrier.arrive $0xFFFF  }
0x109: {  	p0 =	sne.s32 s0, $0x0;
	s0 =	rddreg [dreg:$0x2]  }
0x10a: {  	s0 =	sadd.s32 @!p0 $0x100000, s0  }
0x10b: {  	[sflag:s0] =	ssyncadd.tile.s32 @!p0 $0x1;
	_ =	shalt  }
.Lfunc_end2:
_tile_overlayer_lowered:
.L_overlay_start_2:
0x10c: {  	(tag) =	ssettag $0x2  }
0x10d: {  	s0 =	rddreg [dreg:$0x0];
	s2 =	stileid.u32  }
0x10e: {  	s1 =	rddreg [dreg:$0x1];
	p0 =	sne.s32 s2, $0x0  }
0x10f: {  	s3 =	rddreg [dreg:$0x2];
	[bflag:$0x3] =	sbarrier.arrive $0xFFFF;
	s2 =	simm.s32 @!p0 $0x1C09  }
0x110: {  	[timem:s3], [sflag:s2] =	dma.local @!p0 [hbm:s0], s1  }
0x111: {  	s0 =	simm.s32 @!p0 $0x9  }
0x112: {  	_ =	swait.ge @!p0 [sflag:s0], s1  }
0x113: {  	s1 =	ssub.s32 @!p0 $0x0, s1;
	[sflag:s0] =	ssyncset.done @!p0 $0x0  }
0x114: {  	[sflag:s0] =	ssyncadd.s32 @!p0 s1  }
0x115: {  	[bflag:$0x3] =	sbarrier.arrive $0xFFFF  }
0x116: {  	_ =	shalt  }

// kernel: kernel.13.cloned.1.call-start
scs
__scs_entry_jumppad:
0x0: {  	(pc) =	sbr.rel $0x88, $3  }
0x1: {  	(tag) =	ssettag $0x0;
	lr =	simm.s32 $0x1  }
0x2: {  	[smem:$0x3F9D] =	sst lr;
	_ =	strace $0xD0000000  }
0x3: {  	_ = 	snop  }
0x4: {  	_ = 	snop  }
0x5: {  	_ = 	snop  }
0x6: {  	_ = 	snop  }
0x7: {  	_ = 	snop  }
__scs_overlays_trampoline_lowered:
0x8: {  	[smem:$0x3FAC] =	sst s0  }
0x9: {  	[smem:$0x3FAD] =	sst s1  }
0xa: {  	[smem:$0x3FAE] =	sst s2  }
0xb: {  	[smem:$0x3FAF] =	sst s3  }
0xc: {  	[smem:$0x3FB0] =	sst s4  }
0xd: {  	[smem:$0x3FB1] =	sst s5  }
0xe: {  	[smem:$0x3FB2] =	sst s6  }
0xf: {  	[smem:$0x3FB3] =	sst s7  }
0x10: {  	[smem:$0x3FB4] =	sst s8  }
0x11: {  	[smem:$0x3FB5] =	sst s9;
	s0 =	simm.s32 @!p0 $0x0  }
0x12: {  	s1 =	sld [smem:$0x3F9B];
	s0 =	simm.s32 @p0 $0x1  }
0x13: {  	[smem:$0x3FB6] =	sst s0;
	s0 =	simm.s32 @!p1 $0x0  }
0x14: {  	s2 =	sld [smem:$0x3F9A];
	s0 =	simm.s32 @p1 $0x1  }
0x15: {  	[smem:$0x3FB7] =	sst s0;
	s0 =	simm.s32 @!p2 $0x0  }
0x16: {  	s3 =	sld [smem:$0x3FDB];
	s0 =	simm.s32 @p2 $0x1  }
0x17: {  	s4 =	simm.s32 $0x1BF5;
	[smem:$0x3FB9] =	sst s0  }
0x18: {  	s0 =	sld [smem:$0x3F9C];
	_ =	swait.ge [sflag:s4], $0x0  }
0x19: {  	s7 =	sld [smem:$0x3F9D]  }
0x1a: {  	s8 =	sadd.s32 $0xFFFFE003, lr  }
0x1b: {  	s9 =	sadd.s32 $0xFFFFFEF7, lr;
	s5 =	simm.s32 $0xFFFFFFFF;
	p2 =	slt.u32 s8, $0xFFFFF086  }
0x1c: {  	p1 =	slt.u32 s9, $0xF7A;
	s5 =	simm.s32 @!p2 $0x0  }
0x1d: {  	s5 =	simm.s32 @p1 $0x1;
	p0 =	seq.s32 s7, s2  }
0x1e: {  	s7 =	smul.u32 @!p0 $0xF7A, s2;
	p2 =	seq.s32 @!p0 s5, $0x0  }
0x1f: {  	s9 =	smul.u32 $0xF7A, s1;
	s8 =	simm.s32 @!p0 $0x1BF5;
	p2 =	por !p2, p0  }
0x20: {  	[sflag:s8] =	ssyncset.s32 @!p0 $0xFFFFF086;
	s6 =	sadd.s32 @!p0 s3, s7;
	s7 =	simm.s32 @!p0 $0x108  }
0x21: {  	s3 =	sadd.s32 s3, s9;
	s6 =	sadd.s32 @!p0 $0x88, s6;
	s7 =	simm.s32 @p2 $0x1082  }
0x22: {  	[simem:s7], [sflag:s8] =	dma.local @!p0 [hbm:s6], $0xF7A  }
0x23: {  	s9 =	sor.u32 $0xD0000000, s2;
	s6 =	simm.s32 $0x108;
	_ =	swait.ge @!p0 [sflag:s8], $0x0  }
0x24: {  	s3 =	sadd.s32 $0x88, s3;
	s6 =	simm.s32 @!p1 $0x1082;
	[sflag:s4] =	ssyncset.s32 $0xFFFFF086  }
0x25: {  	[simem:s6], [sflag:s4] =	dma.local [hbm:s3], $0xF7A  }
0x26: {  	[smem:$0x3F9D] =	sst s1;
	(tag) =	ssettag s2;
	_ =	strace s9  }
0x27: {  	s1 =	sld [smem:$0x3FAD]  }
0x28: {  	s2 =	sld [smem:$0x3FAE]  }
0x29: {  	s4 =	sld [smem:$0x3FB0]  }
0x2a: {  	p0 =	seq.s32 s5, $0x0;
	s5 =	sld [smem:$0x3FB1]  }
0x2b: {  	s6 =	sld [smem:$0x3FB2]  }
0x2c: {  	s7 =	sld [smem:$0x3FB3]  }
0x2d: {  	s3 =	simm.s32 $0x108;
	s8 =	sld [smem:$0x3FB4]  }
0x2e: {  	s3 =	simm.s32 @!p0 $0x1082;
	s9 =	sld [smem:$0x3FB5]  }
0x2f: {  	lr =	sadd.s32 s0, s3;
	s0 =	sld [smem:$0x3FAC]  }
0x30: {  	s3 =	sld [smem:$0x3FAF]  }
0x31: {  	[smem:$0x3FB8] =	sst s10  }
0x32: {  	s10 =	sld [smem:$0x3FB6];
	_ =	sdelay $0x3  }
0x33: {  	p0 =	seq.s32 s10, $0x1;
	s10 =	sld [smem:$0x3FB8];
	_ =	sdelay $0x3  }
0x34: {  	[smem:$0x3FB8] =	sst s10  }
0x35: {  	s10 =	sld [smem:$0x3FB7];
	_ =	sdelay $0x3  }
0x36: {  	p1 =	seq.s32 s10, $0x1;
	s10 =	sld [smem:$0x3FB8];
	_ =	sdelay $0x3  }
0x37: {  	[smem:$0x3FB8] =	sst s10  }
0x38: {  	s10 =	sld [smem:$0x3FB9]  }
0x39: {  	_ = 	snop;
	(pc) =	sbr.ind lr, $3  }
0x3a: {  	_ = 	snop  }
0x3b: {  	_ = 	snop  }
0x3c: {  	p2 =	seq.s32 s10, $0x1;
	s10 =	sld [smem:$0x3FB8]  }
0x3d: {  	_ =	shalt  }
0x3e: {  	_ =	shalt  }
0x3f: {  	_ =	shalt  }
0x40: {  	_ =	shalt  }
0x41: {  	_ =	shalt  }
0x42: {  	_ =	shalt  }
0x43: {  	_ =	shalt  }
0x44: {  	_ =	shalt  }
0x45: {  	_ =	shalt  }
0x46: {  	_ =	shalt  }
0x47: {  	_ =	shalt  }
0x48: {  	_ =	shalt  }
0x49: {  	_ =	shalt  }
0x4a: {  	_ =	shalt  }
0x4b: {  	_ =	shalt  }
0x4c: {  	_ =	shalt  }
0x4d: {  	_ =	shalt  }
0x4e: {  	_ =	shalt  }
0x4f: {  	_ =	shalt  }
0x50: {  	_ =	shalt  }
0x51: {  	_ =	shalt  }
0x52: {  	_ =	shalt  }
0x53: {  	_ =	shalt  }
0x54: {  	_ =	shalt  }
0x55: {  	_ =	shalt  }
0x56: {  	_ =	shalt  }
0x57: {  	_ =	shalt  }
0x58: {  	_ =	shalt  }
0x59: {  	_ =	shalt  }
0x5a: {  	_ =	shalt  }
0x5b: {  	_ =	shalt  }
0x5c: {  	_ =	shalt  }
0x5d: {  	_ =	shalt  }
0x5e: {  	_ =	shalt  }
0x5f: {  	_ =	shalt  }
0x60: {  	_ =	shalt  }
0x61: {  	_ =	shalt  }
0x62: {  	_ =	shalt  }
0x63: {  	_ =	shalt  }
0x64: {  	_ =	shalt  }
0x65: {  	_ =	shalt  }
0x66: {  	_ =	shalt  }
0x67: {  	_ =	shalt  }
0x68: {  	_ =	shalt  }
0x69: {  	_ =	shalt  }
0x6a: {  	_ =	shalt  }
0x6b: {  	_ =	shalt  }
0x6c: {  	_ =	shalt  }
0x6d: {  	_ =	shalt  }
0x6e: {  	_ =	shalt  }
0x6f: {  	_ =	shalt  }
0x70: {  	_ =	shalt  }
0x71: {  	_ =	shalt  }
0x72: {  	_ =	shalt  }
0x73: {  	_ =	shalt  }
0x74: {  	_ =	shalt  }
0x75: {  	_ =	shalt  }
0x76: {  	_ =	shalt  }
0x77: {  	_ =	shalt  }
0x78: {  	_ =	shalt  }
0x79: {  	_ =	shalt  }
0x7a: {  	_ =	shalt  }
0x7b: {  	_ =	shalt  }
0x7c: {  	_ =	shalt  }
0x7d: {  	_ =	shalt  }
0x7e: {  	_ =	shalt  }
0x7f: {  	_ =	shalt  }
0x80: {  	_ =	shalt  }
0x81: {  	_ =	shalt  }
0x82: {  	_ =	shalt  }
0x83: {  	_ =	shalt  }
0x84: {  	_ =	shalt  }
0x85: {  	_ =	shalt  }
0x86: {  	_ =	shalt  }
0x87: {  	_ =	shalt  }
.Lfunc_end0:
.L_simem_size_0:
called_computation.1_lowered:
.L_overlay_start_0:
0x88: {  	s2 =	sld [smem:$0x3FD9]  }
0x89: {  	s3 =	sld [smem:$0x3FFE];
	_ =	sdelay $0x1  }
0x8a: {  	s1 =	srdreg.scid  }
0x8b: {  	s0 =	sand.u32 $0x1, s1  }
0x8c: {  	s17 =	sshll.u32 s0, $0xA;
	s2 =	sadd.s32 s3, s2  }
0x8d: {  	s2 =	sadd.s32 s2, s17  }
0x8e: {  	[smem:$0x3FC4] =	sst s2  }
0x8f: {  	_ = 	snop  }
0x90: {  	s18 =	sld [smem:$0x3FC8];
	(tm) =	ssettm $0x1  }
0x91: {  	s19 =	sld [smem:$0x3FFB];
	_ =	sdelay $0x3  }
0x92: {  	_ =	strace s19  }
0x93: {  	s2 =	sld [smem:$0x3FFC];
	_ =	sdelay $0x3  }
0x94: {  	_ =	strace s2  }
0x95: {  	s2 =	sld [smem:$0x3FFD];
	_ =	sdelay $0x3  }
0x96: {  	_ =	strace s2  }
0x97: {  	_ =	strace $0x8FFFFFFF  }
0x98: {  	s20 =	sld [smem:$0x3FDB];
	_ =	sdelay $0x1  }
0x99: {  	s4 =	simm.s32 $_scs_section_size  }
0x9a: {  	s5 =	simm.s32 $_size__tile_overlayer_lowered;
	s6 =	simm.s32 $_tile_overlayer_lowered  }
0x9b: {  	s7 =	simm.s32 $0x1BFF;
	s21 =	sshll.u32 s6, $0x1;
	s4 =	sadd.s32 s4, s20  }
0x9c: {  	s22 =	simm.s32 $0x0;
	s5 =	sshll.u32 s5, $0x1;
	s6 =	sadd.s32 s21, s4  }
0x9d: {  	[timem:s22], [sflag:s7] =	dma.local [hbm:s6], s5  }
0x9e: {  	_ =	swait.ge [sflag:s7], s5  }
0x9f: {  	s5 =	ssub.s32 $0x0, s5;
	[sflag:s7] =	ssyncset.done $0x0  }
0xa0: {  	[sflag:s7] =	ssyncadd.s32 s5;
	_ =	sdelay $0x1  }
0xa1: {  	s23 =	simm.s32 $0x1B8B  }
0xa2: {  	_ =	swait.ge [sflag:s23], $0x1  }
0xa3: {  	[sflag:s23] =	ssyncset.done $0x0  }
0xa4: {  	[sflag:s23] =	ssyncadd.s32 $0xFFFFFFFF  }
0xa5: {  	s5 =	sld [smem:$0x0]  }
0xa6: {  	s6 =	sand.u32 $0xFFFFFFFE, s1  }
0xa7: {  	p0 =	sne.s32 s1, s6  }
0xa8: {  	s6 =	sshll.u32 @p0 s6, $0xE  }
0xa9: {  	s6 =	sadd.s32 @p0 $0x11B8D, s6;
	s7 =	sshll.u32 @p0 s5, $0x11  }
0xaa: {  	s6 =	sor.u32 @p0 s7, s6  }
0xab: {  	[sflag:s6] =	ssyncadd.remote.s32 @p0 $0x1;
	_ =	sdelay $0x1  }
0xac: {  	s6 =	simm.s32 @p0 $0x1B8D  }
0xad: {  	_ =	swait.eq @p0 [sflag:s6], $0x1  }
0xae: {  	[sflag:s6] =	ssyncadd.s32 @p0 $0xFFFFFFFF  }
0xaf: {  	s7 =	sshll.u32 @!p0 s1, $0xE  }
0xb0: {  	s7 =	sor.u32 @!p0 $0x4000, s7;
	s6 =	simm.s32 @!p0 $0x1B8D  }
0xb1: {  	s5 =	sshll.u32 @!p0 s5, $0x11;
	s7 =	sadd.s32 @!p0 $0x11B8D, s7;
	_ =	swait.eq @!p0 [sflag:s6], $0x1  }
0xb2: {  	s5 =	sor.u32 @!p0 s5, s7;
	[sflag:s6] =	ssyncadd.s32 @!p0 $0xFFFFFFFF  }
0xb3: {  	s25 =	simm.s32 $0x1B8E;
	s24 =	sld [smem:$0x3FFE];
	[sflag:s5] =	ssyncadd.remote.s32 @!p0 $0x1  }
0xb4: {  	s26 =	simm.s32 $execute0_lowered;
	[smem:$0x3FD2] =	sst s25  }
0xb5: {  	s6 =	sshll.u32 s26, $0x1;
	_ =	strace $0x80000049;
	[dreg:$0x1] =	wrdreg $0xFFFFFFFF  }
0xb6: {  	s28 =	simm.s32 $_size_execute0_lowered;
	s4 =	sadd.s32 s4, s6;
	[dreg:$0x0] =	wrdreg $0x0  }
0xb7: {  	s6 =	sshll.u32 s28, $0x1;
	[dreg:$0x2] =	wrdreg s4  }
0xb8: {  	[dreg:$0x3] =	wrdreg s6  }
0xb9: {  	[dreg:$0x4] =	wrdreg $0xC0  }
0xba: {  	_ =	task [dreg:s22], $0x5FFFF  }
0xbb: {  	[dreg:$0x1] =	wrdreg $0xFFFFFFFF  }
0xbc: {  	[dreg:$0x0] =	wrdreg $0x60  }
0xbd: {  	[dreg:$0x2] =	wrdreg s18  }
0xbe: {  	[dreg:$0x3] =	wrdreg s24  }
0xbf: {  	[dreg:$0x4] =	wrdreg $0xA  }
0xc0: {  	_ =	task.clear_ibuf [dreg:s22], $0x5FFFF;
	_ =	strace $0x90000049  }
0xc1: {  	s29 =	simm.s32 $0xA;
	_ =	strace $0x8000004B  }
0xc2: {  	_ =	swait.ge [sflag:s29], $0x1  }
0xc3: {  	[sflag:s29] =	ssyncadd.s32 $0xFFFFFFFF  }
0xc4: {  	_ =	strace $0x9000004B  }
0xc5: {  	_ =	sfence  }
0xc6: {  	s30 =	sld [smem:$0x0];
	_ =	sdelay $0x2  }
0xc7: {  	s31 =	sshll.u32 s1, $0xD;
	s1 =	sshrl.u32 s1, $0x2  }
0xc8: {  	s4 =	sand.u32 $0x4000, s31;
	s1 =	sadd.s32 s1, s30  }
0xc9: {  	s0 =	sor.u32 s4, s0;
	s1 =	sshll.u32 s1, $0x11  }
0xca: {  	s0 =	sor.u32 s1, s0  }
0xcb: {  	s0 =	sadd.s32 $0x8F2B, s0  }
0xcc: {  	[sflag:s0] =	ssyncadd.remote.s32 $0x1  }
0xcd: {  	_ =	sfence.sel $0xFFFF  }
0xce: {  	[dreg:$0x0] =	wrdreg $0xFFFFFFFF;
	(pc) =	sbr.abs _section_cstart, $3  }
0xcf: {  	[dreg:$0x1] =	wrdreg $0xFFFFFFFF  }
0xd0: {  	_ =	task.clear_ibuf [dreg:s22], $0x2FFFF;
	_ =	strace $0x9FFFFFFF  }
0xd1: {  	(tm) =	ssettm $0x7FFFFFFF  }
tec
execute0_lowered:
.L_overlay_start_1:
0x0: {  	(tag) =	ssettag $0x1  }
0x1: {  	s0 =	srdreg.scid  }
0x2: {  	s2 =	rddreg [dreg:$0x0];
	s9 =	stileid.u32  }
0x3: {  	s1 =	rddreg [dreg:$0x1];
	s3 =	simm.s32 $0x0;
	s22 =	simm.s32 $0x100  }
0x4: {  	s20 =	simm.s32 $0x2900;
	s11 =	simm.s32 $0x3100;
	s13 =	simm.s32 $0x3900  }
0x5: {  	s31 =	simm.s32 $0x4100;
	s15 =	simm.s32 $0x4900;
	s16 =	simm.s32 $0x5100  }
0x6: {  	s17 =	simm.s32 $0x5900;
	s18 =	simm.s32 $0x6100;
	s19 =	simm.s32 $0x6900  }
0x7: {  	s14 =	simm.s32 $0x7100;
	s12 =	simm.s32 $0xC100;
	s21 =	simm.s32 $0x1  }
0x8: {  	s28 =	simm.s32 $0x6;
	s29 =	simm.s32 $0x7;
	s30 =	simm.s32 $0x8  }
0x9: {  	s0 =	sand.u32 $0x1, s0;
	s4 =	sshll.u32 s9, $0x9;
	[smem:$0x7FF] =	sst s3  }
0xa: {  	s9 =	sshll.u32 s9, $0x10;
	s5 =	sshll.u32 s0, $0x8;
	s6 =	ssub.s32 $0x2, s0  }
0xb: {  	_ =	strace $0x8000004A;
	s4 =	sor.u32 s5, s4;
	s7 =	sshrl.u32 s6, $0x1  }
0xc: {  	s0 =	sshll.u32 s0, $0xF;
	s5 =	sshrl.u32 s4, $0x3;
	s8 =	ssub.s32 s6, s7  }
0xd: {  	s6 =	sadd.s32 $0x200, s2;
	s4 =	sshll.u32 s4, $0x7;
	s7 =	sadd.s32 $0x300, s2  }
0xe: {  	s5 =	sadd.s32 s5, s1;
	s1 =	sadd.s32 $0x102800, s1;
	s26 =	smax.u32 s8, $0x1  }
0xf: {  	s5 =	sadd.s32 $0x102400, s5;
	s4 =	sadd.s32 s4, s1;
	[dreg:$0x9] =	wrdreg s26  }
0x10: {  	s8 =	simm.s32 $0x1100;
	[dreg:$0x4] =	wrdreg s5;
	s10 =	sadd.s32 $0x6000, s4  }
0x11: {  	s1 =	sadd.s32 s9, s1;
	s23 =	sadd.s32 $0x6800, s4;
	[dreg:$0x5] =	wrdreg s10  }
0x12: {  	s9 =	simm.s32 $0x2100;
	s24 =	sadd.s32 $0x7000, s4;
	[dreg:$0x6] =	wrdreg s23  }
0x13: {  	s26 =	simm.s32 $0x5;
	s25 =	sadd.s32 $0x7800, s4;
	[dreg:$0x7] =	wrdreg s24  }
0x14: {  	s5 =	sadd.s32 $0x100, s2;
	s0 =	sadd.s32 s0, s1;
	[dreg:$0x8] =	wrdreg s25  }
0x15: {  	v2 =	vlaneseq.u32;
	s4 =	simm.s32 $0x900;
	s1 =	simm.s32 $0x1900;
	[dreg:$0x3] =	wrdreg s0  }
0x16: {  	vm0 =	vmmov $0xffff;
	v1 =	vshrl.u32 v2, $0x3;
	s10 =	simm.s32 $0x8100;
	s23 =	simm.s32 $0x2;
	s0 =	simm.s32 $0x0  }
0x17: {  	v0 =	vand.u32 $0x7, v2;
	v2 =	vor.u32 $0x8, v2;
	v1 =	vmul.u32 $0x8, v1;
	s24 =	simm.s32 $0x3;
	s25 =	simm.s32 $0x4;
	[dreg:$0xa] =	wrdreg s0  }
.LBB2_1:
0x18: {  	s0 =	rddreg [dreg:$0x4]  }
0x19: {  	[tilespmem:s3], [sflag:$0x9] =	stream.linear.gather [hbm4b:s0+s3], $0x100, $0x38;
	[tilespmem:$0x10100] =	vst v63  }
0x1a: {  	s0 =	simm.s32 $0x9  }
0x1b: {  	_ =	swait.ge [sflag:s0], $0x100  }
0x1c: {  	[sflag:s0] =	ssyncset.done $0x0  }
0x1d: {  	[sflag:s0] =	ssyncadd.s32 $0xFFFFFF00  }
0x1e: {  	v3 =	vld [tilespmem:$0x0];
	_ =	sdelay $0x4  }
0x1f: {  	v4 =	vshll.u32 v3, $0x3  }
0x20: {  	v3 =	vand.u32 $0x7, v3;
	v4 =	vand.u32 $0xFFFFFFC0, v4  }
0x21: {  	v3 =	vor.u32 v3, v4  }
0x22: {  	v4 =	vperm.xlane v3, v0;
	_ =	sdelay $0x1  }
0x23: {  	v4 =	vadd.s32 v1, v4;
	_ =	sdelay $0x4  }
0x24: {  	[tilespmem:s22], [sflag:$0x1] =	stream.indirect_vreg.gather [hbm4b:s2+s3], $0x80, v4, vm0, $0xb8;
	[tilespmem:$0x10100] =	vst v63  }
0x25: {  	v3 =	vperm.xlane v3, v2  }
0x26: {  	[tilespmem:s4], [sflag:$0x1] =	stream.indirect_vreg.gather [hbm4b:s5+s3], $0x80, v4, vm0, $0xb8;
	[tilespmem:$0x10100] =	vst v63  }
0x27: {  	v3 =	vadd.s32 v1, v3  }
0x28: {  	[tilespmem:s8], [sflag:$0x1] =	stream.indirect_vreg.gather [hbm4b:s6+s3], $0x80, v4, vm0, $0xb8;
	[tilespmem:$0x10100] =	vst v63  }
0x29: {  	_ = 	snop  }
0x2a: {  	[tilespmem:s1], [sflag:$0x1] =	stream.indirect_vreg.gather [hbm4b:s7+s3], $0x80, v4, vm0, $0xb8;
	[tilespmem:$0x10100] =	vst v63  }
0x2b: {  	_ = 	snop  }
0x2c: {  	[tilespmem:s9], [sflag:$0x1] =	stream.indirect_vreg.gather [hbm4b:s2+s3], $0x80, v3, vm0, $0xb8;
	[tilespmem:$0x10100] =	vst v63  }
0x2d: {  	_ = 	snop  }
0x2e: {  	[tilespmem:s20], [sflag:$0x1] =	stream.indirect_vreg.gather [hbm4b:s5+s3], $0x80, v3, vm0, $0xb8;
	[tilespmem:$0x10100] =	vst v63  }
0x2f: {  	_ = 	snop  }
0x30: {  	[tilespmem:s11], [sflag:$0x1] =	stream.indirect_vreg.gather [hbm4b:s6+s3], $0x80, v3, vm0, $0xb8;
	[tilespmem:$0x10100] =	vst v63  }
0x31: {  	_ = 	snop  }
0x32: {  	[tilespmem:s13], [sflag:$0x1] =	stream.indirect_vreg.gather [hbm4b:s7+s3], $0x80, v3, vm0, $0xb8;
	[tilespmem:$0x10100] =	vst v63  }
0x33: {  	v3 =	vld [tilespmem:$0x10];
	_ =	sdelay $0x4  }
0x34: {  	v61 =	vshll.u32 v3, $0x3  }
0x35: {  	v3 =	vand.u32 $0x7, v3;
	v4 =	vand.u32 $0xFFFFFFC0, v61  }
0x36: {  	v3 =	vor.u32 v3, v4  }
0x37: {  	v4 =	vperm.xlane v3, v0;
	_ =	sdelay $0x1  }
0x38: {  	v4 =	vadd.s32 v1, v4;
	_ =	sdelay $0x4  }
0x39: {  	[tilespmem:s31], [sflag:$0x2] =	stream.indirect_vreg.gather [hbm4b:s2+s3], $0x80, v4, vm0, $0xb8;
	[tilespmem:$0x10100] =	vst v63  }
0x3a: {  	v3 =	vperm.xlane v3, v2  }
0x3b: {  	[tilespmem:s15], [sflag:$0x2] =	stream.indirect_vreg.gather [hbm4b:s5+s3], $0x80, v4, vm0, $0xb8;
	[tilespmem:$0x10100] =	vst v63  }
0x3c: {  	v3 =	vadd.s32 v1, v3  }
0x3d: {  	[tilespmem:s16], [sflag:$0x2] =	stream.indirect_vreg.gather [hbm4b:s6+s3], $0x80, v4, vm0, $0xb8;
	[tilespmem:$0x10100] =	vst v63  }
0x3e: {  	_ = 	snop  }
0x3f: {  	[tilespmem:s17], [sflag:$0x2] =	stream.indirect_vreg.gather [hbm4b:s7+s3], $0x80, v4, vm0, $0xb8;
	[tilespmem:$0x10100] =	vst v63  }
0x40: {  	_ = 	snop  }
0x41: {  	[tilespmem:s18], [sflag:$0x2] =	stream.indirect_vreg.gather [hbm4b:s2+s3], $0x80, v3, vm0, $0xb8;
	[tilespmem:$0x10100] =	vst v63  }
0x42: {  	_ = 	snop  }
0x43: {  	[tilespmem:s19], [sflag:$0x2] =	stream.indirect_vreg.gather [hbm4b:s5+s3], $0x80, v3, vm0, $0xb8;
	[tilespmem:$0x10100] =	vst v63  }
0x44: {  	_ = 	snop  }
0x45: {  	[tilespmem:s14], [sflag:$0x2] =	stream.indirect_vreg.gather [hbm4b:s6+s3], $0x80, v3, vm0, $0xb8;
	[tilespmem:$0x10100] =	vst v63  }
0x46: {  	s11 =	simm.s32 $0x7900  }
0x47: {  	[tilespmem:s11], [sflag:$0x2] =	stream.indirect_vreg.gather [hbm4b:s7+s3], $0x80, v3, vm0, $0xb8;
	[tilespmem:$0x10100] =	vst v63  }
0x48: {  	v3 =	vld [tilespmem:$0x20];
	_ =	sdelay $0x4  }
0x49: {  	v62 =	vshll.u32 v3, $0x3  }
0x4a: {  	v3 =	vand.u32 $0x7, v3;
	v4 =	vand.u32 $0xFFFFFFC0, v62  }
0x4b: {  	v3 =	vor.u32 v3, v4  }
0x4c: {  	v4 =	vperm.xlane v3, v0;
	_ =	sdelay $0x1  }
0x4d: {  	v4 =	vadd.s32 v1, v4;
	_ =	sdelay $0x4  }
0x4e: {  	[tilespmem:s10], [sflag:$0x3] =	stream.indirect_vreg.gather [hbm4b:s2+s3], $0x80, v4, vm0, $0xb8;
	[tilespmem:$0x10100] =	vst v63  }
0x4f: {  	s13 =	simm.s32 $0x8900;
	v3 =	vperm.xlane v3, v2  }
0x50: {  	[tilespmem:s13], [sflag:$0x3] =	stream.indirect_vreg.gather [hbm4b:s5+s3], $0x80, v4, vm0, $0xb8;
	[tilespmem:$0x10100] =	vst v63  }
0x51: {  	s14 =	simm.s32 $0x9100;
	v3 =	vadd.s32 v1, v3  }
0x52: {  	[tilespmem:s14], [sflag:$0x3] =	stream.indirect_vreg.gather [hbm4b:s6+s3], $0x80, v4, vm0, $0xb8;
	[tilespmem:$0x10100] =	vst v63  }
0x53: {  	s15 =	simm.s32 $0x9900  }
0x54: {  	[tilespmem:s15], [sflag:$0x3] =	stream.indirect_vreg.gather [hbm4b:s7+s3], $0x80, v4, vm0, $0xb8;
	[tilespmem:$0x10100] =	vst v63  }
0x55: {  	s16 =	simm.s32 $0xA100  }
0x56: {  	[tilespmem:s16], [sflag:$0x3] =	stream.indirect_vreg.gather [hbm4b:s2+s3], $0x80, v3, vm0, $0xb8;
	[tilespmem:$0x10100] =	vst v63  }
0x57: {  	s17 =	simm.s32 $0xA900  }
0x58: {  	[tilespmem:s17], [sflag:$0x3] =	stream.indirect_vreg.gather [hbm4b:s5+s3], $0x80, v3, vm0, $0xb8;
	[tilespmem:$0x10100] =	vst v63  }
0x59: {  	s18 =	simm.s32 $0xB100  }
0x5a: {  	[tilespmem:s18], [sflag:$0x3] =	stream.indirect_vreg.gather [hbm4b:s6+s3], $0x80, v3, vm0, $0xb8;
	[tilespmem:$0x10100] =	vst v63  }
0x5b: {  	s19 =	simm.s32 $0xB900  }
0x5c: {  	[tilespmem:s19], [sflag:$0x3] =	stream.indirect_vreg.gather [hbm4b:s7+s3], $0x80, v3, vm0, $0xb8;
	[tilespmem:$0x10100] =	vst v63  }
0x5d: {  	v3 =	vld [tilespmem:$0x30];
	_ =	sdelay $0x4  }
0x5e: {  	v63 =	vshll.u32 v3, $0x3  }
0x5f: {  	v3 =	vand.u32 $0x7, v3;
	v4 =	vand.u32 $0xFFFFFFC0, v63  }
0x60: {  	v3 =	vor.u32 v3, v4  }
0x61: {  	v4 =	vperm.xlane v3, v0;
	_ =	sdelay $0x1  }
0x62: {  	v4 =	vadd.s32 v1, v4;
	_ =	sdelay $0x4  }
0x63: {  	[tilespmem:s12], [sflag:$0x4] =	stream.indirect_vreg.gather [hbm4b:s2+s3], $0x80, v4, vm0, $0xb8;
	[tilespmem:$0x10100] =	vst v63  }
0x64: {  	s20 =	simm.s32 $0xC900;
	v3 =	vperm.xlane v3, v2  }
0x65: {  	[tilespmem:s20], [sflag:$0x4] =	stream.indirect_vreg.gather [hbm4b:s5+s3], $0x80, v4, vm0, $0xb8;
	[tilespmem:$0x10100] =	vst v63  }
0x66: {  	s22 =	simm.s32 $0xD100;
	v3 =	vadd.s32 v1, v3  }
0x67: {  	[tilespmem:s22], [sflag:$0x4] =	stream.indirect_vreg.gather [hbm4b:s6+s3], $0x80, v4, vm0, $0xb8;
	[tilespmem:$0x10100] =	vst v63  }
0x68: {  	s31 =	simm.s32 $0xD900  }
0x69: {  	[tilespmem:s31], [sflag:$0x4] =	stream.indirect_vreg.gather [hbm4b:s7+s3], $0x80, v4, vm0, $0xb8;
	[tilespmem:$0x10100] =	vst v63  }
0x6a: {  	s0 =	simm.s32 $0x0;
	s16 =	simm.s32 $0xE100  }
0x6b: {  	[tilespmem:s16], [sflag:$0x4] =	stream.indirect_vreg.gather [hbm4b:s2+s3], $0x80, v3, vm0, $0xb8;
	[tilespmem:$0x10100] =	vst v63  }
0x6c: {  	s1 =	simm.s32 $0x70;
	s9 =	simm.s32 $0xF900;
	s18 =	simm.s32 $0xE900  }
0x6d: {  	[tilespmem:s18], [sflag:$0x4] =	stream.indirect_vreg.gather [hbm4b:s5+s3], $0x80, v3, vm0, $0xb8;
	[tilespmem:$0x10100] =	vst v63  }
0x6e: {  	s11 =	simm.s32 $0x2900;
	s14 =	simm.s32 $0x7100;
	s20 =	simm.s32 $0xF100  }
0x6f: {  	[tilespmem:s20], [sflag:$0x4] =	stream.indirect_vreg.gather [hbm4b:s6+s3], $0x80, v3, vm0, $0xb8;
	[tilespmem:$0x10100] =	vst v63  }
0x70: {  	s15 =	simm.s32 $0x3900;
	s17 =	simm.s32 $0x5100;
	s19 =	simm.s32 $0x6100  }
0x71: {  	[tilespmem:s9], [sflag:$0x4] =	stream.indirect_vreg.gather [hbm4b:s7+s3], $0x80, v3, vm0, $0xb8;
	[tilespmem:$0x10100] =	vst v63  }
.LBB2_2:
0x72: {  	_ =	swait.ge [sflag:s21], $0x4000  }
0x73: {  	s4 =	rddreg [dreg:$0x3];
	[sflag:s21] =	ssyncset.done $0x0  }
0x74: {  	s31 =	simm.s32 $0x100;
	[sflag:s21] =	ssyncadd.s32 $0xFFFFC000;
	s4 =	sadd.s32 s0, s4  }
0x75: {  	[hbm4b:s4+s3] =	stream.linear.scatter [tilespmem:s31], [sflag:$0x5], $0x4000, $0x38;
	[tilespmem:$0x10100] =	vst v63  }
0x76: {  	_ =	swait.ge [sflag:s23], $0x4000  }
0x77: {  	[sflag:s23] =	ssyncset.done $0x0  }
0x78: {  	s10 =	simm.s32 $0x4100;
	s8 =	sadd.s32 $0x800, s4;
	[sflag:s23] =	ssyncadd.s32 $0xFFFFC000  }
0x79: {  	[hbm4b:s8+s3] =	stream.linear.scatter [tilespmem:s10], [sflag:$0x6], $0x4000, $0x38;
	[tilespmem:$0x10100] =	vst v63  }
0x7a: {  	_ =	swait.ge [sflag:s24], $0x4000  }
0x7b: {  	[sflag:s24] =	ssyncset.done $0x0  }
0x7c: {  	s13 =	simm.s32 $0x8100;
	s22 =	sadd.s32 $0x1000, s4;
	[sflag:s24] =	ssyncadd.s32 $0xFFFFC000  }
0x7d: {  	[hbm4b:s22+s3] =	stream.linear.scatter [tilespmem:s13], [sflag:$0x7], $0x4000, $0x38;
	[tilespmem:$0x10100] =	vst v63  }
0x7e: {  	_ =	swait.ge [sflag:s25], $0x4000  }
0x7f: {  	[sflag:s25] =	ssyncset.done $0x0  }
0x80: {  	s4 =	sadd.s32 $0x1800, s4;
	[sflag:s25] =	ssyncadd.s32 $0xFFFFC000  }
0x81: {  	[hbm4b:s4+s3] =	stream.linear.scatter [tilespmem:s12], [sflag:$0x8], $0x4000, $0x38;
	[tilespmem:$0x10100] =	vst v63  }
0x82: {  	_ =	swait.ge [sflag:s26], $0x4000  }
0x83: {  	[sflag:s26] =	ssyncset.done $0x0  }
0x84: {  	[sflag:s26] =	ssyncadd.s32 $0xFFFFC000  }
0x85: {  	v3 =	vld [tilespmem:s1+$0xFFFFFFD0];
	_ =	sdelay $0x4  }
0x86: {  	v4 =	vshll.u32 v3, $0x3  }
0x87: {  	v3 =	vand.u32 $0x7, v3;
	v4 =	vand.u32 $0xFFFFFFC0, v4  }
0x88: {  	v3 =	vor.u32 v3, v4  }
0x89: {  	v4 =	vperm.xlane v3, v0;
	_ =	sdelay $0x1  }
0x8a: {  	v4 =	vadd.s32 v1, v4;
	_ =	sdelay $0x4  }
0x8b: {  	[tilespmem:s31], [sflag:$0x1] =	stream.indirect_vreg.gather [hbm4b:s2+s3], $0x80, v4, vm0, $0xb8;
	[tilespmem:$0x10100] =	vst v63  }
0x8c: {  	s4 =	simm.s32 $0x900;
	v3 =	vperm.xlane v3, v2  }
0x8d: {  	[tilespmem:s4], [sflag:$0x1] =	stream.indirect_vreg.gather [hbm4b:s5+s3], $0x80, v4, vm0, $0xb8;
	[tilespmem:$0x10100] =	vst v63  }
0x8e: {  	s8 =	simm.s32 $0x1100;
	v3 =	vadd.s32 v1, v3  }
0x8f: {  	[tilespmem:s8], [sflag:$0x1] =	stream.indirect_vreg.gather [hbm4b:s6+s3], $0x80, v4, vm0, $0xb8;
	[tilespmem:$0x10100] =	vst v63  }
0x90: {  	s31 =	simm.s32 $0x1900  }
0x91: {  	[tilespmem:s31], [sflag:$0x1] =	stream.indirect_vreg.gather [hbm4b:s7+s3], $0x80, v4, vm0, $0xb8;
	[tilespmem:$0x10100] =	vst v63  }
0x92: {  	s31 =	simm.s32 $0x2100  }
0x93: {  	[tilespmem:s31], [sflag:$0x1] =	stream.indirect_vreg.gather [hbm4b:s2+s3], $0x80, v3, vm0, $0xb8;
	[tilespmem:$0x10100] =	vst v63  }
0x94: {  	_ = 	snop  }
0x95: {  	[tilespmem:s11], [sflag:$0x1] =	stream.indirect_vreg.gather [hbm4b:s5+s3], $0x80, v3, vm0, $0xb8;
	[tilespmem:$0x10100] =	vst v63  }
0x96: {  	s31 =	simm.s32 $0x3100  }
0x97: {  	[tilespmem:s31], [sflag:$0x1] =	stream.indirect_vreg.gather [hbm4b:s6+s3], $0x80, v3, vm0, $0xb8;
	[tilespmem:$0x10100] =	vst v63  }
0x98: {  	_ = 	snop  }
0x99: {  	[tilespmem:s15], [sflag:$0x1] =	stream.indirect_vreg.gather [hbm4b:s7+s3], $0x80, v3, vm0, $0xb8;
	[tilespmem:$0x10100] =	vst v63  }
0x9a: {  	_ =	swait.ge [sflag:s28], $0x4000  }
0x9b: {  	[sflag:s28] =	ssyncset.done $0x0  }
0x9c: {  	[sflag:s28] =	ssyncadd.s32 $0xFFFFC000  }
0x9d: {  	v3 =	vld [tilespmem:s1+$0xFFFFFFE0];
	_ =	sdelay $0x4  }
0x9e: {  	v61 =	vshll.u32 v3, $0x3  }
0x9f: {  	v3 =	vand.u32 $0x7, v3;
	v4 =	vand.u32 $0xFFFFFFC0, v61  }
0xa0: {  	v3 =	vor.u32 v3, v4  }
0xa1: {  	v4 =	vperm.xlane v3, v0;
	_ =	sdelay $0x1  }
0xa2: {  	v4 =	vadd.s32 v1, v4;
	_ =	sdelay $0x4  }
0xa3: {  	[tilespmem:s10], [sflag:$0x2] =	stream.indirect_vreg.gather [hbm4b:s2+s3], $0x80, v4, vm0, $0xb8;
	[tilespmem:$0x10100] =	vst v63  }
0xa4: {  	v3 =	vperm.xlane v3, v2;
	s10 =	simm.s32 $0x4900  }
0xa5: {  	[tilespmem:s10], [sflag:$0x2] =	stream.indirect_vreg.gather [hbm4b:s5+s3], $0x80, v4, vm0, $0xb8;
	[tilespmem:$0x10100] =	vst v63  }
0xa6: {  	v3 =	vadd.s32 v1, v3  }
0xa7: {  	[tilespmem:s17], [sflag:$0x2] =	stream.indirect_vreg.gather [hbm4b:s6+s3], $0x80, v4, vm0, $0xb8;
	[tilespmem:$0x10100] =	vst v63  }
0xa8: {  	s10 =	simm.s32 $0x5900  }
0xa9: {  	[tilespmem:s10], [sflag:$0x2] =	stream.indirect_vreg.gather [hbm4b:s7+s3], $0x80, v4, vm0, $0xb8;
	[tilespmem:$0x10100] =	vst v63  }
0xaa: {  	_ = 	snop  }
0xab: {  	[tilespmem:s19], [sflag:$0x2] =	stream.indirect_vreg.gather [hbm4b:s2+s3], $0x80, v3, vm0, $0xb8;
	[tilespmem:$0x10100] =	vst v63  }
0xac: {  	s10 =	simm.s32 $0x6900  }
0xad: {  	[tilespmem:s10], [sflag:$0x2] =	stream.indirect_vreg.gather [hbm4b:s5+s3], $0x80, v3, vm0, $0xb8;
	[tilespmem:$0x10100] =	vst v63  }
0xae: {  	_ = 	snop  }
0xaf: {  	[tilespmem:s14], [sflag:$0x2] =	stream.indirect_vreg.gather [hbm4b:s6+s3], $0x80, v3, vm0, $0xb8;
	[tilespmem:$0x10100] =	vst v63  }
0xb0: {  	s10 =	simm.s32 $0x7900  }
0xb1: {  	[tilespmem:s10], [sflag:$0x2] =	stream.indirect_vreg.gather [hbm4b:s7+s3], $0x80, v3, vm0, $0xb8;
	[tilespmem:$0x10100] =	vst v63  }
0xb2: {  	_ =	swait.ge [sflag:s29], $0x4000  }
0xb3: {  	[sflag:s29] =	ssyncset.done $0x0  }
0xb4: {  	[sflag:s29] =	ssyncadd.s32 $0xFFFFC000  }
0xb5: {  	v3 =	vld [tilespmem:s1+$0xFFFFFFF0];
	_ =	sdelay $0x4  }
0xb6: {  	v62 =	vshll.u32 v3, $0x3  }
0xb7: {  	v3 =	vand.u32 $0x7, v3;
	v4 =	vand.u32 $0xFFFFFFC0, v62  }
0xb8: {  	v3 =	vor.u32 v3, v4  }
0xb9: {  	v4 =	vperm.xlane v3, v0;
	_ =	sdelay $0x1  }
0xba: {  	v4 =	vadd.s32 v1, v4;
	_ =	sdelay $0x4  }
0xbb: {  	[tilespmem:s13], [sflag:$0x3] =	stream.indirect_vreg.gather [hbm4b:s2+s3], $0x80, v4, vm0, $0xb8;
	[tilespmem:$0x10100] =	vst v63  }
0xbc: {  	v3 =	vperm.xlane v3, v2;
	s13 =	simm.s32 $0x8900  }
0xbd: {  	[tilespmem:s13], [sflag:$0x3] =	stream.indirect_vreg.gather [hbm4b:s5+s3], $0x80, v4, vm0, $0xb8;
	[tilespmem:$0x10100] =	vst v63  }
0xbe: {  	v3 =	vadd.s32 v1, v3;
	s13 =	simm.s32 $0x9100  }
0xbf: {  	[tilespmem:s13], [sflag:$0x3] =	stream.indirect_vreg.gather [hbm4b:s6+s3], $0x80, v4, vm0, $0xb8;
	[tilespmem:$0x10100] =	vst v63  }
0xc0: {  	s13 =	simm.s32 $0x9900  }
0xc1: {  	[tilespmem:s13], [sflag:$0x3] =	stream.indirect_vreg.gather [hbm4b:s7+s3], $0x80, v4, vm0, $0xb8;
	[tilespmem:$0x10100] =	vst v63  }
0xc2: {  	s13 =	simm.s32 $0xA100  }
0xc3: {  	[tilespmem:s13], [sflag:$0x3] =	stream.indirect_vreg.gather [hbm4b:s2+s3], $0x80, v3, vm0, $0xb8;
	[tilespmem:$0x10100] =	vst v63  }
0xc4: {  	s13 =	simm.s32 $0xA900  }
0xc5: {  	[tilespmem:s13], [sflag:$0x3] =	stream.indirect_vreg.gather [hbm4b:s5+s3], $0x80, v3, vm0, $0xb8;
	[tilespmem:$0x10100] =	vst v63  }
0xc6: {  	s13 =	simm.s32 $0xB100  }
0xc7: {  	[tilespmem:s13], [sflag:$0x3] =	stream.indirect_vreg.gather [hbm4b:s6+s3], $0x80, v3, vm0, $0xb8;
	[tilespmem:$0x10100] =	vst v63  }
0xc8: {  	s13 =	simm.s32 $0xB900  }
0xc9: {  	[tilespmem:s13], [sflag:$0x3] =	stream.indirect_vreg.gather [hbm4b:s7+s3], $0x80, v3, vm0, $0xb8;
	[tilespmem:$0x10100] =	vst v63  }
0xca: {  	_ =	swait.ge [sflag:s30], $0x4000  }
0xcb: {  	[sflag:s30] =	ssyncset.done $0x0  }
0xcc: {  	[sflag:s30] =	ssyncadd.s32 $0xFFFFC000  }
0xcd: {  	v3 =	vld [tilespmem:s1+$0x0];
	_ =	sdelay $0x4  }
0xce: {  	v63 =	vshll.u32 v3, $0x3  }
0xcf: {  	v3 =	vand.u32 $0x7, v3;
	v4 =	vand.u32 $0xFFFFFFC0, v63  }
0xd0: {  	v3 =	vor.u32 v3, v4  }
0xd1: {  	v4 =	vperm.xlane v3, v0;
	_ =	sdelay $0x1  }
0xd2: {  	v4 =	vadd.s32 v1, v4;
	_ =	sdelay $0x4  }
0xd3: {  	[tilespmem:s12], [sflag:$0x4] =	stream.indirect_vreg.gather [hbm4b:s2+s3], $0x80, v4, vm0, $0xb8;
	[tilespmem:$0x10100] =	vst v63  }
0xd4: {  	s13 =	simm.s32 $0xC900;
	v3 =	vperm.xlane v3, v2  }
0xd5: {  	[tilespmem:s13], [sflag:$0x4] =	stream.indirect_vreg.gather [hbm4b:s5+s3], $0x80, v4, vm0, $0xb8;
	[tilespmem:$0x10100] =	vst v63  }
0xd6: {  	v3 =	vadd.s32 v1, v3;
	s13 =	simm.s32 $0xD100  }
0xd7: {  	[tilespmem:s13], [sflag:$0x4] =	stream.indirect_vreg.gather [hbm4b:s6+s3], $0x80, v4, vm0, $0xb8;
	[tilespmem:$0x10100] =	vst v63  }
0xd8: {  	s13 =	simm.s32 $0xD900  }
0xd9: {  	[tilespmem:s13], [sflag:$0x4] =	stream.indirect_vreg.gather [hbm4b:s7+s3], $0x80, v4, vm0, $0xb8;
	[tilespmem:$0x10100] =	vst v63  }
0xda: {  	_ = 	snop  }
0xdb: {  	[tilespmem:s16], [sflag:$0x4] =	stream.indirect_vreg.gather [hbm4b:s2+s3], $0x80, v3, vm0, $0xb8;
	[tilespmem:$0x10100] =	vst v63  }
0xdc: {  	p0 =	sne.s32 s0, $0x4000  }
0xdd: {  	[tilespmem:s18], [sflag:$0x4] =	stream.indirect_vreg.gather [hbm4b:s5+s3], $0x80, v3, vm0, $0xb8;
	[tilespmem:$0x10100] =	vst v63  }
.Ltmp0:
0xde: {  	_ = 	snop;
	(pc) =	sbr.rel @p0 .LBB2_2-.Ltmp0, $4  }
0xdf: {  	s0 =	sadd.s32 $0x2000, s0;
	s22 =	simm.s32 $0x100  }
0xe0: {  	[tilespmem:s20], [sflag:$0x4] =	stream.indirect_vreg.gather [hbm4b:s6+s3], $0x80, v3, vm0, $0xb8;
	[tilespmem:$0x10100] =	vst v63  }
0xe1: {  	s31 =	simm.s32 $0x4100;
	s10 =	simm.s32 $0x8100;
	s1 =	sadd.s32 $0x40, s1  }
0xe2: {  	[tilespmem:s9], [sflag:$0x4] =	stream.indirect_vreg.gather [hbm4b:s7+s3], $0x80, v3, vm0, $0xb8;
	[tilespmem:$0x10100] =	vst v63  }
0xe3: {  	_ =	swait.ge [sflag:s21], $0x4000  }
0xe4: {  	[sflag:s21] =	ssyncset.done $0x0  }
0xe5: {  	s0 =	rddreg [dreg:$0x5];
	[sflag:s21] =	ssyncadd.s32 $0xFFFFC000  }
0xe6: {  	[hbm4b:s0+s3] =	stream.linear.scatter [tilespmem:s22], [sflag:$0x5], $0x4000, $0x38;
	[tilespmem:$0x10100] =	vst v63  }
0xe7: {  	_ =	swait.ge [sflag:s23], $0x4000  }
0xe8: {  	[sflag:s23] =	ssyncset.done $0x0  }
0xe9: {  	s17 =	rddreg [dreg:$0x6];
	[sflag:s23] =	ssyncadd.s32 $0xFFFFC000  }
0xea: {  	[hbm4b:s17+s3] =	stream.linear.scatter [tilespmem:s31], [sflag:$0x6], $0x4000, $0x38;
	[tilespmem:$0x10100] =	vst v63  }
0xeb: {  	_ =	swait.ge [sflag:s24], $0x4000  }
0xec: {  	[sflag:s24] =	ssyncset.done $0x0  }
0xed: {  	s18 =	rddreg [dreg:$0x7];
	[sflag:s24] =	ssyncadd.s32 $0xFFFFC000  }
0xee: {  	[hbm4b:s18+s3] =	stream.linear.scatter [tilespmem:s10], [sflag:$0x7], $0x4000, $0x38;
	[tilespmem:$0x10100] =	vst v63  }
0xef: {  	_ =	swait.ge [sflag:s25], $0x4000  }
0xf0: {  	[sflag:s25] =	ssyncset.done $0x0  }
0xf1: {  	s19 =	rddreg [dreg:$0x8];
	[sflag:s25] =	ssyncadd.s32 $0xFFFFC000  }
0xf2: {  	[hbm4b:s19+s3] =	stream.linear.scatter [tilespmem:s12], [sflag:$0x8], $0x4000, $0x38;
	[tilespmem:$0x10100] =	vst v63  }
0xf3: {  	_ =	swait.ge [sflag:s26], $0x4000  }
0xf4: {  	[sflag:s26] =	ssyncset.done $0x0  }
0xf5: {  	[sflag:s26] =	ssyncadd.s32 $0xFFFFC000  }
0xf6: {  	_ =	swait.ge [sflag:s28], $0x4000  }
0xf7: {  	[sflag:s28] =	ssyncset.done $0x0  }
0xf8: {  	[sflag:s28] =	ssyncadd.s32 $0xFFFFC000  }
0xf9: {  	_ =	swait.ge [sflag:s29], $0x4000  }
0xfa: {  	[sflag:s29] =	ssyncset.done $0x0  }
0xfb: {  	[sflag:s29] =	ssyncadd.s32 $0xFFFFC000  }
0xfc: {  	_ =	swait.ge [sflag:s30], $0x4000  }
0xfd: {  	s1 =	rddreg [dreg:$0xa]  }
0xfe: {  	s20 =	rddreg [dreg:$0x9];
	s1 =	sadd.s32 $0x1, s1  }
0xff: {  	p0 =	sne.s32 s1, s20  }
.Ltmp1:
0x100: {  	s9 =	simm.s32 $0x2100;
	s11 =	simm.s32 $0x3100;
	(pc) =	sbr.rel @p0 .LBB2_1-.Ltmp1, $4  }
0x101: {  	s13 =	simm.s32 $0x3900;
	s15 =	simm.s32 $0x4900;
	s16 =	simm.s32 $0x5100  }
0x102: {  	s14 =	simm.s32 $0x7100;
	s17 =	simm.s32 $0x5900;
	[sflag:s30] =	ssyncset.done $0x0  }
0x103: {  	s18 =	simm.s32 $0x6100;
	s19 =	simm.s32 $0x6900;
	[sflag:s30] =	ssyncadd.s32 $0xFFFFC000  }
0x104: {  	[dreg:$0xa] =	wrdreg s1;
	s1 =	simm.s32 $0x1900;
	s20 =	simm.s32 $0x2900  }
0x105: {  	_ =	sfence.sel $0x180000  }
0x106: {  	[bflag:$0x0] =	sbarrier.arrive $0xFFFF  }
0x107: {  	_ =	strace $0x9000004A  }
0x108: {  	s0 =	stileid.u32;
	[bflag:$0x2] =	sbarrier.arrive $0xFFFF  }
0x109: {  	p0 =	sne.s32 s0, $0x0;
	s0 =	rddreg [dreg:$0x2]  }
0x10a: {  	s0 =	sadd.s32 @!p0 $0x100000, s0  }
0x10b: {  	[sflag:s0] =	ssyncadd.tile.s32 @!p0 $0x1;
	_ =	shalt  }
.Lfunc_end2:
_tile_overlayer_lowered:
.L_overlay_start_2:
0x10c: {  	(tag) =	ssettag $0x2  }
0x10d: {  	s0 =	rddreg [dreg:$0x0];
	s2 =	stileid.u32  }
0x10e: {  	s1 =	rddreg [dreg:$0x1];
	p0 =	sne.s32 s2, $0x0  }
0x10f: {  	s3 =	rddreg [dreg:$0x2];
	[bflag:$0x3] =	sbarrier.arrive $0xFFFF;
	s2 =	simm.s32 @!p0 $0x1C09  }
0x110: {  	[timem:s3], [sflag:s2] =	dma.local @!p0 [hbm:s0], s1  }
0x111: {  	s0 =	simm.s32 @!p0 $0x9  }
0x112: {  	_ =	swait.ge @!p0 [sflag:s0], s1  }
0x113: {  	s1 =	ssub.s32 @!p0 $0x0, s1;
	[sflag:s0] =	ssyncset.done @!p0 $0x0  }
0x114: {  	[sflag:s0] =	ssyncadd.s32 @!p0 s1  }
0x115: {  	[bflag:$0x3] =	sbarrier.arrive $0xFFFF  }
0x116: {  	_ =	shalt  }

// kernel: kernel.16.cloned.1.call-start
scs
__scs_entry_jumppad:
0x0: {  	(pc) =	sbr.rel $0x88, $3  }
0x1: {  	(tag) =	ssettag $0x0;
	lr =	simm.s32 $0x1  }
0x2: {  	[smem:$0x3F9D] =	sst lr;
	_ =	strace $0xD0000000  }
0x3: {  	_ = 	snop  }
0x4: {  	_ = 	snop  }
0x5: {  	_ = 	snop  }
0x6: {  	_ = 	snop  }
0x7: {  	_ = 	snop  }
__scs_overlays_trampoline_lowered:
0x8: {  	[smem:$0x3FAC] =	sst s0  }
0x9: {  	[smem:$0x3FAD] =	sst s1  }
0xa: {  	[smem:$0x3FAE] =	sst s2  }
0xb: {  	[smem:$0x3FAF] =	sst s3  }
0xc: {  	[smem:$0x3FB0] =	sst s4  }
0xd: {  	[smem:$0x3FB1] =	sst s5  }
0xe: {  	[smem:$0x3FB2] =	sst s6  }
0xf: {  	[smem:$0x3FB3] =	sst s7  }
0x10: {  	[smem:$0x3FB4] =	sst s8  }
0x11: {  	[smem:$0x3FB5] =	sst s9;
	s0 =	simm.s32 @!p0 $0x0  }
0x12: {  	s1 =	sld [smem:$0x3F9B];
	s0 =	simm.s32 @p0 $0x1  }
0x13: {  	[smem:$0x3FB6] =	sst s0;
	s0 =	simm.s32 @!p1 $0x0  }
0x14: {  	s2 =	sld [smem:$0x3F9A];
	s0 =	simm.s32 @p1 $0x1  }
0x15: {  	[smem:$0x3FB7] =	sst s0;
	s0 =	simm.s32 @!p2 $0x0  }
0x16: {  	s3 =	sld [smem:$0x3FDB];
	s0 =	simm.s32 @p2 $0x1  }
0x17: {  	s4 =	simm.s32 $0x1BF5;
	[smem:$0x3FB9] =	sst s0  }
0x18: {  	s0 =	sld [smem:$0x3F9C];
	_ =	swait.ge [sflag:s4], $0x0  }
0x19: {  	s7 =	sld [smem:$0x3F9D]  }
0x1a: {  	s8 =	sadd.s32 $0xFFFFE003, lr  }
0x1b: {  	s9 =	sadd.s32 $0xFFFFFEF7, lr;
	s5 =	simm.s32 $0xFFFFFFFF;
	p2 =	slt.u32 s8, $0xFFFFF086  }
0x1c: {  	p1 =	slt.u32 s9, $0xF7A;
	s5 =	simm.s32 @!p2 $0x0  }
0x1d: {  	s5 =	simm.s32 @p1 $0x1;
	p0 =	seq.s32 s7, s2  }
0x1e: {  	s7 =	smul.u32 @!p0 $0xF7A, s2;
	p2 =	seq.s32 @!p0 s5, $0x0  }
0x1f: {  	s9 =	smul.u32 $0xF7A, s1;
	s8 =	simm.s32 @!p0 $0x1BF5;
	p2 =	por !p2, p0  }
0x20: {  	[sflag:s8] =	ssyncset.s32 @!p0 $0xFFFFF086;
	s6 =	sadd.s32 @!p0 s3, s7;
	s7 =	simm.s32 @!p0 $0x108  }
0x21: {  	s3 =	sadd.s32 s3, s9;
	s6 =	sadd.s32 @!p0 $0x88, s6;
	s7 =	simm.s32 @p2 $0x1082  }
0x22: {  	[simem:s7], [sflag:s8] =	dma.local @!p0 [hbm:s6], $0xF7A  }
0x23: {  	s9 =	sor.u32 $0xD0000000, s2;
	s6 =	simm.s32 $0x108;
	_ =	swait.ge @!p0 [sflag:s8], $0x0  }
0x24: {  	s3 =	sadd.s32 $0x88, s3;
	s6 =	simm.s32 @!p1 $0x1082;
	[sflag:s4] =	ssyncset.s32 $0xFFFFF086  }
0x25: {  	[simem:s6], [sflag:s4] =	dma.local [hbm:s3], $0xF7A  }
0x26: {  	[smem:$0x3F9D] =	sst s1;
	(tag) =	ssettag s2;
	_ =	strace s9  }
0x27: {  	s1 =	sld [smem:$0x3FAD]  }
0x28: {  	s2 =	sld [smem:$0x3FAE]  }
0x29: {  	s4 =	sld [smem:$0x3FB0]  }
0x2a: {  	p0 =	seq.s32 s5, $0x0;
	s5 =	sld [smem:$0x3FB1]  }
0x2b: {  	s6 =	sld [smem:$0x3FB2]  }
0x2c: {  	s7 =	sld [smem:$0x3FB3]  }
0x2d: {  	s3 =	simm.s32 $0x108;
	s8 =	sld [smem:$0x3FB4]  }
0x2e: {  	s3 =	simm.s32 @!p0 $0x1082;
	s9 =	sld [smem:$0x3FB5]  }
0x2f: {  	lr =	sadd.s32 s0, s3;
	s0 =	sld [smem:$0x3FAC]  }
0x30: {  	s3 =	sld [smem:$0x3FAF]  }
0x31: {  	[smem:$0x3FB8] =	sst s10  }
0x32: {  	s10 =	sld [smem:$0x3FB6];
	_ =	sdelay $0x3  }
0x33: {  	p0 =	seq.s32 s10, $0x1;
	s10 =	sld [smem:$0x3FB8];
	_ =	sdelay $0x3  }
0x34: {  	[smem:$0x3FB8] =	sst s10  }
0x35: {  	s10 =	sld [smem:$0x3FB7];
	_ =	sdelay $0x3  }
0x36: {  	p1 =	seq.s32 s10, $0x1;
	s10 =	sld [smem:$0x3FB8];
	_ =	sdelay $0x3  }
0x37: {  	[smem:$0x3FB8] =	sst s10  }
0x38: {  	s10 =	sld [smem:$0x3FB9]  }
0x39: {  	_ = 	snop;
	(pc) =	sbr.ind lr, $3  }
0x3a: {  	_ = 	snop  }
0x3b: {  	_ = 	snop  }
0x3c: {  	p2 =	seq.s32 s10, $0x1;
	s10 =	sld [smem:$0x3FB8]  }
0x3d: {  	_ =	shalt  }
0x3e: {  	_ =	shalt  }
0x3f: {  	_ =	shalt  }
0x40: {  	_ =	shalt  }
0x41: {  	_ =	shalt  }
0x42: {  	_ =	shalt  }
0x43: {  	_ =	shalt  }
0x44: {  	_ =	shalt  }
0x45: {  	_ =	shalt  }
0x46: {  	_ =	shalt  }
0x47: {  	_ =	shalt  }
0x48: {  	_ =	shalt  }
0x49: {  	_ =	shalt  }
0x4a: {  	_ =	shalt  }
0x4b: {  	_ =	shalt  }
0x4c: {  	_ =	shalt  }
0x4d: {  	_ =	shalt  }
0x4e: {  	_ =	shalt  }
0x4f: {  	_ =	shalt  }
0x50: {  	_ =	shalt  }
0x51: {  	_ =	shalt  }
0x52: {  	_ =	shalt  }
0x53: {  	_ =	shalt  }
0x54: {  	_ =	shalt  }
0x55: {  	_ =	shalt  }
0x56: {  	_ =	shalt  }
0x57: {  	_ =	shalt  }
0x58: {  	_ =	shalt  }
0x59: {  	_ =	shalt  }
0x5a: {  	_ =	shalt  }
0x5b: {  	_ =	shalt  }
0x5c: {  	_ =	shalt  }
0x5d: {  	_ =	shalt  }
0x5e: {  	_ =	shalt  }
0x5f: {  	_ =	shalt  }
0x60: {  	_ =	shalt  }
0x61: {  	_ =	shalt  }
0x62: {  	_ =	shalt  }
0x63: {  	_ =	shalt  }
0x64: {  	_ =	shalt  }
0x65: {  	_ =	shalt  }
0x66: {  	_ =	shalt  }
0x67: {  	_ =	shalt  }
0x68: {  	_ =	shalt  }
0x69: {  	_ =	shalt  }
0x6a: {  	_ =	shalt  }
0x6b: {  	_ =	shalt  }
0x6c: {  	_ =	shalt  }
0x6d: {  	_ =	shalt  }
0x6e: {  	_ =	shalt  }
0x6f: {  	_ =	shalt  }
0x70: {  	_ =	shalt  }
0x71: {  	_ =	shalt  }
0x72: {  	_ =	shalt  }
0x73: {  	_ =	shalt  }
0x74: {  	_ =	shalt  }
0x75: {  	_ =	shalt  }
0x76: {  	_ =	shalt  }
0x77: {  	_ =	shalt  }
0x78: {  	_ =	shalt  }
0x79: {  	_ =	shalt  }
0x7a: {  	_ =	shalt  }
0x7b: {  	_ =	shalt  }
0x7c: {  	_ =	shalt  }
0x7d: {  	_ =	shalt  }
0x7e: {  	_ =	shalt  }
0x7f: {  	_ =	shalt  }
0x80: {  	_ =	shalt  }
0x81: {  	_ =	shalt  }
0x82: {  	_ =	shalt  }
0x83: {  	_ =	shalt  }
0x84: {  	_ =	shalt  }
0x85: {  	_ =	shalt  }
0x86: {  	_ =	shalt  }
0x87: {  	_ =	shalt  }
.Lfunc_end0:
.L_simem_size_0:
called_computation.2_lowered:
.L_overlay_start_0:
0x88: {  	s2 =	sld [smem:$0x3FD9]  }
0x89: {  	s3 =	sld [smem:$0x3FFE];
	_ =	sdelay $0x1  }
0x8a: {  	s1 =	srdreg.scid  }
0x8b: {  	s0 =	sand.u32 $0x1, s1  }
0x8c: {  	s17 =	sshll.u32 s0, $0xA;
	s2 =	sadd.s32 s3, s2  }
0x8d: {  	s2 =	sadd.s32 s2, s17  }
0x8e: {  	[smem:$0x3FC4] =	sst s2  }
0x8f: {  	_ = 	snop  }
0x90: {  	s18 =	sld [smem:$0x3FC8];
	(tm) =	ssettm $0x1  }
0x91: {  	s19 =	sld [smem:$0x3FFB];
	_ =	sdelay $0x3  }
0x92: {  	_ =	strace s19  }
0x93: {  	s2 =	sld [smem:$0x3FFC];
	_ =	sdelay $0x3  }
0x94: {  	_ =	strace s2  }
0x95: {  	s2 =	sld [smem:$0x3FFD];
	_ =	sdelay $0x3  }
0x96: {  	_ =	strace s2  }
0x97: {  	_ =	strace $0x8FFFFFFF  }
0x98: {  	s20 =	sld [smem:$0x3FDB];
	_ =	sdelay $0x1  }
0x99: {  	s4 =	simm.s32 $_scs_section_size  }
0x9a: {  	s5 =	simm.s32 $_size__tile_overlayer_lowered;
	s6 =	simm.s32 $_tile_overlayer_lowered  }
0x9b: {  	s7 =	simm.s32 $0x1BFF;
	s21 =	sshll.u32 s6, $0x1;
	s4 =	sadd.s32 s4, s20  }
0x9c: {  	s22 =	simm.s32 $0x0;
	s5 =	sshll.u32 s5, $0x1;
	s6 =	sadd.s32 s21, s4  }
0x9d: {  	[timem:s22], [sflag:s7] =	dma.local [hbm:s6], s5  }
0x9e: {  	_ =	swait.ge [sflag:s7], s5  }
0x9f: {  	s5 =	ssub.s32 $0x0, s5;
	[sflag:s7] =	ssyncset.done $0x0  }
0xa0: {  	[sflag:s7] =	ssyncadd.s32 s5;
	_ =	sdelay $0x1  }
0xa1: {  	s23 =	simm.s32 $0x1B8B  }
0xa2: {  	_ =	swait.ge [sflag:s23], $0x1  }
0xa3: {  	[sflag:s23] =	ssyncset.done $0x0  }
0xa4: {  	[sflag:s23] =	ssyncadd.s32 $0xFFFFFFFF  }
0xa5: {  	s5 =	sld [smem:$0x0]  }
0xa6: {  	s6 =	sand.u32 $0xFFFFFFFE, s1  }
0xa7: {  	p0 =	sne.s32 s1, s6  }
0xa8: {  	s6 =	sshll.u32 @p0 s6, $0xE  }
0xa9: {  	s6 =	sadd.s32 @p0 $0x11B8D, s6;
	s7 =	sshll.u32 @p0 s5, $0x11  }
0xaa: {  	s6 =	sor.u32 @p0 s7, s6  }
0xab: {  	[sflag:s6] =	ssyncadd.remote.s32 @p0 $0x1;
	_ =	sdelay $0x1  }
0xac: {  	s6 =	simm.s32 @p0 $0x1B8D  }
0xad: {  	_ =	swait.eq @p0 [sflag:s6], $0x1  }
0xae: {  	[sflag:s6] =	ssyncadd.s32 @p0 $0xFFFFFFFF  }
0xaf: {  	s7 =	sshll.u32 @!p0 s1, $0xE  }
0xb0: {  	s7 =	sor.u32 @!p0 $0x4000, s7;
	s6 =	simm.s32 @!p0 $0x1B8D  }
0xb1: {  	s5 =	sshll.u32 @!p0 s5, $0x11;
	s7 =	sadd.s32 @!p0 $0x11B8D, s7;
	_ =	swait.eq @!p0 [sflag:s6], $0x1  }
0xb2: {  	s5 =	sor.u32 @!p0 s5, s7;
	[sflag:s6] =	ssyncadd.s32 @!p0 $0xFFFFFFFF  }
0xb3: {  	s25 =	simm.s32 $0x1B8E;
	s24 =	sld [smem:$0x3FFE];
	[sflag:s5] =	ssyncadd.remote.s32 @!p0 $0x1  }
0xb4: {  	s26 =	simm.s32 $execute0_lowered;
	[smem:$0x3FD2] =	sst s25  }
0xb5: {  	s6 =	sshll.u32 s26, $0x1;
	_ =	strace $0x8000004C;
	[dreg:$0x1] =	wrdreg $0xFFFFFFFF  }
0xb6: {  	s28 =	simm.s32 $_size_execute0_lowered;
	s4 =	sadd.s32 s4, s6;
	[dreg:$0x0] =	wrdreg $0x0  }
0xb7: {  	s6 =	sshll.u32 s28, $0x1;
	[dreg:$0x2] =	wrdreg s4  }
0xb8: {  	[dreg:$0x3] =	wrdreg s6  }
0xb9: {  	[dreg:$0x4] =	wrdreg $0xC0  }
0xba: {  	_ =	task [dreg:s22], $0x5FFFF  }
0xbb: {  	[dreg:$0x1] =	wrdreg $0xFFFFFFFF  }
0xbc: {  	[dreg:$0x0] =	wrdreg $0x60  }
0xbd: {  	[dreg:$0x2] =	wrdreg s18  }
0xbe: {  	[dreg:$0x3] =	wrdreg s24  }
0xbf: {  	[dreg:$0x4] =	wrdreg $0xB  }
0xc0: {  	_ =	task.clear_ibuf [dreg:s22], $0x5FFFF;
	_ =	strace $0x9000004C  }
0xc1: {  	s29 =	simm.s32 $0xB;
	_ =	strace $0x8000004E  }
0xc2: {  	_ =	swait.ge [sflag:s29], $0x1  }
0xc3: {  	[sflag:s29] =	ssyncadd.s32 $0xFFFFFFFF  }
0xc4: {  	_ =	strace $0x9000004E  }
0xc5: {  	_ =	sfence  }
0xc6: {  	s30 =	sld [smem:$0x0];
	_ =	sdelay $0x2  }
0xc7: {  	s31 =	sshll.u32 s1, $0xD;
	s1 =	sshrl.u32 s1, $0x2  }
0xc8: {  	s4 =	sand.u32 $0x4000, s31;
	s1 =	sadd.s32 s1, s30  }
0xc9: {  	s0 =	sor.u32 s4, s0;
	s1 =	sshll.u32 s1, $0x11  }
0xca: {  	s0 =	sor.u32 s1, s0  }
0xcb: {  	s0 =	sadd.s32 $0x8F2B, s0  }
0xcc: {  	[sflag:s0] =	ssyncadd.remote.s32 $0x1  }
0xcd: {  	_ =	sfence.sel $0xFFFF  }
0xce: {  	[dreg:$0x0] =	wrdreg $0xFFFFFFFF;
	(pc) =	sbr.abs _section_cstart, $3  }
0xcf: {  	[dreg:$0x1] =	wrdreg $0xFFFFFFFF  }
0xd0: {  	_ =	task.clear_ibuf [dreg:s22], $0x2FFFF;
	_ =	strace $0x9FFFFFFF  }
0xd1: {  	(tm) =	ssettm $0x7FFFFFFF  }
tec
execute0_lowered:
.L_overlay_start_1:
0x0: {  	(tag) =	ssettag $0x1  }
0x1: {  	s0 =	srdreg.scid  }
0x2: {  	s2 =	rddreg [dreg:$0x0];
	s9 =	stileid.u32  }
0x3: {  	s1 =	rddreg [dreg:$0x1];
	s3 =	simm.s32 $0x0;
	s22 =	simm.s32 $0x100  }
0x4: {  	s20 =	simm.s32 $0x2900;
	s11 =	simm.s32 $0x3100;
	s13 =	simm.s32 $0x3900  }
0x5: {  	s31 =	simm.s32 $0x4100;
	s15 =	simm.s32 $0x4900;
	s16 =	simm.s32 $0x5100  }
0x6: {  	s17 =	simm.s32 $0x5900;
	s18 =	simm.s32 $0x6100;
	s19 =	simm.s32 $0x6900  }
0x7: {  	s14 =	simm.s32 $0x7100;
	s12 =	simm.s32 $0xC100;
	s21 =	simm.s32 $0x1  }
0x8: {  	s28 =	simm.s32 $0x6;
	s29 =	simm.s32 $0x7;
	s30 =	simm.s32 $0x8  }
0x9: {  	s0 =	sand.u32 $0x1, s0;
	s4 =	sshll.u32 s9, $0x9;
	[smem:$0x7FF] =	sst s3  }
0xa: {  	s9 =	sshll.u32 s9, $0x10;
	s5 =	sshll.u32 s0, $0x8;
	s6 =	ssub.s32 $0x2, s0  }
0xb: {  	_ =	strace $0x8000004D;
	s4 =	sor.u32 s5, s4;
	s7 =	sshrl.u32 s6, $0x1  }
0xc: {  	s0 =	sshll.u32 s0, $0xF;
	s5 =	sshrl.u32 s4, $0x3;
	s8 =	ssub.s32 s6, s7  }
0xd: {  	s6 =	sadd.s32 $0x200, s2;
	s4 =	sshll.u32 s4, $0x7;
	s7 =	sadd.s32 $0x300, s2  }
0xe: {  	s5 =	sadd.s32 s5, s1;
	s1 =	sadd.s32 $0x202C00, s1;
	s26 =	smax.u32 s8, $0x1  }
0xf: {  	s5 =	sadd.s32 $0x202800, s5;
	s4 =	sadd.s32 s4, s1;
	[dreg:$0x9] =	wrdreg s26  }
0x10: {  	s8 =	simm.s32 $0x1100;
	[dreg:$0x4] =	wrdreg s5;
	s10 =	sadd.s32 $0x6000, s4  }
0x11: {  	s1 =	sadd.s32 s9, s1;
	s23 =	sadd.s32 $0x6800, s4;
	[dreg:$0x5] =	wrdreg s10  }
0x12: {  	s9 =	simm.s32 $0x2100;
	s24 =	sadd.s32 $0x7000, s4;
	[dreg:$0x6] =	wrdreg s23  }
0x13: {  	s26 =	simm.s32 $0x5;
	s25 =	sadd.s32 $0x7800, s4;
	[dreg:$0x7] =	wrdreg s24  }
0x14: {  	s5 =	sadd.s32 $0x100, s2;
	s0 =	sadd.s32 s0, s1;
	[dreg:$0x8] =	wrdreg s25  }
0x15: {  	v2 =	vlaneseq.u32;
	s4 =	simm.s32 $0x900;
	s1 =	simm.s32 $0x1900;
	[dreg:$0x3] =	wrdreg s0  }
0x16: {  	vm0 =	vmmov $0xffff;
	v1 =	vshrl.u32 v2, $0x3;
	s10 =	simm.s32 $0x8100;
	s23 =	simm.s32 $0x2;
	s0 =	simm.s32 $0x0  }
0x17: {  	v0 =	vand.u32 $0x7, v2;
	v2 =	vor.u32 $0x8, v2;
	v1 =	vmul.u32 $0x8, v1;
	s24 =	simm.s32 $0x3;
	s25 =	simm.s32 $0x4;
	[dreg:$0xa] =	wrdreg s0  }
.LBB2_1:
0x18: {  	s0 =	rddreg [dreg:$0x4]  }
0x19: {  	[tilespmem:s3], [sflag:$0x9] =	stream.linear.gather [hbm4b:s0+s3], $0x100, $0x38;
	[tilespmem:$0x10100] =	vst v63  }
0x1a: {  	s0 =	simm.s32 $0x9  }
0x1b: {  	_ =	swait.ge [sflag:s0], $0x100  }
0x1c: {  	[sflag:s0] =	ssyncset.done $0x0  }
0x1d: {  	[sflag:s0] =	ssyncadd.s32 $0xFFFFFF00  }
0x1e: {  	v3 =	vld [tilespmem:$0x0];
	_ =	sdelay $0x4  }
0x1f: {  	v4 =	vshll.u32 v3, $0x3  }
0x20: {  	v3 =	vand.u32 $0x7, v3;
	v4 =	vand.u32 $0xFFFFFFC0, v4  }
0x21: {  	v3 =	vor.u32 v3, v4  }
0x22: {  	v4 =	vperm.xlane v3, v0;
	_ =	sdelay $0x1  }
0x23: {  	v4 =	vadd.s32 v1, v4;
	_ =	sdelay $0x4  }
0x24: {  	[tilespmem:s22], [sflag:$0x1] =	stream.indirect_vreg.gather [hbm4b:s2+s3], $0x80, v4, vm0, $0xb8;
	[tilespmem:$0x10100] =	vst v63  }
0x25: {  	v3 =	vperm.xlane v3, v2  }
0x26: {  	[tilespmem:s4], [sflag:$0x1] =	stream.indirect_vreg.gather [hbm4b:s5+s3], $0x80, v4, vm0, $0xb8;
	[tilespmem:$0x10100] =	vst v63  }
0x27: {  	v3 =	vadd.s32 v1, v3  }
0x28: {  	[tilespmem:s8], [sflag:$0x1] =	stream.indirect_vreg.gather [hbm4b:s6+s3], $0x80, v4, vm0, $0xb8;
	[tilespmem:$0x10100] =	vst v63  }
0x29: {  	_ = 	snop  }
0x2a: {  	[tilespmem:s1], [sflag:$0x1] =	stream.indirect_vreg.gather [hbm4b:s7+s3], $0x80, v4, vm0, $0xb8;
	[tilespmem:$0x10100] =	vst v63  }
0x2b: {  	_ = 	snop  }
0x2c: {  	[tilespmem:s9], [sflag:$0x1] =	stream.indirect_vreg.gather [hbm4b:s2+s3], $0x80, v3, vm0, $0xb8;
	[tilespmem:$0x10100] =	vst v63  }
0x2d: {  	_ = 	snop  }
0x2e: {  	[tilespmem:s20], [sflag:$0x1] =	stream.indirect_vreg.gather [hbm4b:s5+s3], $0x80, v3, vm0, $0xb8;
	[tilespmem:$0x10100] =	vst v63  }
0x2f: {  	_ = 	snop  }
0x30: {  	[tilespmem:s11], [sflag:$0x1] =	stream.indirect_vreg.gather [hbm4b:s6+s3], $0x80, v3, vm0, $0xb8;
	[tilespmem:$0x10100] =	vst v63  }
0x31: {  	_ = 	snop  }
0x32: {  	[tilespmem:s13], [sflag:$0x1] =	stream.indirect_vreg.gather [hbm4b:s7+s3], $0x80, v3, vm0, $0xb8;
	[tilespmem:$0x10100] =	vst v63  }
0x33: {  	v3 =	vld [tilespmem:$0x10];
	_ =	sdelay $0x4  }
0x34: {  	v61 =	vshll.u32 v3, $0x3  }
0x35: {  	v3 =	vand.u32 $0x7, v3;
	v4 =	vand.u32 $0xFFFFFFC0, v61  }
0x36: {  	v3 =	vor.u32 v3, v4  }
0x37: {  	v4 =	vperm.xlane v3, v0;
	_ =	sdelay $0x1  }
0x38: {  	v4 =	vadd.s32 v1, v4;
	_ =	sdelay $0x4  }
0x39: {  	[tilespmem:s31], [sflag:$0x2] =	stream.indirect_vreg.gather [hbm4b:s2+s3], $0x80, v4, vm0, $0xb8;
	[tilespmem:$0x10100] =	vst v63  }
0x3a: {  	v3 =	vperm.xlane v3, v2  }
0x3b: {  	[tilespmem:s15], [sflag:$0x2] =	stream.indirect_vreg.gather [hbm4b:s5+s3], $0x80, v4, vm0, $0xb8;
	[tilespmem:$0x10100] =	vst v63  }
0x3c: {  	v3 =	vadd.s32 v1, v3  }
0x3d: {  	[tilespmem:s16], [sflag:$0x2] =	stream.indirect_vreg.gather [hbm4b:s6+s3], $0x80, v4, vm0, $0xb8;
	[tilespmem:$0x10100] =	vst v63  }
0x3e: {  	_ = 	snop  }
0x3f: {  	[tilespmem:s17], [sflag:$0x2] =	stream.indirect_vreg.gather [hbm4b:s7+s3], $0x80, v4, vm0, $0xb8;
	[tilespmem:$0x10100] =	vst v63  }
0x40: {  	_ = 	snop  }
0x41: {  	[tilespmem:s18], [sflag:$0x2] =	stream.indirect_vreg.gather [hbm4b:s2+s3], $0x80, v3, vm0, $0xb8;
	[tilespmem:$0x10100] =	vst v63  }
0x42: {  	_ = 	snop  }
0x43: {  	[tilespmem:s19], [sflag:$0x2] =	stream.indirect_vreg.gather [hbm4b:s5+s3], $0x80, v3, vm0, $0xb8;
	[tilespmem:$0x10100] =	vst v63  }
0x44: {  	_ = 	snop  }
0x45: {  	[tilespmem:s14], [sflag:$0x2] =	stream.indirect_vreg.gather [hbm4b:s6+s3], $0x80, v3, vm0, $0xb8;
	[tilespmem:$0x10100] =	vst v63  }
0x46: {  	s11 =	simm.s32 $0x7900  }
0x47: {  	[tilespmem:s11], [sflag:$0x2] =	stream.indirect_vreg.gather [hbm4b:s7+s3], $0x80, v3, vm0, $0xb8;
	[tilespmem:$0x10100] =	vst v63  }
0x48: {  	v3 =	vld [tilespmem:$0x20];
	_ =	sdelay $0x4  }
0x49: {  	v62 =	vshll.u32 v3, $0x3  }
0x4a: {  	v3 =	vand.u32 $0x7, v3;
	v4 =	vand.u32 $0xFFFFFFC0, v62  }
0x4b: {  	v3 =	vor.u32 v3, v4  }
0x4c: {  	v4 =	vperm.xlane v3, v0;
	_ =	sdelay $0x1  }
0x4d: {  	v4 =	vadd.s32 v1, v4;
	_ =	sdelay $0x4  }
0x4e: {  	[tilespmem:s10], [sflag:$0x3] =	stream.indirect_vreg.gather [hbm4b:s2+s3], $0x80, v4, vm0, $0xb8;
	[tilespmem:$0x10100] =	vst v63  }
0x4f: {  	s13 =	simm.s32 $0x8900;
	v3 =	vperm.xlane v3, v2  }
0x50: {  	[tilespmem:s13], [sflag:$0x3] =	stream.indirect_vreg.gather [hbm4b:s5+s3], $0x80, v4, vm0, $0xb8;
	[tilespmem:$0x10100] =	vst v63  }
0x51: {  	s14 =	simm.s32 $0x9100;
	v3 =	vadd.s32 v1, v3  }
0x52: {  	[tilespmem:s14], [sflag:$0x3] =	stream.indirect_vreg.gather [hbm4b:s6+s3], $0x80, v4, vm0, $0xb8;
	[tilespmem:$0x10100] =	vst v63  }
0x53: {  	s15 =	simm.s32 $0x9900  }
0x54: {  	[tilespmem:s15], [sflag:$0x3] =	stream.indirect_vreg.gather [hbm4b:s7+s3], $0x80, v4, vm0, $0xb8;
	[tilespmem:$0x10100] =	vst v63  }
0x55: {  	s16 =	simm.s32 $0xA100  }
0x56: {  	[tilespmem:s16], [sflag:$0x3] =	stream.indirect_vreg.gather [hbm4b:s2+s3], $0x80, v3, vm0, $0xb8;
	[tilespmem:$0x10100] =	vst v63  }
0x57: {  	s17 =	simm.s32 $0xA900  }
0x58: {  	[tilespmem:s17], [sflag:$0x3] =	stream.indirect_vreg.gather [hbm4b:s5+s3], $0x80, v3, vm0, $0xb8;
	[tilespmem:$0x10100] =	vst v63  }
0x59: {  	s18 =	simm.s32 $0xB100  }
0x5a: {  	[tilespmem:s18], [sflag:$0x3] =	stream.indirect_vreg.gather [hbm4b:s6+s3], $0x80, v3, vm0, $0xb8;
	[tilespmem:$0x10100] =	vst v63  }
0x5b: {  	s19 =	simm.s32 $0xB900  }
0x5c: {  	[tilespmem:s19], [sflag:$0x3] =	stream.indirect_vreg.gather [hbm4b:s7+s3], $0x80, v3, vm0, $0xb8;
	[tilespmem:$0x10100] =	vst v63  }
0x5d: {  	v3 =	vld [tilespmem:$0x30];
	_ =	sdelay $0x4  }
0x5e: {  	v63 =	vshll.u32 v3, $0x3  }
0x5f: {  	v3 =	vand.u32 $0x7, v3;
	v4 =	vand.u32 $0xFFFFFFC0, v63  }
0x60: {  	v3 =	vor.u32 v3, v4  }
0x61: {  	v4 =	vperm.xlane v3, v0;
	_ =	sdelay $0x1  }
0x62: {  	v4 =	vadd.s32 v1, v4;
	_ =	sdelay $0x4  }
0x63: {  	[tilespmem:s12], [sflag:$0x4] =	stream.indirect_vreg.gather [hbm4b:s2+s3], $0x80, v4, vm0, $0xb8;
	[tilespmem:$0x10100] =	vst v63  }
0x64: {  	s20 =	simm.s32 $0xC900;
	v3 =	vperm.xlane v3, v2  }
0x65: {  	[tilespmem:s20], [sflag:$0x4] =	stream.indirect_vreg.gather [hbm4b:s5+s3], $0x80, v4, vm0, $0xb8;
	[tilespmem:$0x10100] =	vst v63  }
0x66: {  	s22 =	simm.s32 $0xD100;
	v3 =	vadd.s32 v1, v3  }
0x67: {  	[tilespmem:s22], [sflag:$0x4] =	stream.indirect_vreg.gather [hbm4b:s6+s3], $0x80, v4, vm0, $0xb8;
	[tilespmem:$0x10100] =	vst v63  }
0x68: {  	s31 =	simm.s32 $0xD900  }
0x69: {  	[tilespmem:s31], [sflag:$0x4] =	stream.indirect_vreg.gather [hbm4b:s7+s3], $0x80, v4, vm0, $0xb8;
	[tilespmem:$0x10100] =	vst v63  }
0x6a: {  	s0 =	simm.s32 $0x0;
	s16 =	simm.s32 $0xE100  }
0x6b: {  	[tilespmem:s16], [sflag:$0x4] =	stream.indirect_vreg.gather [hbm4b:s2+s3], $0x80, v3, vm0, $0xb8;
	[tilespmem:$0x10100] =	vst v63  }
0x6c: {  	s1 =	simm.s32 $0x70;
	s9 =	simm.s32 $0xF900;
	s18 =	simm.s32 $0xE900  }
0x6d: {  	[tilespmem:s18], [sflag:$0x4] =	stream.indirect_vreg.gather [hbm4b:s5+s3], $0x80, v3, vm0, $0xb8;
	[tilespmem:$0x10100] =	vst v63  }
0x6e: {  	s11 =	simm.s32 $0x2900;
	s14 =	simm.s32 $0x7100;
	s20 =	simm.s32 $0xF100  }
0x6f: {  	[tilespmem:s20], [sflag:$0x4] =	stream.indirect_vreg.gather [hbm4b:s6+s3], $0x80, v3, vm0, $0xb8;
	[tilespmem:$0x10100] =	vst v63  }
0x70: {  	s15 =	simm.s32 $0x3900;
	s17 =	simm.s32 $0x5100;
	s19 =	simm.s32 $0x6100  }
0x71: {  	[tilespmem:s9], [sflag:$0x4] =	stream.indirect_vreg.gather [hbm4b:s7+s3], $0x80, v3, vm0, $0xb8;
	[tilespmem:$0x10100] =	vst v63  }
.LBB2_2:
0x72: {  	_ =	swait.ge [sflag:s21], $0x4000  }
0x73: {  	s4 =	rddreg [dreg:$0x3];
	[sflag:s21] =	ssyncset.done $0x0  }
0x74: {  	s31 =	simm.s32 $0x100;
	[sflag:s21] =	ssyncadd.s32 $0xFFFFC000;
	s4 =	sadd.s32 s0, s4  }
0x75: {  	[hbm4b:s4+s3] =	stream.linear.scatter [tilespmem:s31], [sflag:$0x5], $0x4000, $0x38;
	[tilespmem:$0x10100] =	vst v63  }
0x76: {  	_ =	swait.ge [sflag:s23], $0x4000  }
0x77: {  	[sflag:s23] =	ssyncset.done $0x0  }
0x78: {  	s10 =	simm.s32 $0x4100;
	s8 =	sadd.s32 $0x800, s4;
	[sflag:s23] =	ssyncadd.s32 $0xFFFFC000  }
0x79: {  	[hbm4b:s8+s3] =	stream.linear.scatter [tilespmem:s10], [sflag:$0x6], $0x4000, $0x38;
	[tilespmem:$0x10100] =	vst v63  }
0x7a: {  	_ =	swait.ge [sflag:s24], $0x4000  }
0x7b: {  	[sflag:s24] =	ssyncset.done $0x0  }
0x7c: {  	s13 =	simm.s32 $0x8100;
	s22 =	sadd.s32 $0x1000, s4;
	[sflag:s24] =	ssyncadd.s32 $0xFFFFC000  }
0x7d: {  	[hbm4b:s22+s3] =	stream.linear.scatter [tilespmem:s13], [sflag:$0x7], $0x4000, $0x38;
	[tilespmem:$0x10100] =	vst v63  }
0x7e: {  	_ =	swait.ge [sflag:s25], $0x4000  }
0x7f: {  	[sflag:s25] =	ssyncset.done $0x0  }
0x80: {  	s4 =	sadd.s32 $0x1800, s4;
	[sflag:s25] =	ssyncadd.s32 $0xFFFFC000  }
0x81: {  	[hbm4b:s4+s3] =	stream.linear.scatter [tilespmem:s12], [sflag:$0x8], $0x4000, $0x38;
	[tilespmem:$0x10100] =	vst v63  }
0x82: {  	_ =	swait.ge [sflag:s26], $0x4000  }
0x83: {  	[sflag:s26] =	ssyncset.done $0x0  }
0x84: {  	[sflag:s26] =	ssyncadd.s32 $0xFFFFC000  }
0x85: {  	v3 =	vld [tilespmem:s1+$0xFFFFFFD0];
	_ =	sdelay $0x4  }
0x86: {  	v4 =	vshll.u32 v3, $0x3  }
0x87: {  	v3 =	vand.u32 $0x7, v3;
	v4 =	vand.u32 $0xFFFFFFC0, v4  }
0x88: {  	v3 =	vor.u32 v3, v4  }
0x89: {  	v4 =	vperm.xlane v3, v0;
	_ =	sdelay $0x1  }
0x8a: {  	v4 =	vadd.s32 v1, v4;
	_ =	sdelay $0x4  }
0x8b: {  	[tilespmem:s31], [sflag:$0x1] =	stream.indirect_vreg.gather [hbm4b:s2+s3], $0x80, v4, vm0, $0xb8;
	[tilespmem:$0x10100] =	vst v63  }
0x8c: {  	s4 =	simm.s32 $0x900;
	v3 =	vperm.xlane v3, v2  }
0x8d: {  	[tilespmem:s4], [sflag:$0x1] =	stream.indirect_vreg.gather [hbm4b:s5+s3], $0x80, v4, vm0, $0xb8;
	[tilespmem:$0x10100] =	vst v63  }
0x8e: {  	s8 =	simm.s32 $0x1100;
	v3 =	vadd.s32 v1, v3  }
0x8f: {  	[tilespmem:s8], [sflag:$0x1] =	stream.indirect_vreg.gather [hbm4b:s6+s3], $0x80, v4, vm0, $0xb8;
	[tilespmem:$0x10100] =	vst v63  }
0x90: {  	s31 =	simm.s32 $0x1900  }
0x91: {  	[tilespmem:s31], [sflag:$0x1] =	stream.indirect_vreg.gather [hbm4b:s7+s3], $0x80, v4, vm0, $0xb8;
	[tilespmem:$0x10100] =	vst v63  }
0x92: {  	s31 =	simm.s32 $0x2100  }
0x93: {  	[tilespmem:s31], [sflag:$0x1] =	stream.indirect_vreg.gather [hbm4b:s2+s3], $0x80, v3, vm0, $0xb8;
	[tilespmem:$0x10100] =	vst v63  }
0x94: {  	_ = 	snop  }
0x95: {  	[tilespmem:s11], [sflag:$0x1] =	stream.indirect_vreg.gather [hbm4b:s5+s3], $0x80, v3, vm0, $0xb8;
	[tilespmem:$0x10100] =	vst v63  }
0x96: {  	s31 =	simm.s32 $0x3100  }
0x97: {  	[tilespmem:s31], [sflag:$0x1] =	stream.indirect_vreg.gather [hbm4b:s6+s3], $0x80, v3, vm0, $0xb8;
	[tilespmem:$0x10100] =	vst v63  }
0x98: {  	_ = 	snop  }
0x99: {  	[tilespmem:s15], [sflag:$0x1] =	stream.indirect_vreg.gather [hbm4b:s7+s3], $0x80, v3, vm0, $0xb8;
	[tilespmem:$0x10100] =	vst v63  }
0x9a: {  	_ =	swait.ge [sflag:s28], $0x4000  }
0x9b: {  	[sflag:s28] =	ssyncset.done $0x0  }
0x9c: {  	[sflag:s28] =	ssyncadd.s32 $0xFFFFC000  }
0x9d: {  	v3 =	vld [tilespmem:s1+$0xFFFFFFE0];
	_ =	sdelay $0x4  }
0x9e: {  	v61 =	vshll.u32 v3, $0x3  }
0x9f: {  	v3 =	vand.u32 $0x7, v3;
	v4 =	vand.u32 $0xFFFFFFC0, v61  }
0xa0: {  	v3 =	vor.u32 v3, v4  }
0xa1: {  	v4 =	vperm.xlane v3, v0;
	_ =	sdelay $0x1  }
0xa2: {  	v4 =	vadd.s32 v1, v4;
	_ =	sdelay $0x4  }
0xa3: {  	[tilespmem:s10], [sflag:$0x2] =	stream.indirect_vreg.gather [hbm4b:s2+s3], $0x80, v4, vm0, $0xb8;
	[tilespmem:$0x10100] =	vst v63  }
0xa4: {  	v3 =	vperm.xlane v3, v2;
	s10 =	simm.s32 $0x4900  }
0xa5: {  	[tilespmem:s10], [sflag:$0x2] =	stream.indirect_vreg.gather [hbm4b:s5+s3], $0x80, v4, vm0, $0xb8;
	[tilespmem:$0x10100] =	vst v63  }
0xa6: {  	v3 =	vadd.s32 v1, v3  }
0xa7: {  	[tilespmem:s17], [sflag:$0x2] =	stream.indirect_vreg.gather [hbm4b:s6+s3], $0x80, v4, vm0, $0xb8;
	[tilespmem:$0x10100] =	vst v63  }
0xa8: {  	s10 =	simm.s32 $0x5900  }
0xa9: {  	[tilespmem:s10], [sflag:$0x2] =	stream.indirect_vreg.gather [hbm4b:s7+s3], $0x80, v4, vm0, $0xb8;
	[tilespmem:$0x10100] =	vst v63  }
0xaa: {  	_ = 	snop  }
0xab: {  	[tilespmem:s19], [sflag:$0x2] =	stream.indirect_vreg.gather [hbm4b:s2+s3], $0x80, v3, vm0, $0xb8;
	[tilespmem:$0x10100] =	vst v63  }
0xac: {  	s10 =	simm.s32 $0x6900  }
0xad: {  	[tilespmem:s10], [sflag:$0x2] =	stream.indirect_vreg.gather [hbm4b:s5+s3], $0x80, v3, vm0, $0xb8;
	[tilespmem:$0x10100] =	vst v63  }
0xae: {  	_ = 	snop  }
0xaf: {  	[tilespmem:s14], [sflag:$0x2] =	stream.indirect_vreg.gather [hbm4b:s6+s3], $0x80, v3, vm0, $0xb8;
	[tilespmem:$0x10100] =	vst v63  }
0xb0: {  	s10 =	simm.s32 $0x7900  }
0xb1: {  	[tilespmem:s10], [sflag:$0x2] =	stream.indirect_vreg.gather [hbm4b:s7+s3], $0x80, v3, vm0, $0xb8;
	[tilespmem:$0x10100] =	vst v63  }
0xb2: {  	_ =	swait.ge [sflag:s29], $0x4000  }
0xb3: {  	[sflag:s29] =	ssyncset.done $0x0  }
0xb4: {  	[sflag:s29] =	ssyncadd.s32 $0xFFFFC000  }
0xb5: {  	v3 =	vld [tilespmem:s1+$0xFFFFFFF0];
	_ =	sdelay $0x4  }
0xb6: {  	v62 =	vshll.u32 v3, $0x3  }
0xb7: {  	v3 =	vand.u32 $0x7, v3;
	v4 =	vand.u32 $0xFFFFFFC0, v62  }
0xb8: {  	v3 =	vor.u32 v3, v4  }
0xb9: {  	v4 =	vperm.xlane v3, v0;
	_ =	sdelay $0x1  }
0xba: {  	v4 =	vadd.s32 v1, v4;
	_ =	sdelay $0x4  }
0xbb: {  	[tilespmem:s13], [sflag:$0x3] =	stream.indirect_vreg.gather [hbm4b:s2+s3], $0x80, v4, vm0, $0xb8;
	[tilespmem:$0x10100] =	vst v63  }
0xbc: {  	v3 =	vperm.xlane v3, v2;
	s13 =	simm.s32 $0x8900  }
0xbd: {  	[tilespmem:s13], [sflag:$0x3] =	stream.indirect_vreg.gather [hbm4b:s5+s3], $0x80, v4, vm0, $0xb8;
	[tilespmem:$0x10100] =	vst v63  }
0xbe: {  	v3 =	vadd.s32 v1, v3;
	s13 =	simm.s32 $0x9100  }
0xbf: {  	[tilespmem:s13], [sflag:$0x3] =	stream.indirect_vreg.gather [hbm4b:s6+s3], $0x80, v4, vm0, $0xb8;
	[tilespmem:$0x10100] =	vst v63  }
0xc0: {  	s13 =	simm.s32 $0x9900  }
0xc1: {  	[tilespmem:s13], [sflag:$0x3] =	stream.indirect_vreg.gather [hbm4b:s7+s3], $0x80, v4, vm0, $0xb8;
	[tilespmem:$0x10100] =	vst v63  }
0xc2: {  	s13 =	simm.s32 $0xA100  }
0xc3: {  	[tilespmem:s13], [sflag:$0x3] =	stream.indirect_vreg.gather [hbm4b:s2+s3], $0x80, v3, vm0, $0xb8;
	[tilespmem:$0x10100] =	vst v63  }
0xc4: {  	s13 =	simm.s32 $0xA900  }
0xc5: {  	[tilespmem:s13], [sflag:$0x3] =	stream.indirect_vreg.gather [hbm4b:s5+s3], $0x80, v3, vm0, $0xb8;
	[tilespmem:$0x10100] =	vst v63  }
0xc6: {  	s13 =	simm.s32 $0xB100  }
0xc7: {  	[tilespmem:s13], [sflag:$0x3] =	stream.indirect_vreg.gather [hbm4b:s6+s3], $0x80, v3, vm0, $0xb8;
	[tilespmem:$0x10100] =	vst v63  }
0xc8: {  	s13 =	simm.s32 $0xB900  }
0xc9: {  	[tilespmem:s13], [sflag:$0x3] =	stream.indirect_vreg.gather [hbm4b:s7+s3], $0x80, v3, vm0, $0xb8;
	[tilespmem:$0x10100] =	vst v63  }
0xca: {  	_ =	swait.ge [sflag:s30], $0x4000  }
0xcb: {  	[sflag:s30] =	ssyncset.done $0x0  }
0xcc: {  	[sflag:s30] =	ssyncadd.s32 $0xFFFFC000  }
0xcd: {  	v3 =	vld [tilespmem:s1+$0x0];
	_ =	sdelay $0x4  }
0xce: {  	v63 =	vshll.u32 v3, $0x3  }
0xcf: {  	v3 =	vand.u32 $0x7, v3;
	v4 =	vand.u32 $0xFFFFFFC0, v63  }
0xd0: {  	v3 =	vor.u32 v3, v4  }
0xd1: {  	v4 =	vperm.xlane v3, v0;
	_ =	sdelay $0x1  }
0xd2: {  	v4 =	vadd.s32 v1, v4;
	_ =	sdelay $0x4  }
0xd3: {  	[tilespmem:s12], [sflag:$0x4] =	stream.indirect_vreg.gather [hbm4b:s2+s3], $0x80, v4, vm0, $0xb8;
	[tilespmem:$0x10100] =	vst v63  }
0xd4: {  	s13 =	simm.s32 $0xC900;
	v3 =	vperm.xlane v3, v2  }
0xd5: {  	[tilespmem:s13], [sflag:$0x4] =	stream.indirect_vreg.gather [hbm4b:s5+s3], $0x80, v4, vm0, $0xb8;
	[tilespmem:$0x10100] =	vst v63  }
0xd6: {  	v3 =	vadd.s32 v1, v3;
	s13 =	simm.s32 $0xD100  }
0xd7: {  	[tilespmem:s13], [sflag:$0x4] =	stream.indirect_vreg.gather [hbm4b:s6+s3], $0x80, v4, vm0, $0xb8;
	[tilespmem:$0x10100] =	vst v63  }
0xd8: {  	s13 =	simm.s32 $0xD900  }
0xd9: {  	[tilespmem:s13], [sflag:$0x4] =	stream.indirect_vreg.gather [hbm4b:s7+s3], $0x80, v4, vm0, $0xb8;
	[tilespmem:$0x10100] =	vst v63  }
0xda: {  	_ = 	snop  }
0xdb: {  	[tilespmem:s16], [sflag:$0x4] =	stream.indirect_vreg.gather [hbm4b:s2+s3], $0x80, v3, vm0, $0xb8;
	[tilespmem:$0x10100] =	vst v63  }
0xdc: {  	p0 =	sne.s32 s0, $0x4000  }
0xdd: {  	[tilespmem:s18], [sflag:$0x4] =	stream.indirect_vreg.gather [hbm4b:s5+s3], $0x80, v3, vm0, $0xb8;
	[tilespmem:$0x10100] =	vst v63  }
.Ltmp0:
0xde: {  	_ = 	snop;
	(pc) =	sbr.rel @p0 .LBB2_2-.Ltmp0, $4  }
0xdf: {  	s0 =	sadd.s32 $0x2000, s0;
	s22 =	simm.s32 $0x100  }
0xe0: {  	[tilespmem:s20], [sflag:$0x4] =	stream.indirect_vreg.gather [hbm4b:s6+s3], $0x80, v3, vm0, $0xb8;
	[tilespmem:$0x10100] =	vst v63  }
0xe1: {  	s31 =	simm.s32 $0x4100;
	s10 =	simm.s32 $0x8100;
	s1 =	sadd.s32 $0x40, s1  }
0xe2: {  	[tilespmem:s9], [sflag:$0x4] =	stream.indirect_vreg.gather [hbm4b:s7+s3], $0x80, v3, vm0, $0xb8;
	[tilespmem:$0x10100] =	vst v63  }
0xe3: {  	_ =	swait.ge [sflag:s21], $0x4000  }
0xe4: {  	[sflag:s21] =	ssyncset.done $0x0  }
0xe5: {  	s0 =	rddreg [dreg:$0x5];
	[sflag:s21] =	ssyncadd.s32 $0xFFFFC000  }
0xe6: {  	[hbm4b:s0+s3] =	stream.linear.scatter [tilespmem:s22], [sflag:$0x5], $0x4000, $0x38;
	[tilespmem:$0x10100] =	vst v63  }
0xe7: {  	_ =	swait.ge [sflag:s23], $0x4000  }
0xe8: {  	[sflag:s23] =	ssyncset.done $0x0  }
0xe9: {  	s17 =	rddreg [dreg:$0x6];
	[sflag:s23] =	ssyncadd.s32 $0xFFFFC000  }
0xea: {  	[hbm4b:s17+s3] =	stream.linear.scatter [tilespmem:s31], [sflag:$0x6], $0x4000, $0x38;
	[tilespmem:$0x10100] =	vst v63  }
0xeb: {  	_ =	swait.ge [sflag:s24], $0x4000  }
0xec: {  	[sflag:s24] =	ssyncset.done $0x0  }
0xed: {  	s18 =	rddreg [dreg:$0x7];
	[sflag:s24] =	ssyncadd.s32 $0xFFFFC000  }
0xee: {  	[hbm4b:s18+s3] =	stream.linear.scatter [tilespmem:s10], [sflag:$0x7], $0x4000, $0x38;
	[tilespmem:$0x10100] =	vst v63  }
0xef: {  	_ =	swait.ge [sflag:s25], $0x4000  }
0xf0: {  	[sflag:s25] =	ssyncset.done $0x0  }
0xf1: {  	s19 =	rddreg [dreg:$0x8];
	[sflag:s25] =	ssyncadd.s32 $0xFFFFC000  }
0xf2: {  	[hbm4b:s19+s3] =	stream.linear.scatter [tilespmem:s12], [sflag:$0x8], $0x4000, $0x38;
	[tilespmem:$0x10100] =	vst v63  }
0xf3: {  	_ =	swait.ge [sflag:s26], $0x4000  }
0xf4: {  	[sflag:s26] =	ssyncset.done $0x0  }
0xf5: {  	[sflag:s26] =	ssyncadd.s32 $0xFFFFC000  }
0xf6: {  	_ =	swait.ge [sflag:s28], $0x4000  }
0xf7: {  	[sflag:s28] =	ssyncset.done $0x0  }
0xf8: {  	[sflag:s28] =	ssyncadd.s32 $0xFFFFC000  }
0xf9: {  	_ =	swait.ge [sflag:s29], $0x4000  }
0xfa: {  	[sflag:s29] =	ssyncset.done $0x0  }
0xfb: {  	[sflag:s29] =	ssyncadd.s32 $0xFFFFC000  }
0xfc: {  	_ =	swait.ge [sflag:s30], $0x4000  }
0xfd: {  	s1 =	rddreg [dreg:$0xa]  }
0xfe: {  	s20 =	rddreg [dreg:$0x9];
	s1 =	sadd.s32 $0x1, s1  }
0xff: {  	p0 =	sne.s32 s1, s20  }
.Ltmp1:
0x100: {  	s9 =	simm.s32 $0x2100;
	s11 =	simm.s32 $0x3100;
	(pc) =	sbr.rel @p0 .LBB2_1-.Ltmp1, $4  }
0x101: {  	s13 =	simm.s32 $0x3900;
	s15 =	simm.s32 $0x4900;
	s16 =	simm.s32 $0x5100  }
0x102: {  	s14 =	simm.s32 $0x7100;
	s17 =	simm.s32 $0x5900;
	[sflag:s30] =	ssyncset.done $0x0  }
0x103: {  	s18 =	simm.s32 $0x6100;
	s19 =	simm.s32 $0x6900;
	[sflag:s30] =	ssyncadd.s32 $0xFFFFC000  }
0x104: {  	[dreg:$0xa] =	wrdreg s1;
	s1 =	simm.s32 $0x1900;
	s20 =	simm.s32 $0x2900  }
0x105: {  	_ =	sfence.sel $0x180000  }
0x106: {  	[bflag:$0x0] =	sbarrier.arrive $0xFFFF  }
0x107: {  	_ =	strace $0x9000004D  }
0x108: {  	s0 =	stileid.u32;
	[bflag:$0x2] =	sbarrier.arrive $0xFFFF  }
0x109: {  	p0 =	sne.s32 s0, $0x0;
	s0 =	rddreg [dreg:$0x2]  }
0x10a: {  	s0 =	sadd.s32 @!p0 $0x100000, s0  }
0x10b: {  	[sflag:s0] =	ssyncadd.tile.s32 @!p0 $0x1;
	_ =	shalt  }
.Lfunc_end2:
_tile_overlayer_lowered:
.L_overlay_start_2:
0x10c: {  	(tag) =	ssettag $0x2  }
0x10d: {  	s0 =	rddreg [dreg:$0x0];
	s2 =	stileid.u32  }
0x10e: {  	s1 =	rddreg [dreg:$0x1];
	p0 =	sne.s32 s2, $0x0  }
0x10f: {  	s3 =	rddreg [dreg:$0x2];
	[bflag:$0x3] =	sbarrier.arrive $0xFFFF;
	s2 =	simm.s32 @!p0 $0x1C09  }
0x110: {  	[timem:s3], [sflag:s2] =	dma.local @!p0 [hbm:s0], s1  }
0x111: {  	s0 =	simm.s32 @!p0 $0x9  }
0x112: {  	_ =	swait.ge @!p0 [sflag:s0], s1  }
0x113: {  	s1 =	ssub.s32 @!p0 $0x0, s1;
	[sflag:s0] =	ssyncset.done @!p0 $0x0  }
0x114: {  	[sflag:s0] =	ssyncadd.s32 @!p0 s1  }
0x115: {  	[bflag:$0x3] =	sbarrier.arrive $0xFFFF  }
0x116: {  	_ =	shalt  }

// kernel: kernel.19.cloned.1.call-start
scs
__scs_entry_jumppad:
0x0: {  	(pc) =	sbr.rel $0x88, $3  }
0x1: {  	(tag) =	ssettag $0x0;
	lr =	simm.s32 $0x1  }
0x2: {  	[smem:$0x3F9D] =	sst lr;
	_ =	strace $0xD0000000  }
0x3: {  	_ = 	snop  }
0x4: {  	_ = 	snop  }
0x5: {  	_ = 	snop  }
0x6: {  	_ = 	snop  }
0x7: {  	_ = 	snop  }
__scs_overlays_trampoline_lowered:
0x8: {  	[smem:$0x3FAC] =	sst s0  }
0x9: {  	[smem:$0x3FAD] =	sst s1  }
0xa: {  	[smem:$0x3FAE] =	sst s2  }
0xb: {  	[smem:$0x3FAF] =	sst s3  }
0xc: {  	[smem:$0x3FB0] =	sst s4  }
0xd: {  	[smem:$0x3FB1] =	sst s5  }
0xe: {  	[smem:$0x3FB2] =	sst s6  }
0xf: {  	[smem:$0x3FB3] =	sst s7  }
0x10: {  	[smem:$0x3FB4] =	sst s8  }
0x11: {  	[smem:$0x3FB5] =	sst s9;
	s0 =	simm.s32 @!p0 $0x0  }
0x12: {  	s1 =	sld [smem:$0x3F9B];
	s0 =	simm.s32 @p0 $0x1  }
0x13: {  	[smem:$0x3FB6] =	sst s0;
	s0 =	simm.s32 @!p1 $0x0  }
0x14: {  	s2 =	sld [smem:$0x3F9A];
	s0 =	simm.s32 @p1 $0x1  }
0x15: {  	[smem:$0x3FB7] =	sst s0;
	s0 =	simm.s32 @!p2 $0x0  }
0x16: {  	s3 =	sld [smem:$0x3FDB];
	s0 =	simm.s32 @p2 $0x1  }
0x17: {  	s4 =	simm.s32 $0x1BF5;
	[smem:$0x3FB9] =	sst s0  }
0x18: {  	s0 =	sld [smem:$0x3F9C];
	_ =	swait.ge [sflag:s4], $0x0  }
0x19: {  	s7 =	sld [smem:$0x3F9D]  }
0x1a: {  	s8 =	sadd.s32 $0xFFFFE003, lr  }
0x1b: {  	s9 =	sadd.s32 $0xFFFFFEF7, lr;
	s5 =	simm.s32 $0xFFFFFFFF;
	p2 =	slt.u32 s8, $0xFFFFF086  }
0x1c: {  	p1 =	slt.u32 s9, $0xF7A;
	s5 =	simm.s32 @!p2 $0x0  }
0x1d: {  	s5 =	simm.s32 @p1 $0x1;
	p0 =	seq.s32 s7, s2  }
0x1e: {  	s7 =	smul.u32 @!p0 $0xF7A, s2;
	p2 =	seq.s32 @!p0 s5, $0x0  }
0x1f: {  	s9 =	smul.u32 $0xF7A, s1;
	s8 =	simm.s32 @!p0 $0x1BF5;
	p2 =	por !p2, p0  }
0x20: {  	[sflag:s8] =	ssyncset.s32 @!p0 $0xFFFFF086;
	s6 =	sadd.s32 @!p0 s3, s7;
	s7 =	simm.s32 @!p0 $0x108  }
0x21: {  	s3 =	sadd.s32 s3, s9;
	s6 =	sadd.s32 @!p0 $0x88, s6;
	s7 =	simm.s32 @p2 $0x1082  }
0x22: {  	[simem:s7], [sflag:s8] =	dma.local @!p0 [hbm:s6], $0xF7A  }
0x23: {  	s9 =	sor.u32 $0xD0000000, s2;
	s6 =	simm.s32 $0x108;
	_ =	swait.ge @!p0 [sflag:s8], $0x0  }
0x24: {  	s3 =	sadd.s32 $0x88, s3;
	s6 =	simm.s32 @!p1 $0x1082;
	[sflag:s4] =	ssyncset.s32 $0xFFFFF086  }
0x25: {  	[simem:s6], [sflag:s4] =	dma.local [hbm:s3], $0xF7A  }
0x26: {  	[smem:$0x3F9D] =	sst s1;
	(tag) =	ssettag s2;
	_ =	strace s9  }
0x27: {  	s1 =	sld [smem:$0x3FAD]  }
0x28: {  	s2 =	sld [smem:$0x3FAE]  }
0x29: {  	s4 =	sld [smem:$0x3FB0]  }
0x2a: {  	p0 =	seq.s32 s5, $0x0;
	s5 =	sld [smem:$0x3FB1]  }
0x2b: {  	s6 =	sld [smem:$0x3FB2]  }
0x2c: {  	s7 =	sld [smem:$0x3FB3]  }
0x2d: {  	s3 =	simm.s32 $0x108;
	s8 =	sld [smem:$0x3FB4]  }
0x2e: {  	s3 =	simm.s32 @!p0 $0x1082;
	s9 =	sld [smem:$0x3FB5]  }
0x2f: {  	lr =	sadd.s32 s0, s3;
	s0 =	sld [smem:$0x3FAC]  }
0x30: {  	s3 =	sld [smem:$0x3FAF]  }
0x31: {  	[smem:$0x3FB8] =	sst s10  }
0x32: {  	s10 =	sld [smem:$0x3FB6];
	_ =	sdelay $0x3  }
0x33: {  	p0 =	seq.s32 s10, $0x1;
	s10 =	sld [smem:$0x3FB8];
	_ =	sdelay $0x3  }
0x34: {  	[smem:$0x3FB8] =	sst s10  }
0x35: {  	s10 =	sld [smem:$0x3FB7];
	_ =	sdelay $0x3  }
0x36: {  	p1 =	seq.s32 s10, $0x1;
	s10 =	sld [smem:$0x3FB8];
	_ =	sdelay $0x3  }
0x37: {  	[smem:$0x3FB8] =	sst s10  }
0x38: {  	s10 =	sld [smem:$0x3FB9]  }
0x39: {  	_ = 	snop;
	(pc) =	sbr.ind lr, $3  }
0x3a: {  	_ = 	snop  }
0x3b: {  	_ = 	snop  }
0x3c: {  	p2 =	seq.s32 s10, $0x1;
	s10 =	sld [smem:$0x3FB8]  }
0x3d: {  	_ =	shalt  }
0x3e: {  	_ =	shalt  }
0x3f: {  	_ =	shalt  }
0x40: {  	_ =	shalt  }
0x41: {  	_ =	shalt  }
0x42: {  	_ =	shalt  }
0x43: {  	_ =	shalt  }
0x44: {  	_ =	shalt  }
0x45: {  	_ =	shalt  }
0x46: {  	_ =	shalt  }
0x47: {  	_ =	shalt  }
0x48: {  	_ =	shalt  }
0x49: {  	_ =	shalt  }
0x4a: {  	_ =	shalt  }
0x4b: {  	_ =	shalt  }
0x4c: {  	_ =	shalt  }
0x4d: {  	_ =	shalt  }
0x4e: {  	_ =	shalt  }
0x4f: {  	_ =	shalt  }
0x50: {  	_ =	shalt  }
0x51: {  	_ =	shalt  }
0x52: {  	_ =	shalt  }
0x53: {  	_ =	shalt  }
0x54: {  	_ =	shalt  }
0x55: {  	_ =	shalt  }
0x56: {  	_ =	shalt  }
0x57: {  	_ =	shalt  }
0x58: {  	_ =	shalt  }
0x59: {  	_ =	shalt  }
0x5a: {  	_ =	shalt  }
0x5b: {  	_ =	shalt  }
0x5c: {  	_ =	shalt  }
0x5d: {  	_ =	shalt  }
0x5e: {  	_ =	shalt  }
0x5f: {  	_ =	shalt  }
0x60: {  	_ =	shalt  }
0x61: {  	_ =	shalt  }
0x62: {  	_ =	shalt  }
0x63: {  	_ =	shalt  }
0x64: {  	_ =	shalt  }
0x65: {  	_ =	shalt  }
0x66: {  	_ =	shalt  }
0x67: {  	_ =	shalt  }
0x68: {  	_ =	shalt  }
0x69: {  	_ =	shalt  }
0x6a: {  	_ =	shalt  }
0x6b: {  	_ =	shalt  }
0x6c: {  	_ =	shalt  }
0x6d: {  	_ =	shalt  }
0x6e: {  	_ =	shalt  }
0x6f: {  	_ =	shalt  }
0x70: {  	_ =	shalt  }
0x71: {  	_ =	shalt  }
0x72: {  	_ =	shalt  }
0x73: {  	_ =	shalt  }
0x74: {  	_ =	shalt  }
0x75: {  	_ =	shalt  }
0x76: {  	_ =	shalt  }
0x77: {  	_ =	shalt  }
0x78: {  	_ =	shalt  }
0x79: {  	_ =	shalt  }
0x7a: {  	_ =	shalt  }
0x7b: {  	_ =	shalt  }
0x7c: {  	_ =	shalt  }
0x7d: {  	_ =	shalt  }
0x7e: {  	_ =	shalt  }
0x7f: {  	_ =	shalt  }
0x80: {  	_ =	shalt  }
0x81: {  	_ =	shalt  }
0x82: {  	_ =	shalt  }
0x83: {  	_ =	shalt  }
0x84: {  	_ =	shalt  }
0x85: {  	_ =	shalt  }
0x86: {  	_ =	shalt  }
0x87: {  	_ =	shalt  }
.Lfunc_end0:
.L_simem_size_0:
called_computation.3_lowered:
.L_overlay_start_0:
0x88: {  	s2 =	sld [smem:$0x3FD9]  }
0x89: {  	s3 =	sld [smem:$0x3FFE];
	_ =	sdelay $0x1  }
0x8a: {  	s1 =	srdreg.scid  }
0x8b: {  	s0 =	sand.u32 $0x1, s1  }
0x8c: {  	s17 =	sshll.u32 s0, $0xA;
	s2 =	sadd.s32 s3, s2  }
0x8d: {  	s2 =	sadd.s32 s2, s17  }
0x8e: {  	[smem:$0x3FC4] =	sst s2  }
0x8f: {  	_ = 	snop  }
0x90: {  	s18 =	sld [smem:$0x3FC8];
	(tm) =	ssettm $0x1  }
0x91: {  	s19 =	sld [smem:$0x3FFB];
	_ =	sdelay $0x3  }
0x92: {  	_ =	strace s19  }
0x93: {  	s2 =	sld [smem:$0x3FFC];
	_ =	sdelay $0x3  }
0x94: {  	_ =	strace s2  }
0x95: {  	s2 =	sld [smem:$0x3FFD];
	_ =	sdelay $0x3  }
0x96: {  	_ =	strace s2  }
0x97: {  	_ =	strace $0x8FFFFFFF  }
0x98: {  	s20 =	sld [smem:$0x3FDB];
	_ =	sdelay $0x1  }
0x99: {  	s4 =	simm.s32 $_scs_section_size  }
0x9a: {  	s5 =	simm.s32 $_size__tile_overlayer_lowered;
	s6 =	simm.s32 $_tile_overlayer_lowered  }
0x9b: {  	s7 =	simm.s32 $0x1BFF;
	s21 =	sshll.u32 s6, $0x1;
	s4 =	sadd.s32 s4, s20  }
0x9c: {  	s22 =	simm.s32 $0x0;
	s5 =	sshll.u32 s5, $0x1;
	s6 =	sadd.s32 s21, s4  }
0x9d: {  	[timem:s22], [sflag:s7] =	dma.local [hbm:s6], s5  }
0x9e: {  	_ =	swait.ge [sflag:s7], s5  }
0x9f: {  	s5 =	ssub.s32 $0x0, s5;
	[sflag:s7] =	ssyncset.done $0x0  }
0xa0: {  	[sflag:s7] =	ssyncadd.s32 s5;
	_ =	sdelay $0x1  }
0xa1: {  	s23 =	simm.s32 $0x1B8B  }
0xa2: {  	_ =	swait.ge [sflag:s23], $0x1  }
0xa3: {  	[sflag:s23] =	ssyncset.done $0x0  }
0xa4: {  	[sflag:s23] =	ssyncadd.s32 $0xFFFFFFFF  }
0xa5: {  	s5 =	sld [smem:$0x0]  }
0xa6: {  	s6 =	sand.u32 $0xFFFFFFFE, s1  }
0xa7: {  	p0 =	sne.s32 s1, s6  }
0xa8: {  	s6 =	sshll.u32 @p0 s6, $0xE  }
0xa9: {  	s6 =	sadd.s32 @p0 $0x11B8D, s6;
	s7 =	sshll.u32 @p0 s5, $0x11  }
0xaa: {  	s6 =	sor.u32 @p0 s7, s6  }
0xab: {  	[sflag:s6] =	ssyncadd.remote.s32 @p0 $0x1;
	_ =	sdelay $0x1  }
0xac: {  	s6 =	simm.s32 @p0 $0x1B8D  }
0xad: {  	_ =	swait.eq @p0 [sflag:s6], $0x1  }
0xae: {  	[sflag:s6] =	ssyncadd.s32 @p0 $0xFFFFFFFF  }
0xaf: {  	s7 =	sshll.u32 @!p0 s1, $0xE  }
0xb0: {  	s7 =	sor.u32 @!p0 $0x4000, s7;
	s6 =	simm.s32 @!p0 $0x1B8D  }
0xb1: {  	s5 =	sshll.u32 @!p0 s5, $0x11;
	s7 =	sadd.s32 @!p0 $0x11B8D, s7;
	_ =	swait.eq @!p0 [sflag:s6], $0x1  }
0xb2: {  	s5 =	sor.u32 @!p0 s5, s7;
	[sflag:s6] =	ssyncadd.s32 @!p0 $0xFFFFFFFF  }
0xb3: {  	s25 =	simm.s32 $0x1B8E;
	s24 =	sld [smem:$0x3FFE];
	[sflag:s5] =	ssyncadd.remote.s32 @!p0 $0x1  }
0xb4: {  	s26 =	simm.s32 $execute0_lowered;
	[smem:$0x3FD2] =	sst s25  }
0xb5: {  	s6 =	sshll.u32 s26, $0x1;
	_ =	strace $0x8000004F;
	[dreg:$0x1] =	wrdreg $0xFFFFFFFF  }
0xb6: {  	s28 =	simm.s32 $_size_execute0_lowered;
	s4 =	sadd.s32 s4, s6;
	[dreg:$0x0] =	wrdreg $0x0  }
0xb7: {  	s6 =	sshll.u32 s28, $0x1;
	[dreg:$0x2] =	wrdreg s4  }
0xb8: {  	[dreg:$0x3] =	wrdreg s6  }
0xb9: {  	[dreg:$0x4] =	wrdreg $0xC0  }
0xba: {  	_ =	task [dreg:s22], $0x5FFFF  }
0xbb: {  	[dreg:$0x1] =	wrdreg $0xFFFFFFFF  }
0xbc: {  	[dreg:$0x0] =	wrdreg $0x60  }
0xbd: {  	[dreg:$0x2] =	wrdreg s18  }
0xbe: {  	[dreg:$0x3] =	wrdreg s24  }
0xbf: {  	[dreg:$0x4] =	wrdreg $0xC  }
0xc0: {  	_ =	task.clear_ibuf [dreg:s22], $0x5FFFF;
	_ =	strace $0x9000004F  }
0xc1: {  	s29 =	simm.s32 $0xC;
	_ =	strace $0x80000051  }
0xc2: {  	_ =	swait.ge [sflag:s29], $0x1  }
0xc3: {  	[sflag:s29] =	ssyncadd.s32 $0xFFFFFFFF  }
0xc4: {  	_ =	strace $0x90000051  }
0xc5: {  	_ =	sfence  }
0xc6: {  	s30 =	sld [smem:$0x0];
	_ =	sdelay $0x2  }
0xc7: {  	s31 =	sshll.u32 s1, $0xD;
	s1 =	sshrl.u32 s1, $0x2  }
0xc8: {  	s4 =	sand.u32 $0x4000, s31;
	s1 =	sadd.s32 s1, s30  }
0xc9: {  	s0 =	sor.u32 s4, s0;
	s1 =	sshll.u32 s1, $0x11  }
0xca: {  	s0 =	sor.u32 s1, s0  }
0xcb: {  	s0 =	sadd.s32 $0x8F2B, s0  }
0xcc: {  	[sflag:s0] =	ssyncadd.remote.s32 $0x1  }
0xcd: {  	_ =	sfence.sel $0xFFFF  }
0xce: {  	[dreg:$0x0] =	wrdreg $0xFFFFFFFF;
	(pc) =	sbr.abs _section_cstart, $3  }
0xcf: {  	[dreg:$0x1] =	wrdreg $0xFFFFFFFF  }
0xd0: {  	_ =	task.clear_ibuf [dreg:s22], $0x2FFFF;
	_ =	strace $0x9FFFFFFF  }
0xd1: {  	(tm) =	ssettm $0x7FFFFFFF  }
tec
execute0_lowered:
.L_overlay_start_1:
0x0: {  	(tag) =	ssettag $0x1  }
0x1: {  	s0 =	srdreg.scid  }
0x2: {  	s2 =	rddreg [dreg:$0x0];
	s9 =	stileid.u32  }
0x3: {  	s1 =	rddreg [dreg:$0x1];
	s3 =	simm.s32 $0x0;
	s22 =	simm.s32 $0x100  }
0x4: {  	s20 =	simm.s32 $0x2900;
	s11 =	simm.s32 $0x3100;
	s13 =	simm.s32 $0x3900  }
0x5: {  	s31 =	simm.s32 $0x4100;
	s15 =	simm.s32 $0x4900;
	s16 =	simm.s32 $0x5100  }
0x6: {  	s17 =	simm.s32 $0x5900;
	s18 =	simm.s32 $0x6100;
	s19 =	simm.s32 $0x6900  }
0x7: {  	s14 =	simm.s32 $0x7100;
	s12 =	simm.s32 $0xC100;
	s21 =	simm.s32 $0x1  }
0x8: {  	s28 =	simm.s32 $0x6;
	s29 =	simm.s32 $0x7;
	s30 =	simm.s32 $0x8  }
0x9: {  	s0 =	sand.u32 $0x1, s0;
	s4 =	sshll.u32 s9, $0x9;
	[smem:$0x7FF] =	sst s3  }
0xa: {  	s9 =	sshll.u32 s9, $0x10;
	s5 =	sshll.u32 s0, $0x8;
	s6 =	ssub.s32 $0x2, s0  }
0xb: {  	_ =	strace $0x80000050;
	s4 =	sor.u32 s5, s4;
	s7 =	sshrl.u32 s6, $0x1  }
0xc: {  	s0 =	sshll.u32 s0, $0xF;
	s5 =	sshrl.u32 s4, $0x3;
	s8 =	ssub.s32 s6, s7  }
0xd: {  	s6 =	sadd.s32 $0x200, s2;
	s4 =	sshll.u32 s4, $0x7;
	s7 =	sadd.s32 $0x300, s2  }
0xe: {  	s5 =	sadd.s32 s5, s1;
	s1 =	sadd.s32 $0x302C00, s1;
	s26 =	smax.u32 s8, $0x1  }
0xf: {  	s5 =	sadd.s32 $0x102000, s5;
	s4 =	sadd.s32 s4, s1;
	[dreg:$0x9] =	wrdreg s26  }
0x10: {  	s8 =	simm.s32 $0x1100;
	[dreg:$0x4] =	wrdreg s5;
	s10 =	sadd.s32 $0x6000, s4  }
0x11: {  	s1 =	sadd.s32 s9, s1;
	s23 =	sadd.s32 $0x6800, s4;
	[dreg:$0x5] =	wrdreg s10  }
0x12: {  	s9 =	simm.s32 $0x2100;
	s24 =	sadd.s32 $0x7000, s4;
	[dreg:$0x6] =	wrdreg s23  }
0x13: {  	s26 =	simm.s32 $0x5;
	s25 =	sadd.s32 $0x7800, s4;
	[dreg:$0x7] =	wrdreg s24  }
0x14: {  	s5 =	sadd.s32 $0x100, s2;
	s0 =	sadd.s32 s0, s1;
	[dreg:$0x8] =	wrdreg s25  }
0x15: {  	v2 =	vlaneseq.u32;
	s4 =	simm.s32 $0x900;
	s1 =	simm.s32 $0x1900;
	[dreg:$0x3] =	wrdreg s0  }
0x16: {  	vm0 =	vmmov $0xffff;
	v1 =	vshrl.u32 v2, $0x3;
	s10 =	simm.s32 $0x8100;
	s23 =	simm.s32 $0x2;
	s0 =	simm.s32 $0x0  }
0x17: {  	v0 =	vand.u32 $0x7, v2;
	v2 =	vor.u32 $0x8, v2;
	v1 =	vmul.u32 $0x8, v1;
	s24 =	simm.s32 $0x3;
	s25 =	simm.s32 $0x4;
	[dreg:$0xa] =	wrdreg s0  }
.LBB2_1:
0x18: {  	s0 =	rddreg [dreg:$0x4]  }
0x19: {  	[tilespmem:s3], [sflag:$0x9] =	stream.linear.gather [hbm4b:s0+s3], $0x100, $0x38;
	[tilespmem:$0x10100] =	vst v63  }
0x1a: {  	s0 =	simm.s32 $0x9  }
0x1b: {  	_ =	swait.ge [sflag:s0], $0x100  }
0x1c: {  	[sflag:s0] =	ssyncset.done $0x0  }
0x1d: {  	[sflag:s0] =	ssyncadd.s32 $0xFFFFFF00  }
0x1e: {  	v3 =	vld [tilespmem:$0x0];
	_ =	sdelay $0x4  }
0x1f: {  	v4 =	vshll.u32 v3, $0x3  }
0x20: {  	v3 =	vand.u32 $0x7, v3;
	v4 =	vand.u32 $0xFFFFFFC0, v4  }
0x21: {  	v3 =	vor.u32 v3, v4  }
0x22: {  	v4 =	vperm.xlane v3, v0;
	_ =	sdelay $0x1  }
0x23: {  	v4 =	vadd.s32 v1, v4;
	_ =	sdelay $0x4  }
0x24: {  	[tilespmem:s22], [sflag:$0x1] =	stream.indirect_vreg.gather [hbm4b:s2+s3], $0x80, v4, vm0, $0xb8;
	[tilespmem:$0x10100] =	vst v63  }
0x25: {  	v3 =	vperm.xlane v3, v2  }
0x26: {  	[tilespmem:s4], [sflag:$0x1] =	stream.indirect_vreg.gather [hbm4b:s5+s3], $0x80, v4, vm0, $0xb8;
	[tilespmem:$0x10100] =	vst v63  }
0x27: {  	v3 =	vadd.s32 v1, v3  }
0x28: {  	[tilespmem:s8], [sflag:$0x1] =	stream.indirect_vreg.gather [hbm4b:s6+s3], $0x80, v4, vm0, $0xb8;
	[tilespmem:$0x10100] =	vst v63  }
0x29: {  	_ = 	snop  }
0x2a: {  	[tilespmem:s1], [sflag:$0x1] =	stream.indirect_vreg.gather [hbm4b:s7+s3], $0x80, v4, vm0, $0xb8;
	[tilespmem:$0x10100] =	vst v63  }
0x2b: {  	_ = 	snop  }
0x2c: {  	[tilespmem:s9], [sflag:$0x1] =	stream.indirect_vreg.gather [hbm4b:s2+s3], $0x80, v3, vm0, $0xb8;
	[tilespmem:$0x10100] =	vst v63  }
0x2d: {  	_ = 	snop  }
0x2e: {  	[tilespmem:s20], [sflag:$0x1] =	stream.indirect_vreg.gather [hbm4b:s5+s3], $0x80, v3, vm0, $0xb8;
	[tilespmem:$0x10100] =	vst v63  }
0x2f: {  	_ = 	snop  }
0x30: {  	[tilespmem:s11], [sflag:$0x1] =	stream.indirect_vreg.gather [hbm4b:s6+s3], $0x80, v3, vm0, $0xb8;
	[tilespmem:$0x10100] =	vst v63  }
0x31: {  	_ = 	snop  }
0x32: {  	[tilespmem:s13], [sflag:$0x1] =	stream.indirect_vreg.gather [hbm4b:s7+s3], $0x80, v3, vm0, $0xb8;
	[tilespmem:$0x10100] =	vst v63  }
0x33: {  	v3 =	vld [tilespmem:$0x10];
	_ =	sdelay $0x4  }
0x34: {  	v61 =	vshll.u32 v3, $0x3  }
0x35: {  	v3 =	vand.u32 $0x7, v3;
	v4 =	vand.u32 $0xFFFFFFC0, v61  }
0x36: {  	v3 =	vor.u32 v3, v4  }
0x37: {  	v4 =	vperm.xlane v3, v0;
	_ =	sdelay $0x1  }
0x38: {  	v4 =	vadd.s32 v1, v4;
	_ =	sdelay $0x4  }
0x39: {  	[tilespmem:s31], [sflag:$0x2] =	stream.indirect_vreg.gather [hbm4b:s2+s3], $0x80, v4, vm0, $0xb8;
	[tilespmem:$0x10100] =	vst v63  }
0x3a: {  	v3 =	vperm.xlane v3, v2  }
0x3b: {  	[tilespmem:s15], [sflag:$0x2] =	stream.indirect_vreg.gather [hbm4b:s5+s3], $0x80, v4, vm0, $0xb8;
	[tilespmem:$0x10100] =	vst v63  }
0x3c: {  	v3 =	vadd.s32 v1, v3  }
0x3d: {  	[tilespmem:s16], [sflag:$0x2] =	stream.indirect_vreg.gather [hbm4b:s6+s3], $0x80, v4, vm0, $0xb8;
	[tilespmem:$0x10100] =	vst v63  }
0x3e: {  	_ = 	snop  }
0x3f: {  	[tilespmem:s17], [sflag:$0x2] =	stream.indirect_vreg.gather [hbm4b:s7+s3], $0x80, v4, vm0, $0xb8;
	[tilespmem:$0x10100] =	vst v63  }
0x40: {  	_ = 	snop  }
0x41: {  	[tilespmem:s18], [sflag:$0x2] =	stream.indirect_vreg.gather [hbm4b:s2+s3], $0x80, v3, vm0, $0xb8;
	[tilespmem:$0x10100] =	vst v63  }
0x42: {  	_ = 	snop  }
0x43: {  	[tilespmem:s19], [sflag:$0x2] =	stream.indirect_vreg.gather [hbm4b:s5+s3], $0x80, v3, vm0, $0xb8;
	[tilespmem:$0x10100] =	vst v63  }
0x44: {  	_ = 	snop  }
0x45: {  	[tilespmem:s14], [sflag:$0x2] =	stream.indirect_vreg.gather [hbm4b:s6+s3], $0x80, v3, vm0, $0xb8;
	[tilespmem:$0x10100] =	vst v63  }
0x46: {  	s11 =	simm.s32 $0x7900  }
0x47: {  	[tilespmem:s11], [sflag:$0x2] =	stream.indirect_vreg.gather [hbm4b:s7+s3], $0x80, v3, vm0, $0xb8;
	[tilespmem:$0x10100] =	vst v63  }
0x48: {  	v3 =	vld [tilespmem:$0x20];
	_ =	sdelay $0x4  }
0x49: {  	v62 =	vshll.u32 v3, $0x3  }
0x4a: {  	v3 =	vand.u32 $0x7, v3;
	v4 =	vand.u32 $0xFFFFFFC0, v62  }
0x4b: {  	v3 =	vor.u32 v3, v4  }
0x4c: {  	v4 =	vperm.xlane v3, v0;
	_ =	sdelay $0x1  }
0x4d: {  	v4 =	vadd.s32 v1, v4;
	_ =	sdelay $0x4  }
0x4e: {  	[tilespmem:s10], [sflag:$0x3] =	stream.indirect_vreg.gather [hbm4b:s2+s3], $0x80, v4, vm0, $0xb8;
	[tilespmem:$0x10100] =	vst v63  }
0x4f: {  	s13 =	simm.s32 $0x8900;
	v3 =	vperm.xlane v3, v2  }
0x50: {  	[tilespmem:s13], [sflag:$0x3] =	stream.indirect_vreg.gather [hbm4b:s5+s3], $0x80, v4, vm0, $0xb8;
	[tilespmem:$0x10100] =	vst v63  }
0x51: {  	s14 =	simm.s32 $0x9100;
	v3 =	vadd.s32 v1, v3  }
0x52: {  	[tilespmem:s14], [sflag:$0x3] =	stream.indirect_vreg.gather [hbm4b:s6+s3], $0x80, v4, vm0, $0xb8;
	[tilespmem:$0x10100] =	vst v63  }
0x53: {  	s15 =	simm.s32 $0x9900  }
0x54: {  	[tilespmem:s15], [sflag:$0x3] =	stream.indirect_vreg.gather [hbm4b:s7+s3], $0x80, v4, vm0, $0xb8;
	[tilespmem:$0x10100] =	vst v63  }
0x55: {  	s16 =	simm.s32 $0xA100  }
0x56: {  	[tilespmem:s16], [sflag:$0x3] =	stream.indirect_vreg.gather [hbm4b:s2+s3], $0x80, v3, vm0, $0xb8;
	[tilespmem:$0x10100] =	vst v63  }
0x57: {  	s17 =	simm.s32 $0xA900  }
0x58: {  	[tilespmem:s17], [sflag:$0x3] =	stream.indirect_vreg.gather [hbm4b:s5+s3], $0x80, v3, vm0, $0xb8;
	[tilespmem:$0x10100] =	vst v63  }
0x59: {  	s18 =	simm.s32 $0xB100  }
0x5a: {  	[tilespmem:s18], [sflag:$0x3] =	stream.indirect_vreg.gather [hbm4b:s6+s3], $0x80, v3, vm0, $0xb8;
	[tilespmem:$0x10100] =	vst v63  }
0x5b: {  	s19 =	simm.s32 $0xB900  }
0x5c: {  	[tilespmem:s19], [sflag:$0x3] =	stream.indirect_vreg.gather [hbm4b:s7+s3], $0x80, v3, vm0, $0xb8;
	[tilespmem:$0x10100] =	vst v63  }
0x5d: {  	v3 =	vld [tilespmem:$0x30];
	_ =	sdelay $0x4  }
0x5e: {  	v63 =	vshll.u32 v3, $0x3  }
0x5f: {  	v3 =	vand.u32 $0x7, v3;
	v4 =	vand.u32 $0xFFFFFFC0, v63  }
0x60: {  	v3 =	vor.u32 v3, v4  }
0x61: {  	v4 =	vperm.xlane v3, v0;
	_ =	sdelay $0x1  }
0x62: {  	v4 =	vadd.s32 v1, v4;
	_ =	sdelay $0x4  }
0x63: {  	[tilespmem:s12], [sflag:$0x4] =	stream.indirect_vreg.gather [hbm4b:s2+s3], $0x80, v4, vm0, $0xb8;
	[tilespmem:$0x10100] =	vst v63  }
0x64: {  	s20 =	simm.s32 $0xC900;
	v3 =	vperm.xlane v3, v2  }
0x65: {  	[tilespmem:s20], [sflag:$0x4] =	stream.indirect_vreg.gather [hbm4b:s5+s3], $0x80, v4, vm0, $0xb8;
	[tilespmem:$0x10100] =	vst v63  }
0x66: {  	s22 =	simm.s32 $0xD100;
	v3 =	vadd.s32 v1, v3  }
0x67: {  	[tilespmem:s22], [sflag:$0x4] =	stream.indirect_vreg.gather [hbm4b:s6+s3], $0x80, v4, vm0, $0xb8;
	[tilespmem:$0x10100] =	vst v63  }
0x68: {  	s31 =	simm.s32 $0xD900  }
0x69: {  	[tilespmem:s31], [sflag:$0x4] =	stream.indirect_vreg.gather [hbm4b:s7+s3], $0x80, v4, vm0, $0xb8;
	[tilespmem:$0x10100] =	vst v63  }
0x6a: {  	s0 =	simm.s32 $0x0;
	s16 =	simm.s32 $0xE100  }
0x6b: {  	[tilespmem:s16], [sflag:$0x4] =	stream.indirect_vreg.gather [hbm4b:s2+s3], $0x80, v3, vm0, $0xb8;
	[tilespmem:$0x10100] =	vst v63  }
0x6c: {  	s1 =	simm.s32 $0x70;
	s9 =	simm.s32 $0xF900;
	s18 =	simm.s32 $0xE900  }
0x6d: {  	[tilespmem:s18], [sflag:$0x4] =	stream.indirect_vreg.gather [hbm4b:s5+s3], $0x80, v3, vm0, $0xb8;
	[tilespmem:$0x10100] =	vst v63  }
0x6e: {  	s11 =	simm.s32 $0x2900;
	s14 =	simm.s32 $0x7100;
	s20 =	simm.s32 $0xF100  }
0x6f: {  	[tilespmem:s20], [sflag:$0x4] =	stream.indirect_vreg.gather [hbm4b:s6+s3], $0x80, v3, vm0, $0xb8;
	[tilespmem:$0x10100] =	vst v63  }
0x70: {  	s15 =	simm.s32 $0x3900;
	s17 =	simm.s32 $0x5100;
	s19 =	simm.s32 $0x6100  }
0x71: {  	[tilespmem:s9], [sflag:$0x4] =	stream.indirect_vreg.gather [hbm4b:s7+s3], $0x80, v3, vm0, $0xb8;
	[tilespmem:$0x10100] =	vst v63  }
.LBB2_2:
0x72: {  	_ =	swait.ge [sflag:s21], $0x4000  }
0x73: {  	s4 =	rddreg [dreg:$0x3];
	[sflag:s21] =	ssyncset.done $0x0  }
0x74: {  	s31 =	simm.s32 $0x100;
	[sflag:s21] =	ssyncadd.s32 $0xFFFFC000;
	s4 =	sadd.s32 s0, s4  }
0x75: {  	[hbm4b:s4+s3] =	stream.linear.scatter [tilespmem:s31], [sflag:$0x5], $0x4000, $0x38;
	[tilespmem:$0x10100] =	vst v63  }
0x76: {  	_ =	swait.ge [sflag:s23], $0x4000  }
0x77: {  	[sflag:s23] =	ssyncset.done $0x0  }
0x78: {  	s10 =	simm.s32 $0x4100;
	s8 =	sadd.s32 $0x800, s4;
	[sflag:s23] =	ssyncadd.s32 $0xFFFFC000  }
0x79: {  	[hbm4b:s8+s3] =	stream.linear.scatter [tilespmem:s10], [sflag:$0x6], $0x4000, $0x38;
	[tilespmem:$0x10100] =	vst v63  }
0x7a: {  	_ =	swait.ge [sflag:s24], $0x4000  }
0x7b: {  	[sflag:s24] =	ssyncset.done $0x0  }
0x7c: {  	s13 =	simm.s32 $0x8100;
	s22 =	sadd.s32 $0x1000, s4;
	[sflag:s24] =	ssyncadd.s32 $0xFFFFC000  }
0x7d: {  	[hbm4b:s22+s3] =	stream.linear.scatter [tilespmem:s13], [sflag:$0x7], $0x4000, $0x38;
	[tilespmem:$0x10100] =	vst v63  }
0x7e: {  	_ =	swait.ge [sflag:s25], $0x4000  }
0x7f: {  	[sflag:s25] =	ssyncset.done $0x0  }
0x80: {  	s4 =	sadd.s32 $0x1800, s4;
	[sflag:s25] =	ssyncadd.s32 $0xFFFFC000  }
0x81: {  	[hbm4b:s4+s3] =	stream.linear.scatter [tilespmem:s12], [sflag:$0x8], $0x4000, $0x38;
	[tilespmem:$0x10100] =	vst v63  }
0x82: {  	_ =	swait.ge [sflag:s26], $0x4000  }
0x83: {  	[sflag:s26] =	ssyncset.done $0x0  }
0x84: {  	[sflag:s26] =	ssyncadd.s32 $0xFFFFC000  }
0x85: {  	v3 =	vld [tilespmem:s1+$0xFFFFFFD0];
	_ =	sdelay $0x4  }
0x86: {  	v4 =	vshll.u32 v3, $0x3  }
0x87: {  	v3 =	vand.u32 $0x7, v3;
	v4 =	vand.u32 $0xFFFFFFC0, v4  }
0x88: {  	v3 =	vor.u32 v3, v4  }
0x89: {  	v4 =	vperm.xlane v3, v0;
	_ =	sdelay $0x1  }
0x8a: {  	v4 =	vadd.s32 v1, v4;
	_ =	sdelay $0x4  }
0x8b: {  	[tilespmem:s31], [sflag:$0x1] =	stream.indirect_vreg.gather [hbm4b:s2+s3], $0x80, v4, vm0, $0xb8;
	[tilespmem:$0x10100] =	vst v63  }
0x8c: {  	s4 =	simm.s32 $0x900;
	v3 =	vperm.xlane v3, v2  }
0x8d: {  	[tilespmem:s4], [sflag:$0x1] =	stream.indirect_vreg.gather [hbm4b:s5+s3], $0x80, v4, vm0, $0xb8;
	[tilespmem:$0x10100] =	vst v63  }
0x8e: {  	s8 =	simm.s32 $0x1100;
	v3 =	vadd.s32 v1, v3  }
0x8f: {  	[tilespmem:s8], [sflag:$0x1] =	stream.indirect_vreg.gather [hbm4b:s6+s3], $0x80, v4, vm0, $0xb8;
	[tilespmem:$0x10100] =	vst v63  }
0x90: {  	s31 =	simm.s32 $0x1900  }
0x91: {  	[tilespmem:s31], [sflag:$0x1] =	stream.indirect_vreg.gather [hbm4b:s7+s3], $0x80, v4, vm0, $0xb8;
	[tilespmem:$0x10100] =	vst v63  }
0x92: {  	s31 =	simm.s32 $0x2100  }
0x93: {  	[tilespmem:s31], [sflag:$0x1] =	stream.indirect_vreg.gather [hbm4b:s2+s3], $0x80, v3, vm0, $0xb8;
	[tilespmem:$0x10100] =	vst v63  }
0x94: {  	_ = 	snop  }
0x95: {  	[tilespmem:s11], [sflag:$0x1] =	stream.indirect_vreg.gather [hbm4b:s5+s3], $0x80, v3, vm0, $0xb8;
	[tilespmem:$0x10100] =	vst v63  }
0x96: {  	s31 =	simm.s32 $0x3100  }
0x97: {  	[tilespmem:s31], [sflag:$0x1] =	stream.indirect_vreg.gather [hbm4b:s6+s3], $0x80, v3, vm0, $0xb8;
	[tilespmem:$0x10100] =	vst v63  }
0x98: {  	_ = 	snop  }
0x99: {  	[tilespmem:s15], [sflag:$0x1] =	stream.indirect_vreg.gather [hbm4b:s7+s3], $0x80, v3, vm0, $0xb8;
	[tilespmem:$0x10100] =	vst v63  }
0x9a: {  	_ =	swait.ge [sflag:s28], $0x4000  }
0x9b: {  	[sflag:s28] =	ssyncset.done $0x0  }
0x9c: {  	[sflag:s28] =	ssyncadd.s32 $0xFFFFC000  }
0x9d: {  	v3 =	vld [tilespmem:s1+$0xFFFFFFE0];
	_ =	sdelay $0x4  }
0x9e: {  	v61 =	vshll.u32 v3, $0x3  }
0x9f: {  	v3 =	vand.u32 $0x7, v3;
	v4 =	vand.u32 $0xFFFFFFC0, v61  }
0xa0: {  	v3 =	vor.u32 v3, v4  }
0xa1: {  	v4 =	vperm.xlane v3, v0;
	_ =	sdelay $0x1  }
0xa2: {  	v4 =	vadd.s32 v1, v4;
	_ =	sdelay $0x4  }
0xa3: {  	[tilespmem:s10], [sflag:$0x2] =	stream.indirect_vreg.gather [hbm4b:s2+s3], $0x80, v4, vm0, $0xb8;
	[tilespmem:$0x10100] =	vst v63  }
0xa4: {  	v3 =	vperm.xlane v3, v2;
	s10 =	simm.s32 $0x4900  }
0xa5: {  	[tilespmem:s10], [sflag:$0x2] =	stream.indirect_vreg.gather [hbm4b:s5+s3], $0x80, v4, vm0, $0xb8;
	[tilespmem:$0x10100] =	vst v63  }
0xa6: {  	v3 =	vadd.s32 v1, v3  }
0xa7: {  	[tilespmem:s17], [sflag:$0x2] =	stream.indirect_vreg.gather [hbm4b:s6+s3], $0x80, v4, vm0, $0xb8;
	[tilespmem:$0x10100] =	vst v63  }
0xa8: {  	s10 =	simm.s32 $0x5900  }
0xa9: {  	[tilespmem:s10], [sflag:$0x2] =	stream.indirect_vreg.gather [hbm4b:s7+s3], $0x80, v4, vm0, $0xb8;
	[tilespmem:$0x10100] =	vst v63  }
0xaa: {  	_ = 	snop  }
0xab: {  	[tilespmem:s19], [sflag:$0x2] =	stream.indirect_vreg.gather [hbm4b:s2+s3], $0x80, v3, vm0, $0xb8;
	[tilespmem:$0x10100] =	vst v63  }
0xac: {  	s10 =	simm.s32 $0x6900  }
0xad: {  	[tilespmem:s10], [sflag:$0x2] =	stream.indirect_vreg.gather [hbm4b:s5+s3], $0x80, v3, vm0, $0xb8;
	[tilespmem:$0x10100] =	vst v63  }
0xae: {  	_ = 	snop  }
0xaf: {  	[tilespmem:s14], [sflag:$0x2] =	stream.indirect_vreg.gather [hbm4b:s6+s3], $0x80, v3, vm0, $0xb8;
	[tilespmem:$0x10100] =	vst v63  }
0xb0: {  	s10 =	simm.s32 $0x7900  }
0xb1: {  	[tilespmem:s10], [sflag:$0x2] =	stream.indirect_vreg.gather [hbm4b:s7+s3], $0x80, v3, vm0, $0xb8;
	[tilespmem:$0x10100] =	vst v63  }
0xb2: {  	_ =	swait.ge [sflag:s29], $0x4000  }
0xb3: {  	[sflag:s29] =	ssyncset.done $0x0  }
0xb4: {  	[sflag:s29] =	ssyncadd.s32 $0xFFFFC000  }
0xb5: {  	v3 =	vld [tilespmem:s1+$0xFFFFFFF0];
	_ =	sdelay $0x4  }
0xb6: {  	v62 =	vshll.u32 v3, $0x3  }
0xb7: {  	v3 =	vand.u32 $0x7, v3;
	v4 =	vand.u32 $0xFFFFFFC0, v62  }
0xb8: {  	v3 =	vor.u32 v3, v4  }
0xb9: {  	v4 =	vperm.xlane v3, v0;
	_ =	sdelay $0x1  }
0xba: {  	v4 =	vadd.s32 v1, v4;
	_ =	sdelay $0x4  }
0xbb: {  	[tilespmem:s13], [sflag:$0x3] =	stream.indirect_vreg.gather [hbm4b:s2+s3], $0x80, v4, vm0, $0xb8;
	[tilespmem:$0x10100] =	vst v63  }
0xbc: {  	v3 =	vperm.xlane v3, v2;
	s13 =	simm.s32 $0x8900  }
0xbd: {  	[tilespmem:s13], [sflag:$0x3] =	stream.indirect_vreg.gather [hbm4b:s5+s3], $0x80, v4, vm0, $0xb8;
	[tilespmem:$0x10100] =	vst v63  }
0xbe: {  	v3 =	vadd.s32 v1, v3;
	s13 =	simm.s32 $0x9100  }
0xbf: {  	[tilespmem:s13], [sflag:$0x3] =	stream.indirect_vreg.gather [hbm4b:s6+s3], $0x80, v4, vm0, $0xb8;
	[tilespmem:$0x10100] =	vst v63  }
0xc0: {  	s13 =	simm.s32 $0x9900  }
0xc1: {  	[tilespmem:s13], [sflag:$0x3] =	stream.indirect_vreg.gather [hbm4b:s7+s3], $0x80, v4, vm0, $0xb8;
	[tilespmem:$0x10100] =	vst v63  }
0xc2: {  	s13 =	simm.s32 $0xA100  }
0xc3: {  	[tilespmem:s13], [sflag:$0x3] =	stream.indirect_vreg.gather [hbm4b:s2+s3], $0x80, v3, vm0, $0xb8;
	[tilespmem:$0x10100] =	vst v63  }
0xc4: {  	s13 =	simm.s32 $0xA900  }
0xc5: {  	[tilespmem:s13], [sflag:$0x3] =	stream.indirect_vreg.gather [hbm4b:s5+s3], $0x80, v3, vm0, $0xb8;
	[tilespmem:$0x10100] =	vst v63  }
0xc6: {  	s13 =	simm.s32 $0xB100  }
0xc7: {  	[tilespmem:s13], [sflag:$0x3] =	stream.indirect_vreg.gather [hbm4b:s6+s3], $0x80, v3, vm0, $0xb8;
	[tilespmem:$0x10100] =	vst v63  }
0xc8: {  	s13 =	simm.s32 $0xB900  }
0xc9: {  	[tilespmem:s13], [sflag:$0x3] =	stream.indirect_vreg.gather [hbm4b:s7+s3], $0x80, v3, vm0, $0xb8;
	[tilespmem:$0x10100] =	vst v63  }
0xca: {  	_ =	swait.ge [sflag:s30], $0x4000  }
0xcb: {  	[sflag:s30] =	ssyncset.done $0x0  }
0xcc: {  	[sflag:s30] =	ssyncadd.s32 $0xFFFFC000  }
0xcd: {  	v3 =	vld [tilespmem:s1+$0x0];
	_ =	sdelay $0x4  }
0xce: {  	v63 =	vshll.u32 v3, $0x3  }
0xcf: {  	v3 =	vand.u32 $0x7, v3;
	v4 =	vand.u32 $0xFFFFFFC0, v63  }
0xd0: {  	v3 =	vor.u32 v3, v4  }
0xd1: {  	v4 =	vperm.xlane v3, v0;
	_ =	sdelay $0x1  }
0xd2: {  	v4 =	vadd.s32 v1, v4;
	_ =	sdelay $0x4  }
0xd3: {  	[tilespmem:s12], [sflag:$0x4] =	stream.indirect_vreg.gather [hbm4b:s2+s3], $0x80, v4, vm0, $0xb8;
	[tilespmem:$0x10100] =	vst v63  }
0xd4: {  	s13 =	simm.s32 $0xC900;
	v3 =	vperm.xlane v3, v2  }
0xd5: {  	[tilespmem:s13], [sflag:$0x4] =	stream.indirect_vreg.gather [hbm4b:s5+s3], $0x80, v4, vm0, $0xb8;
	[tilespmem:$0x10100] =	vst v63  }
0xd6: {  	v3 =	vadd.s32 v1, v3;
	s13 =	simm.s32 $0xD100  }
0xd7: {  	[tilespmem:s13], [sflag:$0x4] =	stream.indirect_vreg.gather [hbm4b:s6+s3], $0x80, v4, vm0, $0xb8;
	[tilespmem:$0x10100] =	vst v63  }
0xd8: {  	s13 =	simm.s32 $0xD900  }
0xd9: {  	[tilespmem:s13], [sflag:$0x4] =	stream.indirect_vreg.gather [hbm4b:s7+s3], $0x80, v4, vm0, $0xb8;
	[tilespmem:$0x10100] =	vst v63  }
0xda: {  	_ = 	snop  }
0xdb: {  	[tilespmem:s16], [sflag:$0x4] =	stream.indirect_vreg.gather [hbm4b:s2+s3], $0x80, v3, vm0, $0xb8;
	[tilespmem:$0x10100] =	vst v63  }
0xdc: {  	p0 =	sne.s32 s0, $0x4000  }
0xdd: {  	[tilespmem:s18], [sflag:$0x4] =	stream.indirect_vreg.gather [hbm4b:s5+s3], $0x80, v3, vm0, $0xb8;
	[tilespmem:$0x10100] =	vst v63  }
.Ltmp0:
0xde: {  	_ = 	snop;
	(pc) =	sbr.rel @p0 .LBB2_2-.Ltmp0, $4  }
0xdf: {  	s0 =	sadd.s32 $0x2000, s0;
	s22 =	simm.s32 $0x100  }
0xe0: {  	[tilespmem:s20], [sflag:$0x4] =	stream.indirect_vreg.gather [hbm4b:s6+s3], $0x80, v3, vm0, $0xb8;
	[tilespmem:$0x10100] =	vst v63  }
0xe1: {  	s31 =	simm.s32 $0x4100;
	s10 =	simm.s32 $0x8100;
	s1 =	sadd.s32 $0x40, s1  }
0xe2: {  	[tilespmem:s9], [sflag:$0x4] =	stream.indirect_vreg.gather [hbm4b:s7+s3], $0x80, v3, vm0, $0xb8;
	[tilespmem:$0x10100] =	vst v63  }
0xe3: {  	_ =	swait.ge [sflag:s21], $0x4000  }
0xe4: {  	[sflag:s21] =	ssyncset.done $0x0  }
0xe5: {  	s0 =	rddreg [dreg:$0x5];
	[sflag:s21] =	ssyncadd.s32 $0xFFFFC000  }
0xe6: {  	[hbm4b:s0+s3] =	stream.linear.scatter [tilespmem:s22], [sflag:$0x5], $0x4000, $0x38;
	[tilespmem:$0x10100] =	vst v63  }
0xe7: {  	_ =	swait.ge [sflag:s23], $0x4000  }
0xe8: {  	[sflag:s23] =	ssyncset.done $0x0  }
0xe9: {  	s17 =	rddreg [dreg:$0x6];
	[sflag:s23] =	ssyncadd.s32 $0xFFFFC000  }
0xea: {  	[hbm4b:s17+s3] =	stream.linear.scatter [tilespmem:s31], [sflag:$0x6], $0x4000, $0x38;
	[tilespmem:$0x10100] =	vst v63  }
0xeb: {  	_ =	swait.ge [sflag:s24], $0x4000  }
0xec: {  	[sflag:s24] =	ssyncset.done $0x0  }
0xed: {  	s18 =	rddreg [dreg:$0x7];
	[sflag:s24] =	ssyncadd.s32 $0xFFFFC000  }
0xee: {  	[hbm4b:s18+s3] =	stream.linear.scatter [tilespmem:s10], [sflag:$0x7], $0x4000, $0x38;
	[tilespmem:$0x10100] =	vst v63  }
0xef: {  	_ =	swait.ge [sflag:s25], $0x4000  }
0xf0: {  	[sflag:s25] =	ssyncset.done $0x0  }
0xf1: {  	s19 =	rddreg [dreg:$0x8];
	[sflag:s25] =	ssyncadd.s32 $0xFFFFC000  }
0xf2: {  	[hbm4b:s19+s3] =	stream.linear.scatter [tilespmem:s12], [sflag:$0x8], $0x4000, $0x38;
	[tilespmem:$0x10100] =	vst v63  }
0xf3: {  	_ =	swait.ge [sflag:s26], $0x4000  }
0xf4: {  	[sflag:s26] =	ssyncset.done $0x0  }
0xf5: {  	[sflag:s26] =	ssyncadd.s32 $0xFFFFC000  }
0xf6: {  	_ =	swait.ge [sflag:s28], $0x4000  }
0xf7: {  	[sflag:s28] =	ssyncset.done $0x0  }
0xf8: {  	[sflag:s28] =	ssyncadd.s32 $0xFFFFC000  }
0xf9: {  	_ =	swait.ge [sflag:s29], $0x4000  }
0xfa: {  	[sflag:s29] =	ssyncset.done $0x0  }
0xfb: {  	[sflag:s29] =	ssyncadd.s32 $0xFFFFC000  }
0xfc: {  	_ =	swait.ge [sflag:s30], $0x4000  }
0xfd: {  	s1 =	rddreg [dreg:$0xa]  }
0xfe: {  	s20 =	rddreg [dreg:$0x9];
	s1 =	sadd.s32 $0x1, s1  }
0xff: {  	p0 =	sne.s32 s1, s20  }
.Ltmp1:
0x100: {  	s9 =	simm.s32 $0x2100;
	s11 =	simm.s32 $0x3100;
	(pc) =	sbr.rel @p0 .LBB2_1-.Ltmp1, $4  }
0x101: {  	s13 =	simm.s32 $0x3900;
	s15 =	simm.s32 $0x4900;
	s16 =	simm.s32 $0x5100  }
0x102: {  	s14 =	simm.s32 $0x7100;
	s17 =	simm.s32 $0x5900;
	[sflag:s30] =	ssyncset.done $0x0  }
0x103: {  	s18 =	simm.s32 $0x6100;
	s19 =	simm.s32 $0x6900;
	[sflag:s30] =	ssyncadd.s32 $0xFFFFC000  }
0x104: {  	[dreg:$0xa] =	wrdreg s1;
	s1 =	simm.s32 $0x1900;
	s20 =	simm.s32 $0x2900  }
0x105: {  	_ =	sfence.sel $0x180000  }
0x106: {  	[bflag:$0x0] =	sbarrier.arrive $0xFFFF  }
0x107: {  	_ =	strace $0x90000050  }
0x108: {  	s0 =	stileid.u32;
	[bflag:$0x2] =	sbarrier.arrive $0xFFFF  }
0x109: {  	p0 =	sne.s32 s0, $0x0;
	s0 =	rddreg [dreg:$0x2]  }
0x10a: {  	s0 =	sadd.s32 @!p0 $0x100000, s0  }
0x10b: {  	[sflag:s0] =	ssyncadd.tile.s32 @!p0 $0x1;
	_ =	shalt  }
.Lfunc_end2:
_tile_overlayer_lowered:
.L_overlay_start_2:
0x10c: {  	(tag) =	ssettag $0x2  }
0x10d: {  	s0 =	rddreg [dreg:$0x0];
	s2 =	stileid.u32  }
0x10e: {  	s1 =	rddreg [dreg:$0x1];
	p0 =	sne.s32 s2, $0x0  }
0x10f: {  	s3 =	rddreg [dreg:$0x2];
	[bflag:$0x3] =	sbarrier.arrive $0xFFFF;
	s2 =	simm.s32 @!p0 $0x1C09  }
0x110: {  	[timem:s3], [sflag:s2] =	dma.local @!p0 [hbm:s0], s1  }
0x111: {  	s0 =	simm.s32 @!p0 $0x9  }
0x112: {  	_ =	swait.ge @!p0 [sflag:s0], s1  }
0x113: {  	s1 =	ssub.s32 @!p0 $0x0, s1;
	[sflag:s0] =	ssyncset.done @!p0 $0x0  }
0x114: {  	[sflag:s0] =	ssyncadd.s32 @!p0 s1  }
0x115: {  	[bflag:$0x3] =	sbarrier.arrive $0xFFFF  }
0x116: {  	_ =	shalt  }

</sc_bundles>
